<compile_context>
chip_gen: v7x
topology: tpu7x:2x2x1
jax: 0.10.2.dev20260603
libtpu: 0.0.44.dev20260713+nightly
codegen_flags: <defaults>
</compile_context>

<pallas_src>
import jax
import jax.numpy as jnp
from jax import lax
from jax.experimental import pallas as pl
from jax.experimental.pallas import tpu as pltpu
from jax.experimental.pallas import tpu_sc as plsc

NC, NS, L = 2, 16, 16
NW = NC * NS


def _make_upsample(M, C):
  rows_per_w = M // NW
  CHUNK = 128
  NBUF = 6
  LA = 3
  n_chunks = rows_per_w // CHUNK
  assert n_chunks >= 2 * NBUF
  mesh = plsc.VectorSubcoreMesh(
      core_axis_name="c", subcore_axis_name="s",
      num_cores=NC, num_subcores=NS)

  def body(data_hbm, cidx_hbm, out_hbm, idx_v, pidx_v,
           buf0, buf1, buf2, buf3, buf4, buf5,
           gsem0, gsem1, gsem2, gsem3, gsem4, gsem5,
           osem0, osem1, osem2, osem3, osem4, osem5):
    wid = lax.axis_index("s") * NC + lax.axis_index("c")
    base = wid * rows_per_w
    bufs = (buf0, buf1, buf2, buf3, buf4, buf5)
    gsems = (gsem0, gsem1, gsem2, gsem3, gsem4, gsem5)
    osems = (osem0, osem1, osem2, osem3, osem4, osem5)

    pltpu.sync_copy(cidx_hbm.at[pl.ds(base, rows_per_w)], idx_v)

    def shift(g):
      for j in range(CHUNK // L):
        o = g * CHUNK + j * L
        pidx_v[pl.ds(o, L)] = idx_v[pl.ds(o, L)] >> 3

    def gather(g, b):
      return pltpu.make_async_copy(
          data_hbm.at[pidx_v.at[pl.ds(g * CHUNK, CHUNK)]], bufs[b], gsems[b])

    def put(g, b):
      return pltpu.make_async_copy(
          bufs[b], out_hbm.at[pl.ds(base + g * CHUNK, CHUNK)], osems[b])

    def step(g, b, wait_put, start_la):
      if wait_put:
        put(g - (NBUF - LA), (b - (NBUF - LA)) % NBUF).wait()
      if start_la:
        shift(g + LA)
        gather(g + LA, (b + LA) % NBUF).start()
      gather(g, b).wait()
      put(g, b).start()

    for b in range(LA):
      shift(b)
      gather(b, b).start()
    n_steady = (n_chunks // NBUF) - 1
    for g in range(NBUF):
      step(g, g, g >= NBUF - LA, g + LA < n_chunks)

    def ring_body(t, carry):
      for b in range(NBUF):
        step(NBUF * t + b, b, True, True)
      return carry
    lax.fori_loop(1, n_steady, ring_body, 0)

    for g in range(n_steady * NBUF, n_chunks):
      step(g, g % NBUF, g >= NBUF - LA, g + LA < n_chunks)
    for g in range(n_chunks - (NBUF - LA), n_chunks):
      put(g, g % NBUF).wait()

  return pl.kernel(
      body,
      out_type=jax.ShapeDtypeStruct((M, C), jnp.float32),
      mesh=mesh,
      scratch_types=(
          [pltpu.VMEM((rows_per_w,), jnp.int32),
           pltpu.VMEM((rows_per_w,), jnp.int32)]
          + [pltpu.VMEM((CHUNK, C), jnp.float32)] * 6
          + [pltpu.SemaphoreType.DMA] * 12
      ),
  )


def kernel(data, child_idx, depth):
  del depth
  M, = child_idx.shape
  _, C = data.shape
  return _make_upsample(M, C)(data, child_idx)

# --- scband reference (transcript-rebuilt; emitter-appended) ---
"""Pipeline reference for scband-octree-upsample-18236431139443 (READ-ONLY COPY).

The authoritative reference and input builder live on the scoring server;
editing this copy changes nothing except your own understanding.
"""

import jax, jax.numpy as jnp
import numpy as np

N = 65536
C = 128
M = 262144

def setup_inputs(seed: int = 0) -> dict:
    key = jax.random.key(seed)
    k1, k2 = jax.random.split(key)
    data = jax.random.normal(k1, (N, C), dtype=jnp.float32)
    # indices of non-empty children among the 8*N candidate child slots (octree_depad at depth+1)
    child_idx = jnp.sort(jax.random.randint(k2, (M,), 0, 8 * N, dtype=jnp.int32))
    return {"data": data, "child_idx": child_idx, "depth": 5}

def reference(data, child_idx, depth):
    # OctreeUpsample with nempty=True:
    #   out = data.unsqueeze(1).repeat(1, 8, 1).flatten(end_dim=1)  -> repeat each parent feature 8x
    #   out = octree_depad(out, octree, depth + 1)                  -> gather rows of non-empty children
    out = jnp.repeat(data, 8, axis=0)          # [8*N, C], nearest-neighbor upsample to child slots
    out = jnp.take(out, child_idx, axis=0)     # [M, C], keep only non-empty children (depad)
    return out

if __name__ == "__main__":
    import jax
    _d = setup_inputs()
    print(jax.jit(kernel)(*tuple(_d.values())))

</pallas_src>

<mosaic_0001>
#map = affine_map<(d0, d1) -> (0, 0)>
#map1 = affine_map<(d0, d1) -> (0)>
module attributes {stable_mosaic.version = 14 : i64} {
  func.func @body(%arg0: i32, %arg1: i32, %arg2: memref<65536x128xf32, #tpu.memory_space<hbm>>, %arg3: memref<262144xi32, #tpu.memory_space<hbm>>, %arg4: memref<262144x128xf32, #tpu.memory_space<hbm>>, %arg5: memref<8192xi32, #tpu.memory_space<vmem>>, %arg6: memref<8192xi32, #tpu.memory_space<vmem>>, %arg7: memref<128x128xf32, #tpu.memory_space<vmem>>, %arg8: memref<128x128xf32, #tpu.memory_space<vmem>>, %arg9: memref<128x128xf32, #tpu.memory_space<vmem>>, %arg10: memref<128x128xf32, #tpu.memory_space<vmem>>, %arg11: memref<128x128xf32, #tpu.memory_space<vmem>>, %arg12: memref<128x128xf32, #tpu.memory_space<vmem>>, %arg13: memref<!tpu.dma_semaphore, #tpu.memory_space<semaphore_mem>>, %arg14: memref<!tpu.dma_semaphore, #tpu.memory_space<semaphore_mem>>, %arg15: memref<!tpu.dma_semaphore, #tpu.memory_space<semaphore_mem>>, %arg16: memref<!tpu.dma_semaphore, #tpu.memory_space<semaphore_mem>>, %arg17: memref<!tpu.dma_semaphore, #tpu.memory_space<semaphore_mem>>, %arg18: memref<!tpu.dma_semaphore, #tpu.memory_space<semaphore_mem>>, %arg19: memref<!tpu.dma_semaphore, #tpu.memory_space<semaphore_mem>>, %arg20: memref<!tpu.dma_semaphore, #tpu.memory_space<semaphore_mem>>, %arg21: memref<!tpu.dma_semaphore, #tpu.memory_space<semaphore_mem>>, %arg22: memref<!tpu.dma_semaphore, #tpu.memory_space<semaphore_mem>>, %arg23: memref<!tpu.dma_semaphore, #tpu.memory_space<semaphore_mem>>, %arg24: memref<!tpu.dma_semaphore, #tpu.memory_space<semaphore_mem>>) attributes {dimension_semantics = [#tpu.dimension_semantics<core_parallel>, #tpu.dimension_semantics<subcore_parallel>], iteration_bounds = array<i64: 2, 16>, scalar_prefetch = 0 : i64, scratch_operands = 20 : i64, tpu.core_type = #tpu.core_type<sc_vector_subcore>, window_params = [{transform_indices = #map}, {transform_indices = #map1}, {transform_indices = #map}]} {
    %mul3A = arith.constant 2 : i32
    %mul3A_0 = arith.muli %arg1, %mul3A : i32
    %add3A = arith.addi %mul3A_0, %arg0 : i32
    %mul3A_1 = arith.constant 8192 : i32
    %mul3A_2 = arith.muli %add3A, %mul3A_1 : i32
    "tpu.region"() ({
      %run_scoped3A = tpu.sem_alloc : memref<!tpu.dma_semaphore, #tpu.memory_space<semaphore_mem>>
      %dma_start3A_1635 = tpu.memref_slice %arg3[%mul3A_2] : memref<262144xi32, #tpu.memory_space<hbm>> -> memref<8192xi32, #tpu.memory_space<hbm>>
      %dma_start3A_1636 = tpu.memref_slice %arg3[%mul3A_2] : memref<262144xi32, #tpu.memory_space<hbm>> -> memref<8192xi32, #tpu.memory_space<hbm>>
      tpu.enqueue_dma source(%dma_start3A_1636 : memref<8192xi32, #tpu.memory_space<hbm>>) target(%arg5 : memref<8192xi32, #tpu.memory_space<vmem>>) target_semaphore(%run_scoped3A : memref<!tpu.dma_semaphore, #tpu.memory_space<semaphore_mem>>)
      %dma_wait3A_1637 = tpu.memref_slice %arg3[%mul3A_2] : memref<262144xi32, #tpu.memory_space<hbm>> -> memref<8192xi32, #tpu.memory_space<hbm>>
      %dma_wait3A_1638 = tpu.memref_slice %arg3[%mul3A_2] : memref<262144xi32, #tpu.memory_space<hbm>> -> memref<8192xi32, #tpu.memory_space<hbm>>
      tpu.wait_dma2 semaphore(%run_scoped3A : memref<!tpu.dma_semaphore, #tpu.memory_space<semaphore_mem>>) src(%dma_wait3A_1638 : memref<8192xi32, #tpu.memory_space<hbm>>) dst(%arg5 : memref<8192xi32, #tpu.memory_space<vmem>>)
      tpu.yield
    }) : () -> ()
    %get3A = arith.constant 0 : index
    %get3A_3 = tpu.vector_load %arg5[%get3A] {strides = array<i32>} : memref<8192xi32, #tpu.memory_space<vmem>>, vector<16xi32>,
    %get3A_4 = vector.shape_cast %get3A_3 : vector<16xi32> to vector<16xi32>
    %shift_right_arithmetic3A = arith.constant 3 : i32
    %shift_right_arithmetic3A_5 = vector.broadcast %shift_right_arithmetic3A : i32 to vector<16xi32>
    %shift_right_arithmetic3A_6 = arith.shrsi %get3A_4, %shift_right_arithmetic3A_5 : vector<16xi32>
    %swap3A = arith.constant 0 : index
    %swap3A_7 = tpu.vector_load %arg6[%swap3A] {strides = array<i32>} : memref<8192xi32, #tpu.memory_space<vmem>>, vector<16xi32>,
    %swap3A_8 = vector.shape_cast %swap3A_7 : vector<16xi32> to vector<16xi32>
    %swap3A_9 = vector.shape_cast %shift_right_arithmetic3A_6 : vector<16xi32> to vector<16xi32>
    tpu.vector_store %arg6[%swap3A], %swap3A_9 {strides = array<i32>} : memref<8192xi32, #tpu.memory_space<vmem>>, vector<16xi32>,
    %get3A_10 = arith.constant 16 : index
    %get3A_11 = tpu.vector_load %arg5[%get3A_10] {strides = array<i32>} : memref<8192xi32, #tpu.memory_space<vmem>>, vector<16xi32>,
    %get3A_12 = vector.shape_cast %get3A_11 : vector<16xi32> to vector<16xi32>
    %shift_right_arithmetic3A_13 = arith.constant 3 : i32
    %shift_right_arithmetic3A_14 = vector.broadcast %shift_right_arithmetic3A_13 : i32 to vector<16xi32>
    %shift_right_arithmetic3A_15 = arith.shrsi %get3A_12, %shift_right_arithmetic3A_14 : vector<16xi32>
    %swap3A_16 = arith.constant 16 : index
    %swap3A_17 = tpu.vector_load %arg6[%swap3A_16] {strides = array<i32>} : memref<8192xi32, #tpu.memory_space<vmem>>, vector<16xi32>,
    %swap3A_18 = vector.shape_cast %swap3A_17 : vector<16xi32> to vector<16xi32>
    %swap3A_19 = vector.shape_cast %shift_right_arithmetic3A_15 : vector<16xi32> to vector<16xi32>
    tpu.vector_store %arg6[%swap3A_16], %swap3A_19 {strides = array<i32>} : memref<8192xi32, #tpu.memory_space<vmem>>, vector<16xi32>,
    %get3A_20 = arith.constant 32 : index
    %get3A_21 = tpu.vector_load %arg5[%get3A_20] {strides = array<i32>} : memref<8192xi32, #tpu.memory_space<vmem>>, vector<16xi32>,
    %get3A_22 = vector.shape_cast %get3A_21 : vector<16xi32> to vector<16xi32>
    %shift_right_arithmetic3A_23 = arith.constant 3 : i32
    %shift_right_arithmetic3A_24 = vector.broadcast %shift_right_arithmetic3A_23 : i32 to vector<16xi32>
    %shift_right_arithmetic3A_25 = arith.shrsi %get3A_22, %shift_right_arithmetic3A_24 : vector<16xi32>
    %swap3A_26 = arith.constant 32 : index
    %swap3A_27 = tpu.vector_load %arg6[%swap3A_26] {strides = array<i32>} : memref<8192xi32, #tpu.memory_space<vmem>>, vector<16xi32>,
    %swap3A_28 = vector.shape_cast %swap3A_27 : vector<16xi32> to vector<16xi32>
    %swap3A_29 = vector.shape_cast %shift_right_arithmetic3A_25 : vector<16xi32> to vector<16xi32>
    tpu.vector_store %arg6[%swap3A_26], %swap3A_29 {strides = array<i32>} : memref<8192xi32, #tpu.memory_space<vmem>>, vector<16xi32>,
    %get3A_30 = arith.constant 48 : index
    %get3A_31 = tpu.vector_load %arg5[%get3A_30] {strides = array<i32>} : memref<8192xi32, #tpu.memory_space<vmem>>, vector<16xi32>,
    %get3A_32 = vector.shape_cast %get3A_31 : vector<16xi32> to vector<16xi32>
    %shift_right_arithmetic3A_33 = arith.constant 3 : i32
    %shift_right_arithmetic3A_34 = vector.broadcast %shift_right_arithmetic3A_33 : i32 to vector<16xi32>
    %shift_right_arithmetic3A_35 = arith.shrsi %get3A_32, %shift_right_arithmetic3A_34 : vector<16xi32>
    %swap3A_36 = arith.constant 48 : index
    %swap3A_37 = tpu.vector_load %arg6[%swap3A_36] {strides = array<i32>} : memref<8192xi32, #tpu.memory_space<vmem>>, vector<16xi32>,
    %swap3A_38 = vector.shape_cast %swap3A_37 : vector<16xi32> to vector<16xi32>
    %swap3A_39 = vector.shape_cast %shift_right_arithmetic3A_35 : vector<16xi32> to vector<16xi32>
    tpu.vector_store %arg6[%swap3A_36], %swap3A_39 {strides = array<i32>} : memref<8192xi32, #tpu.memory_space<vmem>>, vector<16xi32>,
    %get3A_40 = arith.constant 64 : index
    %get3A_41 = tpu.vector_load %arg5[%get3A_40] {strides = array<i32>} : memref<8192xi32, #tpu.memory_space<vmem>>, vector<16xi32>,
    %get3A_42 = vector.shape_cast %get3A_41 : vector<16xi32> to vector<16xi32>
    %shift_right_arithmetic3A_43 = arith.constant 3 : i32
    %shift_right_arithmetic3A_44 = vector.broadcast %shift_right_arithmetic3A_43 : i32 to vector<16xi32>
    %shift_right_arithmetic3A_45 = arith.shrsi %get3A_42, %shift_right_arithmetic3A_44 : vector<16xi32>
    %swap3A_46 = arith.constant 64 : index
    %swap3A_47 = tpu.vector_load %arg6[%swap3A_46] {strides = array<i32>} : memref<8192xi32, #tpu.memory_space<vmem>>, vector<16xi32>,
    %swap3A_48 = vector.shape_cast %swap3A_47 : vector<16xi32> to vector<16xi32>
    %swap3A_49 = vector.shape_cast %shift_right_arithmetic3A_45 : vector<16xi32> to vector<16xi32>
    tpu.vector_store %arg6[%swap3A_46], %swap3A_49 {strides = array<i32>} : memref<8192xi32, #tpu.memory_space<vmem>>, vector<16xi32>,
    %get3A_50 = arith.constant 80 : index
    %get3A_51 = tpu.vector_load %arg5[%get3A_50] {strides = array<i32>} : memref<8192xi32, #tpu.memory_space<vmem>>, vector<16xi32>,
    %get3A_52 = vector.shape_cast %get3A_51 : vector<16xi32> to vector<16xi32>
    %shift_right_arithmetic3A_53 = arith.constant 3 : i32
    %shift_right_arithmetic3A_54 = vector.broadcast %shift_right_arithmetic3A_53 : i32 to vector<16xi32>
    %shift_right_arithmetic3A_55 = arith.shrsi %get3A_52, %shift_right_arithmetic3A_54 : vector<16xi32>
    %swap3A_56 = arith.constant 80 : index
    %swap3A_57 = tpu.vector_load %arg6[%swap3A_56] {strides = array<i32>} : memref<8192xi32, #tpu.memory_space<vmem>>, vector<16xi32>,
    %swap3A_58 = vector.shape_cast %swap3A_57 : vector<16xi32> to vector<16xi32>
    %swap3A_59 = vector.shape_cast %shift_right_arithmetic3A_55 : vector<16xi32> to vector<16xi32>
    tpu.vector_store %arg6[%swap3A_56], %swap3A_59 {strides = array<i32>} : memref<8192xi32, #tpu.memory_space<vmem>>, vector<16xi32>,
    %get3A_60 = arith.constant 96 : index
    %get3A_61 = tpu.vector_load %arg5[%get3A_60] {strides = array<i32>} : memref<8192xi32, #tpu.memory_space<vmem>>, vector<16xi32>,
    %get3A_62 = vector.shape_cast %get3A_61 : vector<16xi32> to vector<16xi32>
    %shift_right_arithmetic3A_63 = arith.constant 3 : i32
    %shift_right_arithmetic3A_64 = vector.broadcast %shift_right_arithmetic3A_63 : i32 to vector<16xi32>
    %shift_right_arithmetic3A_65 = arith.shrsi %get3A_62, %shift_right_arithmetic3A_64 : vector<16xi32>
    %swap3A_66 = arith.constant 96 : index
    %swap3A_67 = tpu.vector_load %arg6[%swap3A_66] {strides = array<i32>} : memref<8192xi32, #tpu.memory_space<vmem>>, vector<16xi32>,
    %swap3A_68 = vector.shape_cast %swap3A_67 : vector<16xi32> to vector<16xi32>
    %swap3A_69 = vector.shape_cast %shift_right_arithmetic3A_65 : vector<16xi32> to vector<16xi32>
    tpu.vector_store %arg6[%swap3A_66], %swap3A_69 {strides = array<i32>} : memref<8192xi32, #tpu.memory_space<vmem>>, vector<16xi32>,
    %get3A_70 = arith.constant 112 : index
    %get3A_71 = tpu.vector_load %arg5[%get3A_70] {strides = array<i32>} : memref<8192xi32, #tpu.memory_space<vmem>>, vector<16xi32>,
    %get3A_72 = vector.shape_cast %get3A_71 : vector<16xi32> to vector<16xi32>
    %shift_right_arithmetic3A_73 = arith.constant 3 : i32
    %shift_right_arithmetic3A_74 = vector.broadcast %shift_right_arithmetic3A_73 : i32 to vector<16xi32>
    %shift_right_arithmetic3A_75 = arith.shrsi %get3A_72, %shift_right_arithmetic3A_74 : vector<16xi32>
    %swap3A_76 = arith.constant 112 : index
    %swap3A_77 = tpu.vector_load %arg6[%swap3A_76] {strides = array<i32>} : memref<8192xi32, #tpu.memory_space<vmem>>, vector<16xi32>,
    %swap3A_78 = vector.shape_cast %swap3A_77 : vector<16xi32> to vector<16xi32>
    %swap3A_79 = vector.shape_cast %shift_right_arithmetic3A_75 : vector<16xi32> to vector<16xi32>
    tpu.vector_store %arg6[%swap3A_76], %swap3A_79 {strides = array<i32>} : memref<8192xi32, #tpu.memory_space<vmem>>, vector<16xi32>,
    %dma_start3A = arith.constant 0 : i32
    %dma_start3A_80 = tpu.memref_slice %arg6[%dma_start3A] : memref<8192xi32, #tpu.memory_space<vmem>> -> memref<128xi32, #tpu.memory_space<vmem>>
    %dma_start3A_81 = arith.constant 0 : i32
    %dma_start3A_82 = arith.constant 0 : i32
    %dma_start3A_83 = tpu.memref_slice %arg2[%dma_start3A_81, %dma_start3A_82] : memref<65536x128xf32, #tpu.memory_space<hbm>> -> memref<65536x128xf32, #tpu.memory_space<hbm>>
    tpu.enqueue_indirect_dma source(%dma_start3A_83 : memref<65536x128xf32, #tpu.memory_space<hbm>>) target(%arg7 : memref<128x128xf32, #tpu.memory_space<vmem>>) offsets(%dma_start3A_80 : memref<128xi32, #tpu.memory_space<vmem>>) semaphore(%arg13 : memref<!tpu.dma_semaphore, #tpu.memory_space<semaphore_mem>>)
    %get3A_84 = arith.constant 128 : index
    %get3A_85 = tpu.vector_load %arg5[%get3A_84] {strides = array<i32>} : memref<8192xi32, #tpu.memory_space<vmem>>, vector<16xi32>,
    %get3A_86 = vector.shape_cast %get3A_85 : vector<16xi32> to vector<16xi32>
    %shift_right_arithmetic3A_87 = arith.constant 3 : i32
    %shift_right_arithmetic3A_88 = vector.broadcast %shift_right_arithmetic3A_87 : i32 to vector<16xi32>
    %shift_right_arithmetic3A_89 = arith.shrsi %get3A_86, %shift_right_arithmetic3A_88 : vector<16xi32>
    %swap3A_90 = arith.constant 128 : index
    %swap3A_91 = tpu.vector_load %arg6[%swap3A_90] {strides = array<i32>} : memref<8192xi32, #tpu.memory_space<vmem>>, vector<16xi32>,
    %swap3A_92 = vector.shape_cast %swap3A_91 : vector<16xi32> to vector<16xi32>
    %swap3A_93 = vector.shape_cast %shift_right_arithmetic3A_89 : vector<16xi32> to vector<16xi32>
    tpu.vector_store %arg6[%swap3A_90], %swap3A_93 {strides = array<i32>} : memref<8192xi32, #tpu.memory_space<vmem>>, vector<16xi32>,
    %get3A_94 = arith.constant 144 : index
    %get3A_95 = tpu.vector_load %arg5[%get3A_94] {strides = array<i32>} : memref<8192xi32, #tpu.memory_space<vmem>>, vector<16xi32>,
    %get3A_96 = vector.shape_cast %get3A_95 : vector<16xi32> to vector<16xi32>
    %shift_right_arithmetic3A_97 = arith.constant 3 : i32
    %shift_right_arithmetic3A_98 = vector.broadcast %shift_right_arithmetic3A_97 : i32 to vector<16xi32>
    %shift_right_arithmetic3A_99 = arith.shrsi %get3A_96, %shift_right_arithmetic3A_98 : vector<16xi32>
    %swap3A_100 = arith.constant 144 : index
    %swap3A_101 = tpu.vector_load %arg6[%swap3A_100] {strides = array<i32>} : memref<8192xi32, #tpu.memory_space<vmem>>, vector<16xi32>,
    %swap3A_102 = vector.shape_cast %swap3A_101 : vector<16xi32> to vector<16xi32>
    %swap3A_103 = vector.shape_cast %shift_right_arithmetic3A_99 : vector<16xi32> to vector<16xi32>
    tpu.vector_store %arg6[%swap3A_100], %swap3A_103 {strides = array<i32>} : memref<8192xi32, #tpu.memory_space<vmem>>, vector<16xi32>,
    %get3A_104 = arith.constant 160 : index
    %get3A_105 = tpu.vector_load %arg5[%get3A_104] {strides = array<i32>} : memref<8192xi32, #tpu.memory_space<vmem>>, vector<16xi32>,
    %get3A_106 = vector.shape_cast %get3A_105 : vector<16xi32> to vector<16xi32>
    %shift_right_arithmetic3A_107 = arith.constant 3 : i32
    %shift_right_arithmetic3A_108 = vector.broadcast %shift_right_arithmetic3A_107 : i32 to vector<16xi32>
    %shift_right_arithmetic3A_109 = arith.shrsi %get3A_106, %shift_right_arithmetic3A_108 : vector<16xi32>
    %swap3A_110 = arith.constant 160 : index
    %swap3A_111 = tpu.vector_load %arg6[%swap3A_110] {strides = array<i32>} : memref<8192xi32, #tpu.memory_space<vmem>>, vector<16xi32>,
    %swap3A_112 = vector.shape_cast %swap3A_111 : vector<16xi32> to vector<16xi32>
    %swap3A_113 = vector.shape_cast %shift_right_arithmetic3A_109 : vector<16xi32> to vector<16xi32>
    tpu.vector_store %arg6[%swap3A_110], %swap3A_113 {strides = array<i32>} : memref<8192xi32, #tpu.memory_space<vmem>>, vector<16xi32>,
    %get3A_114 = arith.constant 176 : index
    %get3A_115 = tpu.vector_load %arg5[%get3A_114] {strides = array<i32>} : memref<8192xi32, #tpu.memory_space<vmem>>, vector<16xi32>,
    %get3A_116 = vector.shape_cast %get3A_115 : vector<16xi32> to vector<16xi32>
    %shift_right_arithmetic3A_117 = arith.constant 3 : i32
    %shift_right_arithmetic3A_118 = vector.broadcast %shift_right_arithmetic3A_117 : i32 to vector<16xi32>
    %shift_right_arithmetic3A_119 = arith.shrsi %get3A_116, %shift_right_arithmetic3A_118 : vector<16xi32>
    %swap3A_120 = arith.constant 176 : index
    %swap3A_121 = tpu.vector_load %arg6[%swap3A_120] {strides = array<i32>} : memref<8192xi32, #tpu.memory_space<vmem>>, vector<16xi32>,
    %swap3A_122 = vector.shape_cast %swap3A_121 : vector<16xi32> to vector<16xi32>
    %swap3A_123 = vector.shape_cast %shift_right_arithmetic3A_119 : vector<16xi32> to vector<16xi32>
    tpu.vector_store %arg6[%swap3A_120], %swap3A_123 {strides = array<i32>} : memref<8192xi32, #tpu.memory_space<vmem>>, vector<16xi32>,
    %get3A_124 = arith.constant 192 : index
    %get3A_125 = tpu.vector_load %arg5[%get3A_124] {strides = array<i32>} : memref<8192xi32, #tpu.memory_space<vmem>>, vector<16xi32>,
    %get3A_126 = vector.shape_cast %get3A_125 : vector<16xi32> to vector<16xi32>
    %shift_right_arithmetic3A_127 = arith.constant 3 : i32
    %shift_right_arithmetic3A_128 = vector.broadcast %shift_right_arithmetic3A_127 : i32 to vector<16xi32>
    %shift_right_arithmetic3A_129 = arith.shrsi %get3A_126, %shift_right_arithmetic3A_128 : vector<16xi32>
    %swap3A_130 = arith.constant 192 : index
    %swap3A_131 = tpu.vector_load %arg6[%swap3A_130] {strides = array<i32>} : memref<8192xi32, #tpu.memory_space<vmem>>, vector<16xi32>,
    %swap3A_132 = vector.shape_cast %swap3A_131 : vector<16xi32> to vector<16xi32>
    %swap3A_133 = vector.shape_cast %shift_right_arithmetic3A_129 : vector<16xi32> to vector<16xi32>
    tpu.vector_store %arg6[%swap3A_130], %swap3A_133 {strides = array<i32>} : memref<8192xi32, #tpu.memory_space<vmem>>, vector<16xi32>,
    %get3A_134 = arith.constant 208 : index
    %get3A_135 = tpu.vector_load %arg5[%get3A_134] {strides = array<i32>} : memref<8192xi32, #tpu.memory_space<vmem>>, vector<16xi32>,
    %get3A_136 = vector.shape_cast %get3A_135 : vector<16xi32> to vector<16xi32>
    %shift_right_arithmetic3A_137 = arith.constant 3 : i32
    %shift_right_arithmetic3A_138 = vector.broadcast %shift_right_arithmetic3A_137 : i32 to vector<16xi32>
    %shift_right_arithmetic3A_139 = arith.shrsi %get3A_136, %shift_right_arithmetic3A_138 : vector<16xi32>
    %swap3A_140 = arith.constant 208 : index
    %swap3A_141 = tpu.vector_load %arg6[%swap3A_140] {strides = array<i32>} : memref<8192xi32, #tpu.memory_space<vmem>>, vector<16xi32>,
    %swap3A_142 = vector.shape_cast %swap3A_141 : vector<16xi32> to vector<16xi32>
    %swap3A_143 = vector.shape_cast %shift_right_arithmetic3A_139 : vector<16xi32> to vector<16xi32>
    tpu.vector_store %arg6[%swap3A_140], %swap3A_143 {strides = array<i32>} : memref<8192xi32, #tpu.memory_space<vmem>>, vector<16xi32>,
    %get3A_144 = arith.constant 224 : index
    %get3A_145 = tpu.vector_load %arg5[%get3A_144] {strides = array<i32>} : memref<8192xi32, #tpu.memory_space<vmem>>, vector<16xi32>,
    %get3A_146 = vector.shape_cast %get3A_145 : vector<16xi32> to vector<16xi32>
    %shift_right_arithmetic3A_147 = arith.constant 3 : i32
    %shift_right_arithmetic3A_148 = vector.broadcast %shift_right_arithmetic3A_147 : i32 to vector<16xi32>
    %shift_right_arithmetic3A_149 = arith.shrsi %get3A_146, %shift_right_arithmetic3A_148 : vector<16xi32>
    %swap3A_150 = arith.constant 224 : index
    %swap3A_151 = tpu.vector_load %arg6[%swap3A_150] {strides = array<i32>} : memref<8192xi32, #tpu.memory_space<vmem>>, vector<16xi32>,
    %swap3A_152 = vector.shape_cast %swap3A_151 : vector<16xi32> to vector<16xi32>
    %swap3A_153 = vector.shape_cast %shift_right_arithmetic3A_149 : vector<16xi32> to vector<16xi32>
    tpu.vector_store %arg6[%swap3A_150], %swap3A_153 {strides = array<i32>} : memref<8192xi32, #tpu.memory_space<vmem>>, vector<16xi32>,
    %get3A_154 = arith.constant 240 : index
    %get3A_155 = tpu.vector_load %arg5[%get3A_154] {strides = array<i32>} : memref<8192xi32, #tpu.memory_space<vmem>>, vector<16xi32>,
    %get3A_156 = vector.shape_cast %get3A_155 : vector<16xi32> to vector<16xi32>
    %shift_right_arithmetic3A_157 = arith.constant 3 : i32
    %shift_right_arithmetic3A_158 = vector.broadcast %shift_right_arithmetic3A_157 : i32 to vector<16xi32>
    %shift_right_arithmetic3A_159 = arith.shrsi %get3A_156, %shift_right_arithmetic3A_158 : vector<16xi32>
    %swap3A_160 = arith.constant 240 : index
    %swap3A_161 = tpu.vector_load %arg6[%swap3A_160] {strides = array<i32>} : memref<8192xi32, #tpu.memory_space<vmem>>, vector<16xi32>,
    %swap3A_162 = vector.shape_cast %swap3A_161 : vector<16xi32> to vector<16xi32>
    %swap3A_163 = vector.shape_cast %shift_right_arithmetic3A_159 : vector<16xi32> to vector<16xi32>
    tpu.vector_store %arg6[%swap3A_160], %swap3A_163 {strides = array<i32>} : memref<8192xi32, #tpu.memory_space<vmem>>, vector<16xi32>,
    %dma_start3A_164 = arith.constant 128 : i32
    %dma_start3A_165 = tpu.memref_slice %arg6[%dma_start3A_164] : memref<8192xi32, #tpu.memory_space<vmem>> -> memref<128xi32, #tpu.memory_space<vmem>>
    %dma_start3A_166 = arith.constant 0 : i32
    %dma_start3A_167 = arith.constant 0 : i32
    %dma_start3A_168 = tpu.memref_slice %arg2[%dma_start3A_166, %dma_start3A_167] : memref<65536x128xf32, #tpu.memory_space<hbm>> -> memref<65536x128xf32, #tpu.memory_space<hbm>>
    tpu.enqueue_indirect_dma source(%dma_start3A_168 : memref<65536x128xf32, #tpu.memory_space<hbm>>) target(%arg8 : memref<128x128xf32, #tpu.memory_space<vmem>>) offsets(%dma_start3A_165 : memref<128xi32, #tpu.memory_space<vmem>>) semaphore(%arg14 : memref<!tpu.dma_semaphore, #tpu.memory_space<semaphore_mem>>)
    %get3A_169 = arith.constant 256 : index
    %get3A_170 = tpu.vector_load %arg5[%get3A_169] {strides = array<i32>} : memref<8192xi32, #tpu.memory_space<vmem>>, vector<16xi32>,
    %get3A_171 = vector.shape_cast %get3A_170 : vector<16xi32> to vector<16xi32>
    %shift_right_arithmetic3A_172 = arith.constant 3 : i32
    %shift_right_arithmetic3A_173 = vector.broadcast %shift_right_arithmetic3A_172 : i32 to vector<16xi32>
    %shift_right_arithmetic3A_174 = arith.shrsi %get3A_171, %shift_right_arithmetic3A_173 : vector<16xi32>
    %swap3A_175 = arith.constant 256 : index
    %swap3A_176 = tpu.vector_load %arg6[%swap3A_175] {strides = array<i32>} : memref<8192xi32, #tpu.memory_space<vmem>>, vector<16xi32>,
    %swap3A_177 = vector.shape_cast %swap3A_176 : vector<16xi32> to vector<16xi32>
    %swap3A_178 = vector.shape_cast %shift_right_arithmetic3A_174 : vector<16xi32> to vector<16xi32>
    tpu.vector_store %arg6[%swap3A_175], %swap3A_178 {strides = array<i32>} : memref<8192xi32, #tpu.memory_space<vmem>>, vector<16xi32>,
    %get3A_179 = arith.constant 272 : index
    %get3A_180 = tpu.vector_load %arg5[%get3A_179] {strides = array<i32>} : memref<8192xi32, #tpu.memory_space<vmem>>, vector<16xi32>,
    %get3A_181 = vector.shape_cast %get3A_180 : vector<16xi32> to vector<16xi32>
    %shift_right_arithmetic3A_182 = arith.constant 3 : i32
    %shift_right_arithmetic3A_183 = vector.broadcast %shift_right_arithmetic3A_182 : i32 to vector<16xi32>
    %shift_right_arithmetic3A_184 = arith.shrsi %get3A_181, %shift_right_arithmetic3A_183 : vector<16xi32>
    %swap3A_185 = arith.constant 272 : index
    %swap3A_186 = tpu.vector_load %arg6[%swap3A_185] {strides = array<i32>} : memref<8192xi32, #tpu.memory_space<vmem>>, vector<16xi32>,
    %swap3A_187 = vector.shape_cast %swap3A_186 : vector<16xi32> to vector<16xi32>
    %swap3A_188 = vector.shape_cast %shift_right_arithmetic3A_184 : vector<16xi32> to vector<16xi32>
    tpu.vector_store %arg6[%swap3A_185], %swap3A_188 {strides = array<i32>} : memref<8192xi32, #tpu.memory_space<vmem>>, vector<16xi32>,
    %get3A_189 = arith.constant 288 : index
    %get3A_190 = tpu.vector_load %arg5[%get3A_189] {strides = array<i32>} : memref<8192xi32, #tpu.memory_space<vmem>>, vector<16xi32>,
    %get3A_191 = vector.shape_cast %get3A_190 : vector<16xi32> to vector<16xi32>
    %shift_right_arithmetic3A_192 = arith.constant 3 : i32
    %shift_right_arithmetic3A_193 = vector.broadcast %shift_right_arithmetic3A_192 : i32 to vector<16xi32>
    %shift_right_arithmetic3A_194 = arith.shrsi %get3A_191, %shift_right_arithmetic3A_193 : vector<16xi32>
    %swap3A_195 = arith.constant 288 : index
    %swap3A_196 = tpu.vector_load %arg6[%swap3A_195] {strides = array<i32>} : memref<8192xi32, #tpu.memory_space<vmem>>, vector<16xi32>,
    %swap3A_197 = vector.shape_cast %swap3A_196 : vector<16xi32> to vector<16xi32>
    %swap3A_198 = vector.shape_cast %shift_right_arithmetic3A_194 : vector<16xi32> to vector<16xi32>
    tpu.vector_store %arg6[%swap3A_195], %swap3A_198 {strides = array<i32>} : memref<8192xi32, #tpu.memory_space<vmem>>, vector<16xi32>,
    %get3A_199 = arith.constant 304 : index
    %get3A_200 = tpu.vector_load %arg5[%get3A_199] {strides = array<i32>} : memref<8192xi32, #tpu.memory_space<vmem>>, vector<16xi32>,
    %get3A_201 = vector.shape_cast %get3A_200 : vector<16xi32> to vector<16xi32>
    %shift_right_arithmetic3A_202 = arith.constant 3 : i32
    %shift_right_arithmetic3A_203 = vector.broadcast %shift_right_arithmetic3A_202 : i32 to vector<16xi32>
    %shift_right_arithmetic3A_204 = arith.shrsi %get3A_201, %shift_right_arithmetic3A_203 : vector<16xi32>
    %swap3A_205 = arith.constant 304 : index
    %swap3A_206 = tpu.vector_load %arg6[%swap3A_205] {strides = array<i32>} : memref<8192xi32, #tpu.memory_space<vmem>>, vector<16xi32>,
    %swap3A_207 = vector.shape_cast %swap3A_206 : vector<16xi32> to vector<16xi32>
    %swap3A_208 = vector.shape_cast %shift_right_arithmetic3A_204 : vector<16xi32> to vector<16xi32>
    tpu.vector_store %arg6[%swap3A_205], %swap3A_208 {strides = array<i32>} : memref<8192xi32, #tpu.memory_space<vmem>>, vector<16xi32>,
    %get3A_209 = arith.constant 320 : index
    %get3A_210 = tpu.vector_load %arg5[%get3A_209] {strides = array<i32>} : memref<8192xi32, #tpu.memory_space<vmem>>, vector<16xi32>,
    %get3A_211 = vector.shape_cast %get3A_210 : vector<16xi32> to vector<16xi32>
    %shift_right_arithmetic3A_212 = arith.constant 3 : i32
    %shift_right_arithmetic3A_213 = vector.broadcast %shift_right_arithmetic3A_212 : i32 to vector<16xi32>
    %shift_right_arithmetic3A_214 = arith.shrsi %get3A_211, %shift_right_arithmetic3A_213 : vector<16xi32>
    %swap3A_215 = arith.constant 320 : index
    %swap3A_216 = tpu.vector_load %arg6[%swap3A_215] {strides = array<i32>} : memref<8192xi32, #tpu.memory_space<vmem>>, vector<16xi32>,
    %swap3A_217 = vector.shape_cast %swap3A_216 : vector<16xi32> to vector<16xi32>
    %swap3A_218 = vector.shape_cast %shift_right_arithmetic3A_214 : vector<16xi32> to vector<16xi32>
    tpu.vector_store %arg6[%swap3A_215], %swap3A_218 {strides = array<i32>} : memref<8192xi32, #tpu.memory_space<vmem>>, vector<16xi32>,
    %get3A_219 = arith.constant 336 : index
    %get3A_220 = tpu.vector_load %arg5[%get3A_219] {strides = array<i32>} : memref<8192xi32, #tpu.memory_space<vmem>>, vector<16xi32>,
    %get3A_221 = vector.shape_cast %get3A_220 : vector<16xi32> to vector<16xi32>
    %shift_right_arithmetic3A_222 = arith.constant 3 : i32
    %shift_right_arithmetic3A_223 = vector.broadcast %shift_right_arithmetic3A_222 : i32 to vector<16xi32>
    %shift_right_arithmetic3A_224 = arith.shrsi %get3A_221, %shift_right_arithmetic3A_223 : vector<16xi32>
    %swap3A_225 = arith.constant 336 : index
    %swap3A_226 = tpu.vector_load %arg6[%swap3A_225] {strides = array<i32>} : memref<8192xi32, #tpu.memory_space<vmem>>, vector<16xi32>,
    %swap3A_227 = vector.shape_cast %swap3A_226 : vector<16xi32> to vector<16xi32>
    %swap3A_228 = vector.shape_cast %shift_right_arithmetic3A_224 : vector<16xi32> to vector<16xi32>
    tpu.vector_store %arg6[%swap3A_225], %swap3A_228 {strides = array<i32>} : memref<8192xi32, #tpu.memory_space<vmem>>, vector<16xi32>,
    %get3A_229 = arith.constant 352 : index
    %get3A_230 = tpu.vector_load %arg5[%get3A_229] {strides = array<i32>} : memref<8192xi32, #tpu.memory_space<vmem>>, vector<16xi32>,
    %get3A_231 = vector.shape_cast %get3A_230 : vector<16xi32> to vector<16xi32>
    %shift_right_arithmetic3A_232 = arith.constant 3 : i32
    %shift_right_arithmetic3A_233 = vector.broadcast %shift_right_arithmetic3A_232 : i32 to vector<16xi32>
    %shift_right_arithmetic3A_234 = arith.shrsi %get3A_231, %shift_right_arithmetic3A_233 : vector<16xi32>
    %swap3A_235 = arith.constant 352 : index
    %swap3A_236 = tpu.vector_load %arg6[%swap3A_235] {strides = array<i32>} : memref<8192xi32, #tpu.memory_space<vmem>>, vector<16xi32>,
    %swap3A_237 = vector.shape_cast %swap3A_236 : vector<16xi32> to vector<16xi32>
    %swap3A_238 = vector.shape_cast %shift_right_arithmetic3A_234 : vector<16xi32> to vector<16xi32>
    tpu.vector_store %arg6[%swap3A_235], %swap3A_238 {strides = array<i32>} : memref<8192xi32, #tpu.memory_space<vmem>>, vector<16xi32>,
    %get3A_239 = arith.constant 368 : index
    %get3A_240 = tpu.vector_load %arg5[%get3A_239] {strides = array<i32>} : memref<8192xi32, #tpu.memory_space<vmem>>, vector<16xi32>,
    %get3A_241 = vector.shape_cast %get3A_240 : vector<16xi32> to vector<16xi32>
    %shift_right_arithmetic3A_242 = arith.constant 3 : i32
    %shift_right_arithmetic3A_243 = vector.broadcast %shift_right_arithmetic3A_242 : i32 to vector<16xi32>
    %shift_right_arithmetic3A_244 = arith.shrsi %get3A_241, %shift_right_arithmetic3A_243 : vector<16xi32>
    %swap3A_245 = arith.constant 368 : index
    %swap3A_246 = tpu.vector_load %arg6[%swap3A_245] {strides = array<i32>} : memref<8192xi32, #tpu.memory_space<vmem>>, vector<16xi32>,
    %swap3A_247 = vector.shape_cast %swap3A_246 : vector<16xi32> to vector<16xi32>
    %swap3A_248 = vector.shape_cast %shift_right_arithmetic3A_244 : vector<16xi32> to vector<16xi32>
    tpu.vector_store %arg6[%swap3A_245], %swap3A_248 {strides = array<i32>} : memref<8192xi32, #tpu.memory_space<vmem>>, vector<16xi32>,
    %dma_start3A_249 = arith.constant 256 : i32
    %dma_start3A_250 = tpu.memref_slice %arg6[%dma_start3A_249] : memref<8192xi32, #tpu.memory_space<vmem>> -> memref<128xi32, #tpu.memory_space<vmem>>
    %dma_start3A_251 = arith.constant 0 : i32
    %dma_start3A_252 = arith.constant 0 : i32
    %dma_start3A_253 = tpu.memref_slice %arg2[%dma_start3A_251, %dma_start3A_252] : memref<65536x128xf32, #tpu.memory_space<hbm>> -> memref<65536x128xf32, #tpu.memory_space<hbm>>
    tpu.enqueue_indirect_dma source(%dma_start3A_253 : memref<65536x128xf32, #tpu.memory_space<hbm>>) target(%arg9 : memref<128x128xf32, #tpu.memory_space<vmem>>) offsets(%dma_start3A_250 : memref<128xi32, #tpu.memory_space<vmem>>) semaphore(%arg15 : memref<!tpu.dma_semaphore, #tpu.memory_space<semaphore_mem>>)
    %get3A_254 = arith.constant 384 : index
    %get3A_255 = tpu.vector_load %arg5[%get3A_254] {strides = array<i32>} : memref<8192xi32, #tpu.memory_space<vmem>>, vector<16xi32>,
    %get3A_256 = vector.shape_cast %get3A_255 : vector<16xi32> to vector<16xi32>
    %shift_right_arithmetic3A_257 = arith.constant 3 : i32
    %shift_right_arithmetic3A_258 = vector.broadcast %shift_right_arithmetic3A_257 : i32 to vector<16xi32>
    %shift_right_arithmetic3A_259 = arith.shrsi %get3A_256, %shift_right_arithmetic3A_258 : vector<16xi32>
    %swap3A_260 = arith.constant 384 : index
    %swap3A_261 = tpu.vector_load %arg6[%swap3A_260] {strides = array<i32>} : memref<8192xi32, #tpu.memory_space<vmem>>, vector<16xi32>,
    %swap3A_262 = vector.shape_cast %swap3A_261 : vector<16xi32> to vector<16xi32>
    %swap3A_263 = vector.shape_cast %shift_right_arithmetic3A_259 : vector<16xi32> to vector<16xi32>
    tpu.vector_store %arg6[%swap3A_260], %swap3A_263 {strides = array<i32>} : memref<8192xi32, #tpu.memory_space<vmem>>, vector<16xi32>,
    %get3A_264 = arith.constant 400 : index
    %get3A_265 = tpu.vector_load %arg5[%get3A_264] {strides = array<i32>} : memref<8192xi32, #tpu.memory_space<vmem>>, vector<16xi32>,
    %get3A_266 = vector.shape_cast %get3A_265 : vector<16xi32> to vector<16xi32>
    %shift_right_arithmetic3A_267 = arith.constant 3 : i32
    %shift_right_arithmetic3A_268 = vector.broadcast %shift_right_arithmetic3A_267 : i32 to vector<16xi32>
    %shift_right_arithmetic3A_269 = arith.shrsi %get3A_266, %shift_right_arithmetic3A_268 : vector<16xi32>
    %swap3A_270 = arith.constant 400 : index
    %swap3A_271 = tpu.vector_load %arg6[%swap3A_270] {strides = array<i32>} : memref<8192xi32, #tpu.memory_space<vmem>>, vector<16xi32>,
    %swap3A_272 = vector.shape_cast %swap3A_271 : vector<16xi32> to vector<16xi32>
    %swap3A_273 = vector.shape_cast %shift_right_arithmetic3A_269 : vector<16xi32> to vector<16xi32>
    tpu.vector_store %arg6[%swap3A_270], %swap3A_273 {strides = array<i32>} : memref<8192xi32, #tpu.memory_space<vmem>>, vector<16xi32>,
    %get3A_274 = arith.constant 416 : index
    %get3A_275 = tpu.vector_load %arg5[%get3A_274] {strides = array<i32>} : memref<8192xi32, #tpu.memory_space<vmem>>, vector<16xi32>,
    %get3A_276 = vector.shape_cast %get3A_275 : vector<16xi32> to vector<16xi32>
    %shift_right_arithmetic3A_277 = arith.constant 3 : i32
    %shift_right_arithmetic3A_278 = vector.broadcast %shift_right_arithmetic3A_277 : i32 to vector<16xi32>
    %shift_right_arithmetic3A_279 = arith.shrsi %get3A_276, %shift_right_arithmetic3A_278 : vector<16xi32>
    %swap3A_280 = arith.constant 416 : index
    %swap3A_281 = tpu.vector_load %arg6[%swap3A_280] {strides = array<i32>} : memref<8192xi32, #tpu.memory_space<vmem>>, vector<16xi32>,
    %swap3A_282 = vector.shape_cast %swap3A_281 : vector<16xi32> to vector<16xi32>
    %swap3A_283 = vector.shape_cast %shift_right_arithmetic3A_279 : vector<16xi32> to vector<16xi32>
    tpu.vector_store %arg6[%swap3A_280], %swap3A_283 {strides = array<i32>} : memref<8192xi32, #tpu.memory_space<vmem>>, vector<16xi32>,
    %get3A_284 = arith.constant 432 : index
    %get3A_285 = tpu.vector_load %arg5[%get3A_284] {strides = array<i32>} : memref<8192xi32, #tpu.memory_space<vmem>>, vector<16xi32>,
    %get3A_286 = vector.shape_cast %get3A_285 : vector<16xi32> to vector<16xi32>
    %shift_right_arithmetic3A_287 = arith.constant 3 : i32
    %shift_right_arithmetic3A_288 = vector.broadcast %shift_right_arithmetic3A_287 : i32 to vector<16xi32>
    %shift_right_arithmetic3A_289 = arith.shrsi %get3A_286, %shift_right_arithmetic3A_288 : vector<16xi32>
    %swap3A_290 = arith.constant 432 : index
    %swap3A_291 = tpu.vector_load %arg6[%swap3A_290] {strides = array<i32>} : memref<8192xi32, #tpu.memory_space<vmem>>, vector<16xi32>,
    %swap3A_292 = vector.shape_cast %swap3A_291 : vector<16xi32> to vector<16xi32>
    %swap3A_293 = vector.shape_cast %shift_right_arithmetic3A_289 : vector<16xi32> to vector<16xi32>
    tpu.vector_store %arg6[%swap3A_290], %swap3A_293 {strides = array<i32>} : memref<8192xi32, #tpu.memory_space<vmem>>, vector<16xi32>,
    %get3A_294 = arith.constant 448 : index
    %get3A_295 = tpu.vector_load %arg5[%get3A_294] {strides = array<i32>} : memref<8192xi32, #tpu.memory_space<vmem>>, vector<16xi32>,
    %get3A_296 = vector.shape_cast %get3A_295 : vector<16xi32> to vector<16xi32>
    %shift_right_arithmetic3A_297 = arith.constant 3 : i32
    %shift_right_arithmetic3A_298 = vector.broadcast %shift_right_arithmetic3A_297 : i32 to vector<16xi32>
    %shift_right_arithmetic3A_299 = arith.shrsi %get3A_296, %shift_right_arithmetic3A_298 : vector<16xi32>
    %swap3A_300 = arith.constant 448 : index
    %swap3A_301 = tpu.vector_load %arg6[%swap3A_300] {strides = array<i32>} : memref<8192xi32, #tpu.memory_space<vmem>>, vector<16xi32>,
    %swap3A_302 = vector.shape_cast %swap3A_301 : vector<16xi32> to vector<16xi32>
    %swap3A_303 = vector.shape_cast %shift_right_arithmetic3A_299 : vector<16xi32> to vector<16xi32>
    tpu.vector_store %arg6[%swap3A_300], %swap3A_303 {strides = array<i32>} : memref<8192xi32, #tpu.memory_space<vmem>>, vector<16xi32>,
    %get3A_304 = arith.constant 464 : index
    %get3A_305 = tpu.vector_load %arg5[%get3A_304] {strides = array<i32>} : memref<8192xi32, #tpu.memory_space<vmem>>, vector<16xi32>,
    %get3A_306 = vector.shape_cast %get3A_305 : vector<16xi32> to vector<16xi32>
    %shift_right_arithmetic3A_307 = arith.constant 3 : i32
    %shift_right_arithmetic3A_308 = vector.broadcast %shift_right_arithmetic3A_307 : i32 to vector<16xi32>
    %shift_right_arithmetic3A_309 = arith.shrsi %get3A_306, %shift_right_arithmetic3A_308 : vector<16xi32>
    %swap3A_310 = arith.constant 464 : index
    %swap3A_311 = tpu.vector_load %arg6[%swap3A_310] {strides = array<i32>} : memref<8192xi32, #tpu.memory_space<vmem>>, vector<16xi32>,
    %swap3A_312 = vector.shape_cast %swap3A_311 : vector<16xi32> to vector<16xi32>
    %swap3A_313 = vector.shape_cast %shift_right_arithmetic3A_309 : vector<16xi32> to vector<16xi32>
    tpu.vector_store %arg6[%swap3A_310], %swap3A_313 {strides = array<i32>} : memref<8192xi32, #tpu.memory_space<vmem>>, vector<16xi32>,
    %get3A_314 = arith.constant 480 : index
    %get3A_315 = tpu.vector_load %arg5[%get3A_314] {strides = array<i32>} : memref<8192xi32, #tpu.memory_space<vmem>>, vector<16xi32>,
    %get3A_316 = vector.shape_cast %get3A_315 : vector<16xi32> to vector<16xi32>
    %shift_right_arithmetic3A_317 = arith.constant 3 : i32
    %shift_right_arithmetic3A_318 = vector.broadcast %shift_right_arithmetic3A_317 : i32 to vector<16xi32>
    %shift_right_arithmetic3A_319 = arith.shrsi %get3A_316, %shift_right_arithmetic3A_318 : vector<16xi32>
    %swap3A_320 = arith.constant 480 : index
    %swap3A_321 = tpu.vector_load %arg6[%swap3A_320] {strides = array<i32>} : memref<8192xi32, #tpu.memory_space<vmem>>, vector<16xi32>,
    %swap3A_322 = vector.shape_cast %swap3A_321 : vector<16xi32> to vector<16xi32>
    %swap3A_323 = vector.shape_cast %shift_right_arithmetic3A_319 : vector<16xi32> to vector<16xi32>
    tpu.vector_store %arg6[%swap3A_320], %swap3A_323 {strides = array<i32>} : memref<8192xi32, #tpu.memory_space<vmem>>, vector<16xi32>,
    %get3A_324 = arith.constant 496 : index
    %get3A_325 = tpu.vector_load %arg5[%get3A_324] {strides = array<i32>} : memref<8192xi32, #tpu.memory_space<vmem>>, vector<16xi32>,
    %get3A_326 = vector.shape_cast %get3A_325 : vector<16xi32> to vector<16xi32>
    %shift_right_arithmetic3A_327 = arith.constant 3 : i32
    %shift_right_arithmetic3A_328 = vector.broadcast %shift_right_arithmetic3A_327 : i32 to vector<16xi32>
    %shift_right_arithmetic3A_329 = arith.shrsi %get3A_326, %shift_right_arithmetic3A_328 : vector<16xi32>
    %swap3A_330 = arith.constant 496 : index
    %swap3A_331 = tpu.vector_load %arg6[%swap3A_330] {strides = array<i32>} : memref<8192xi32, #tpu.memory_space<vmem>>, vector<16xi32>,
    %swap3A_332 = vector.shape_cast %swap3A_331 : vector<16xi32> to vector<16xi32>
    %swap3A_333 = vector.shape_cast %shift_right_arithmetic3A_329 : vector<16xi32> to vector<16xi32>
    tpu.vector_store %arg6[%swap3A_330], %swap3A_333 {strides = array<i32>} : memref<8192xi32, #tpu.memory_space<vmem>>, vector<16xi32>,
    %dma_start3A_334 = arith.constant 384 : i32
    %dma_start3A_335 = tpu.memref_slice %arg6[%dma_start3A_334] : memref<8192xi32, #tpu.memory_space<vmem>> -> memref<128xi32, #tpu.memory_space<vmem>>
    %dma_start3A_336 = arith.constant 0 : i32
    %dma_start3A_337 = arith.constant 0 : i32
    %dma_start3A_338 = tpu.memref_slice %arg2[%dma_start3A_336, %dma_start3A_337] : memref<65536x128xf32, #tpu.memory_space<hbm>> -> memref<65536x128xf32, #tpu.memory_space<hbm>>
    tpu.enqueue_indirect_dma source(%dma_start3A_338 : memref<65536x128xf32, #tpu.memory_space<hbm>>) target(%arg10 : memref<128x128xf32, #tpu.memory_space<vmem>>) offsets(%dma_start3A_335 : memref<128xi32, #tpu.memory_space<vmem>>) semaphore(%arg16 : memref<!tpu.dma_semaphore, #tpu.memory_space<semaphore_mem>>)
    %dma_wait3A = arith.constant 0 : i32
    %dma_wait3A_339 = tpu.memref_slice %arg6[%dma_wait3A] : memref<8192xi32, #tpu.memory_space<vmem>> -> memref<128xi32, #tpu.memory_space<vmem>>
    %dma_wait3A_340 = arith.constant 0 : i32
    %dma_wait3A_341 = arith.constant 0 : i32
    %dma_wait3A_342 = tpu.memref_slice %arg2[%dma_wait3A_340, %dma_wait3A_341] : memref<65536x128xf32, #tpu.memory_space<hbm>> -> memref<65536x128xf32, #tpu.memory_space<hbm>>
    tpu.wait_indirect_dma semaphore(%arg13 : memref<!tpu.dma_semaphore, #tpu.memory_space<semaphore_mem>>) src(%dma_wait3A_342 : memref<65536x128xf32, #tpu.memory_space<hbm>>) dst(%arg7 : memref<128x128xf32, #tpu.memory_space<vmem>>)
    %add3A_343 = arith.constant 0 : i32
    %add3A_344 = arith.addi %mul3A_2, %add3A_343 : i32
    %dma_start3A_345 = arith.constant 0 : i32
    %dma_start3A_346 = tpu.memref_slice %arg4[%add3A_344, %dma_start3A_345] : memref<262144x128xf32, #tpu.memory_space<hbm>> -> memref<128x128xf32, #tpu.memory_space<hbm>>
    %dma_start3A_347 = arith.constant 0 : i32
    %dma_start3A_348 = tpu.memref_slice %arg4[%add3A_344, %dma_start3A_347] : memref<262144x128xf32, #tpu.memory_space<hbm>> -> memref<128x128xf32, #tpu.memory_space<hbm>>
    tpu.enqueue_dma source(%arg7 : memref<128x128xf32, #tpu.memory_space<vmem>>) target(%dma_start3A_348 : memref<128x128xf32, #tpu.memory_space<hbm>>) target_semaphore(%arg19 : memref<!tpu.dma_semaphore, #tpu.memory_space<semaphore_mem>>)
    %get3A_349 = arith.constant 512 : index
    %get3A_350 = tpu.vector_load %arg5[%get3A_349] {strides = array<i32>} : memref<8192xi32, #tpu.memory_space<vmem>>, vector<16xi32>,
    %get3A_351 = vector.shape_cast %get3A_350 : vector<16xi32> to vector<16xi32>
    %shift_right_arithmetic3A_352 = arith.constant 3 : i32
    %shift_right_arithmetic3A_353 = vector.broadcast %shift_right_arithmetic3A_352 : i32 to vector<16xi32>
    %shift_right_arithmetic3A_354 = arith.shrsi %get3A_351, %shift_right_arithmetic3A_353 : vector<16xi32>
    %swap3A_355 = arith.constant 512 : index
    %swap3A_356 = tpu.vector_load %arg6[%swap3A_355] {strides = array<i32>} : memref<8192xi32, #tpu.memory_space<vmem>>, vector<16xi32>,
    %swap3A_357 = vector.shape_cast %swap3A_356 : vector<16xi32> to vector<16xi32>
    %swap3A_358 = vector.shape_cast %shift_right_arithmetic3A_354 : vector<16xi32> to vector<16xi32>
    tpu.vector_store %arg6[%swap3A_355], %swap3A_358 {strides = array<i32>} : memref<8192xi32, #tpu.memory_space<vmem>>, vector<16xi32>,
    %get3A_359 = arith.constant 528 : index
    %get3A_360 = tpu.vector_load %arg5[%get3A_359] {strides = array<i32>} : memref<8192xi32, #tpu.memory_space<vmem>>, vector<16xi32>,
    %get3A_361 = vector.shape_cast %get3A_360 : vector<16xi32> to vector<16xi32>
    %shift_right_arithmetic3A_362 = arith.constant 3 : i32
    %shift_right_arithmetic3A_363 = vector.broadcast %shift_right_arithmetic3A_362 : i32 to vector<16xi32>
    %shift_right_arithmetic3A_364 = arith.shrsi %get3A_361, %shift_right_arithmetic3A_363 : vector<16xi32>
    %swap3A_365 = arith.constant 528 : index
    %swap3A_366 = tpu.vector_load %arg6[%swap3A_365] {strides = array<i32>} : memref<8192xi32, #tpu.memory_space<vmem>>, vector<16xi32>,
    %swap3A_367 = vector.shape_cast %swap3A_366 : vector<16xi32> to vector<16xi32>
    %swap3A_368 = vector.shape_cast %shift_right_arithmetic3A_364 : vector<16xi32> to vector<16xi32>
    tpu.vector_store %arg6[%swap3A_365], %swap3A_368 {strides = array<i32>} : memref<8192xi32, #tpu.memory_space<vmem>>, vector<16xi32>,
    %get3A_369 = arith.constant 544 : index
    %get3A_370 = tpu.vector_load %arg5[%get3A_369] {strides = array<i32>} : memref<8192xi32, #tpu.memory_space<vmem>>, vector<16xi32>,
    %get3A_371 = vector.shape_cast %get3A_370 : vector<16xi32> to vector<16xi32>
    %shift_right_arithmetic3A_372 = arith.constant 3 : i32
    %shift_right_arithmetic3A_373 = vector.broadcast %shift_right_arithmetic3A_372 : i32 to vector<16xi32>
    %shift_right_arithmetic3A_374 = arith.shrsi %get3A_371, %shift_right_arithmetic3A_373 : vector<16xi32>
    %swap3A_375 = arith.constant 544 : index
    %swap3A_376 = tpu.vector_load %arg6[%swap3A_375] {strides = array<i32>} : memref<8192xi32, #tpu.memory_space<vmem>>, vector<16xi32>,
    %swap3A_377 = vector.shape_cast %swap3A_376 : vector<16xi32> to vector<16xi32>
    %swap3A_378 = vector.shape_cast %shift_right_arithmetic3A_374 : vector<16xi32> to vector<16xi32>
    tpu.vector_store %arg6[%swap3A_375], %swap3A_378 {strides = array<i32>} : memref<8192xi32, #tpu.memory_space<vmem>>, vector<16xi32>,
    %get3A_379 = arith.constant 560 : index
    %get3A_380 = tpu.vector_load %arg5[%get3A_379] {strides = array<i32>} : memref<8192xi32, #tpu.memory_space<vmem>>, vector<16xi32>,
    %get3A_381 = vector.shape_cast %get3A_380 : vector<16xi32> to vector<16xi32>
    %shift_right_arithmetic3A_382 = arith.constant 3 : i32
    %shift_right_arithmetic3A_383 = vector.broadcast %shift_right_arithmetic3A_382 : i32 to vector<16xi32>
    %shift_right_arithmetic3A_384 = arith.shrsi %get3A_381, %shift_right_arithmetic3A_383 : vector<16xi32>
    %swap3A_385 = arith.constant 560 : index
    %swap3A_386 = tpu.vector_load %arg6[%swap3A_385] {strides = array<i32>} : memref<8192xi32, #tpu.memory_space<vmem>>, vector<16xi32>,
    %swap3A_387 = vector.shape_cast %swap3A_386 : vector<16xi32> to vector<16xi32>
    %swap3A_388 = vector.shape_cast %shift_right_arithmetic3A_384 : vector<16xi32> to vector<16xi32>
    tpu.vector_store %arg6[%swap3A_385], %swap3A_388 {strides = array<i32>} : memref<8192xi32, #tpu.memory_space<vmem>>, vector<16xi32>,
    %get3A_389 = arith.constant 576 : index
    %get3A_390 = tpu.vector_load %arg5[%get3A_389] {strides = array<i32>} : memref<8192xi32, #tpu.memory_space<vmem>>, vector<16xi32>,
    %get3A_391 = vector.shape_cast %get3A_390 : vector<16xi32> to vector<16xi32>
    %shift_right_arithmetic3A_392 = arith.constant 3 : i32
    %shift_right_arithmetic3A_393 = vector.broadcast %shift_right_arithmetic3A_392 : i32 to vector<16xi32>
    %shift_right_arithmetic3A_394 = arith.shrsi %get3A_391, %shift_right_arithmetic3A_393 : vector<16xi32>
    %swap3A_395 = arith.constant 576 : index
    %swap3A_396 = tpu.vector_load %arg6[%swap3A_395] {strides = array<i32>} : memref<8192xi32, #tpu.memory_space<vmem>>, vector<16xi32>,
    %swap3A_397 = vector.shape_cast %swap3A_396 : vector<16xi32> to vector<16xi32>
    %swap3A_398 = vector.shape_cast %shift_right_arithmetic3A_394 : vector<16xi32> to vector<16xi32>
    tpu.vector_store %arg6[%swap3A_395], %swap3A_398 {strides = array<i32>} : memref<8192xi32, #tpu.memory_space<vmem>>, vector<16xi32>,
    %get3A_399 = arith.constant 592 : index
    %get3A_400 = tpu.vector_load %arg5[%get3A_399] {strides = array<i32>} : memref<8192xi32, #tpu.memory_space<vmem>>, vector<16xi32>,
    %get3A_401 = vector.shape_cast %get3A_400 : vector<16xi32> to vector<16xi32>
    %shift_right_arithmetic3A_402 = arith.constant 3 : i32
    %shift_right_arithmetic3A_403 = vector.broadcast %shift_right_arithmetic3A_402 : i32 to vector<16xi32>
    %shift_right_arithmetic3A_404 = arith.shrsi %get3A_401, %shift_right_arithmetic3A_403 : vector<16xi32>
    %swap3A_405 = arith.constant 592 : index
    %swap3A_406 = tpu.vector_load %arg6[%swap3A_405] {strides = array<i32>} : memref<8192xi32, #tpu.memory_space<vmem>>, vector<16xi32>,
    %swap3A_407 = vector.shape_cast %swap3A_406 : vector<16xi32> to vector<16xi32>
    %swap3A_408 = vector.shape_cast %shift_right_arithmetic3A_404 : vector<16xi32> to vector<16xi32>
    tpu.vector_store %arg6[%swap3A_405], %swap3A_408 {strides = array<i32>} : memref<8192xi32, #tpu.memory_space<vmem>>, vector<16xi32>,
    %get3A_409 = arith.constant 608 : index
    %get3A_410 = tpu.vector_load %arg5[%get3A_409] {strides = array<i32>} : memref<8192xi32, #tpu.memory_space<vmem>>, vector<16xi32>,
    %get3A_411 = vector.shape_cast %get3A_410 : vector<16xi32> to vector<16xi32>
    %shift_right_arithmetic3A_412 = arith.constant 3 : i32
    %shift_right_arithmetic3A_413 = vector.broadcast %shift_right_arithmetic3A_412 : i32 to vector<16xi32>
    %shift_right_arithmetic3A_414 = arith.shrsi %get3A_411, %shift_right_arithmetic3A_413 : vector<16xi32>
    %swap3A_415 = arith.constant 608 : index
    %swap3A_416 = tpu.vector_load %arg6[%swap3A_415] {strides = array<i32>} : memref<8192xi32, #tpu.memory_space<vmem>>, vector<16xi32>,
    %swap3A_417 = vector.shape_cast %swap3A_416 : vector<16xi32> to vector<16xi32>
    %swap3A_418 = vector.shape_cast %shift_right_arithmetic3A_414 : vector<16xi32> to vector<16xi32>
    tpu.vector_store %arg6[%swap3A_415], %swap3A_418 {strides = array<i32>} : memref<8192xi32, #tpu.memory_space<vmem>>, vector<16xi32>,
    %get3A_419 = arith.constant 624 : index
    %get3A_420 = tpu.vector_load %arg5[%get3A_419] {strides = array<i32>} : memref<8192xi32, #tpu.memory_space<vmem>>, vector<16xi32>,
    %get3A_421 = vector.shape_cast %get3A_420 : vector<16xi32> to vector<16xi32>
    %shift_right_arithmetic3A_422 = arith.constant 3 : i32
    %shift_right_arithmetic3A_423 = vector.broadcast %shift_right_arithmetic3A_422 : i32 to vector<16xi32>
    %shift_right_arithmetic3A_424 = arith.shrsi %get3A_421, %shift_right_arithmetic3A_423 : vector<16xi32>
    %swap3A_425 = arith.constant 624 : index
    %swap3A_426 = tpu.vector_load %arg6[%swap3A_425] {strides = array<i32>} : memref<8192xi32, #tpu.memory_space<vmem>>, vector<16xi32>,
    %swap3A_427 = vector.shape_cast %swap3A_426 : vector<16xi32> to vector<16xi32>
    %swap3A_428 = vector.shape_cast %shift_right_arithmetic3A_424 : vector<16xi32> to vector<16xi32>
    tpu.vector_store %arg6[%swap3A_425], %swap3A_428 {strides = array<i32>} : memref<8192xi32, #tpu.memory_space<vmem>>, vector<16xi32>,
    %dma_start3A_429 = arith.constant 512 : i32
    %dma_start3A_430 = tpu.memref_slice %arg6[%dma_start3A_429] : memref<8192xi32, #tpu.memory_space<vmem>> -> memref<128xi32, #tpu.memory_space<vmem>>
    %dma_start3A_431 = arith.constant 0 : i32
    %dma_start3A_432 = arith.constant 0 : i32
    %dma_start3A_433 = tpu.memref_slice %arg2[%dma_start3A_431, %dma_start3A_432] : memref<65536x128xf32, #tpu.memory_space<hbm>> -> memref<65536x128xf32, #tpu.memory_space<hbm>>
    tpu.enqueue_indirect_dma source(%dma_start3A_433 : memref<65536x128xf32, #tpu.memory_space<hbm>>) target(%arg11 : memref<128x128xf32, #tpu.memory_space<vmem>>) offsets(%dma_start3A_430 : memref<128xi32, #tpu.memory_space<vmem>>) semaphore(%arg17 : memref<!tpu.dma_semaphore, #tpu.memory_space<semaphore_mem>>)
    %dma_wait3A_434 = arith.constant 128 : i32
    %dma_wait3A_435 = tpu.memref_slice %arg6[%dma_wait3A_434] : memref<8192xi32, #tpu.memory_space<vmem>> -> memref<128xi32, #tpu.memory_space<vmem>>
    %dma_wait3A_436 = arith.constant 0 : i32
    %dma_wait3A_437 = arith.constant 0 : i32
    %dma_wait3A_438 = tpu.memref_slice %arg2[%dma_wait3A_436, %dma_wait3A_437] : memref<65536x128xf32, #tpu.memory_space<hbm>> -> memref<65536x128xf32, #tpu.memory_space<hbm>>
    tpu.wait_indirect_dma semaphore(%arg14 : memref<!tpu.dma_semaphore, #tpu.memory_space<semaphore_mem>>) src(%dma_wait3A_438 : memref<65536x128xf32, #tpu.memory_space<hbm>>) dst(%arg8 : memref<128x128xf32, #tpu.memory_space<vmem>>)
    %add3A_439 = arith.constant 128 : i32
    %add3A_440 = arith.addi %mul3A_2, %add3A_439 : i32
    %dma_start3A_441 = arith.constant 0 : i32
    %dma_start3A_442 = tpu.memref_slice %arg4[%add3A_440, %dma_start3A_441] : memref<262144x128xf32, #tpu.memory_space<hbm>> -> memref<128x128xf32, #tpu.memory_space<hbm>>
    %dma_start3A_443 = arith.constant 0 : i32
    %dma_start3A_444 = tpu.memref_slice %arg4[%add3A_440, %dma_start3A_443] : memref<262144x128xf32, #tpu.memory_space<hbm>> -> memref<128x128xf32, #tpu.memory_space<hbm>>
    tpu.enqueue_dma source(%arg8 : memref<128x128xf32, #tpu.memory_space<vmem>>) target(%dma_start3A_444 : memref<128x128xf32, #tpu.memory_space<hbm>>) target_semaphore(%arg20 : memref<!tpu.dma_semaphore, #tpu.memory_space<semaphore_mem>>)
    %get3A_445 = arith.constant 640 : index
    %get3A_446 = tpu.vector_load %arg5[%get3A_445] {strides = array<i32>} : memref<8192xi32, #tpu.memory_space<vmem>>, vector<16xi32>,
    %get3A_447 = vector.shape_cast %get3A_446 : vector<16xi32> to vector<16xi32>
    %shift_right_arithmetic3A_448 = arith.constant 3 : i32
    %shift_right_arithmetic3A_449 = vector.broadcast %shift_right_arithmetic3A_448 : i32 to vector<16xi32>
    %shift_right_arithmetic3A_450 = arith.shrsi %get3A_447, %shift_right_arithmetic3A_449 : vector<16xi32>
    %swap3A_451 = arith.constant 640 : index
    %swap3A_452 = tpu.vector_load %arg6[%swap3A_451] {strides = array<i32>} : memref<8192xi32, #tpu.memory_space<vmem>>, vector<16xi32>,
    %swap3A_453 = vector.shape_cast %swap3A_452 : vector<16xi32> to vector<16xi32>
    %swap3A_454 = vector.shape_cast %shift_right_arithmetic3A_450 : vector<16xi32> to vector<16xi32>
    tpu.vector_store %arg6[%swap3A_451], %swap3A_454 {strides = array<i32>} : memref<8192xi32, #tpu.memory_space<vmem>>, vector<16xi32>,
    %get3A_455 = arith.constant 656 : index
    %get3A_456 = tpu.vector_load %arg5[%get3A_455] {strides = array<i32>} : memref<8192xi32, #tpu.memory_space<vmem>>, vector<16xi32>,
    %get3A_457 = vector.shape_cast %get3A_456 : vector<16xi32> to vector<16xi32>
    %shift_right_arithmetic3A_458 = arith.constant 3 : i32
    %shift_right_arithmetic3A_459 = vector.broadcast %shift_right_arithmetic3A_458 : i32 to vector<16xi32>
    %shift_right_arithmetic3A_460 = arith.shrsi %get3A_457, %shift_right_arithmetic3A_459 : vector<16xi32>
    %swap3A_461 = arith.constant 656 : index
    %swap3A_462 = tpu.vector_load %arg6[%swap3A_461] {strides = array<i32>} : memref<8192xi32, #tpu.memory_space<vmem>>, vector<16xi32>,
    %swap3A_463 = vector.shape_cast %swap3A_462 : vector<16xi32> to vector<16xi32>
    %swap3A_464 = vector.shape_cast %shift_right_arithmetic3A_460 : vector<16xi32> to vector<16xi32>
    tpu.vector_store %arg6[%swap3A_461], %swap3A_464 {strides = array<i32>} : memref<8192xi32, #tpu.memory_space<vmem>>, vector<16xi32>,
    %get3A_465 = arith.constant 672 : index
    %get3A_466 = tpu.vector_load %arg5[%get3A_465] {strides = array<i32>} : memref<8192xi32, #tpu.memory_space<vmem>>, vector<16xi32>,
    %get3A_467 = vector.shape_cast %get3A_466 : vector<16xi32> to vector<16xi32>
    %shift_right_arithmetic3A_468 = arith.constant 3 : i32
    %shift_right_arithmetic3A_469 = vector.broadcast %shift_right_arithmetic3A_468 : i32 to vector<16xi32>
    %shift_right_arithmetic3A_470 = arith.shrsi %get3A_467, %shift_right_arithmetic3A_469 : vector<16xi32>
    %swap3A_471 = arith.constant 672 : index
    %swap3A_472 = tpu.vector_load %arg6[%swap3A_471] {strides = array<i32>} : memref<8192xi32, #tpu.memory_space<vmem>>, vector<16xi32>,
    %swap3A_473 = vector.shape_cast %swap3A_472 : vector<16xi32> to vector<16xi32>
    %swap3A_474 = vector.shape_cast %shift_right_arithmetic3A_470 : vector<16xi32> to vector<16xi32>
    tpu.vector_store %arg6[%swap3A_471], %swap3A_474 {strides = array<i32>} : memref<8192xi32, #tpu.memory_space<vmem>>, vector<16xi32>,
    %get3A_475 = arith.constant 688 : index
    %get3A_476 = tpu.vector_load %arg5[%get3A_475] {strides = array<i32>} : memref<8192xi32, #tpu.memory_space<vmem>>, vector<16xi32>,
    %get3A_477 = vector.shape_cast %get3A_476 : vector<16xi32> to vector<16xi32>
    %shift_right_arithmetic3A_478 = arith.constant 3 : i32
    %shift_right_arithmetic3A_479 = vector.broadcast %shift_right_arithmetic3A_478 : i32 to vector<16xi32>
    %shift_right_arithmetic3A_480 = arith.shrsi %get3A_477, %shift_right_arithmetic3A_479 : vector<16xi32>
    %swap3A_481 = arith.constant 688 : index
    %swap3A_482 = tpu.vector_load %arg6[%swap3A_481] {strides = array<i32>} : memref<8192xi32, #tpu.memory_space<vmem>>, vector<16xi32>,
    %swap3A_483 = vector.shape_cast %swap3A_482 : vector<16xi32> to vector<16xi32>
    %swap3A_484 = vector.shape_cast %shift_right_arithmetic3A_480 : vector<16xi32> to vector<16xi32>
    tpu.vector_store %arg6[%swap3A_481], %swap3A_484 {strides = array<i32>} : memref<8192xi32, #tpu.memory_space<vmem>>, vector<16xi32>,
    %get3A_485 = arith.constant 704 : index
    %get3A_486 = tpu.vector_load %arg5[%get3A_485] {strides = array<i32>} : memref<8192xi32, #tpu.memory_space<vmem>>, vector<16xi32>,
    %get3A_487 = vector.shape_cast %get3A_486 : vector<16xi32> to vector<16xi32>
    %shift_right_arithmetic3A_488 = arith.constant 3 : i32
    %shift_right_arithmetic3A_489 = vector.broadcast %shift_right_arithmetic3A_488 : i32 to vector<16xi32>
    %shift_right_arithmetic3A_490 = arith.shrsi %get3A_487, %shift_right_arithmetic3A_489 : vector<16xi32>
    %swap3A_491 = arith.constant 704 : index
    %swap3A_492 = tpu.vector_load %arg6[%swap3A_491] {strides = array<i32>} : memref<8192xi32, #tpu.memory_space<vmem>>, vector<16xi32>,
    %swap3A_493 = vector.shape_cast %swap3A_492 : vector<16xi32> to vector<16xi32>
    %swap3A_494 = vector.shape_cast %shift_right_arithmetic3A_490 : vector<16xi32> to vector<16xi32>
    tpu.vector_store %arg6[%swap3A_491], %swap3A_494 {strides = array<i32>} : memref<8192xi32, #tpu.memory_space<vmem>>, vector<16xi32>,
    %get3A_495 = arith.constant 720 : index
    %get3A_496 = tpu.vector_load %arg5[%get3A_495] {strides = array<i32>} : memref<8192xi32, #tpu.memory_space<vmem>>, vector<16xi32>,
    %get3A_497 = vector.shape_cast %get3A_496 : vector<16xi32> to vector<16xi32>
    %shift_right_arithmetic3A_498 = arith.constant 3 : i32
    %shift_right_arithmetic3A_499 = vector.broadcast %shift_right_arithmetic3A_498 : i32 to vector<16xi32>
    %shift_right_arithmetic3A_500 = arith.shrsi %get3A_497, %shift_right_arithmetic3A_499 : vector<16xi32>
    %swap3A_501 = arith.constant 720 : index
    %swap3A_502 = tpu.vector_load %arg6[%swap3A_501] {strides = array<i32>} : memref<8192xi32, #tpu.memory_space<vmem>>, vector<16xi32>,
    %swap3A_503 = vector.shape_cast %swap3A_502 : vector<16xi32> to vector<16xi32>
    %swap3A_504 = vector.shape_cast %shift_right_arithmetic3A_500 : vector<16xi32> to vector<16xi32>
    tpu.vector_store %arg6[%swap3A_501], %swap3A_504 {strides = array<i32>} : memref<8192xi32, #tpu.memory_space<vmem>>, vector<16xi32>,
    %get3A_505 = arith.constant 736 : index
    %get3A_506 = tpu.vector_load %arg5[%get3A_505] {strides = array<i32>} : memref<8192xi32, #tpu.memory_space<vmem>>, vector<16xi32>,
    %get3A_507 = vector.shape_cast %get3A_506 : vector<16xi32> to vector<16xi32>
    %shift_right_arithmetic3A_508 = arith.constant 3 : i32
    %shift_right_arithmetic3A_509 = vector.broadcast %shift_right_arithmetic3A_508 : i32 to vector<16xi32>
    %shift_right_arithmetic3A_510 = arith.shrsi %get3A_507, %shift_right_arithmetic3A_509 : vector<16xi32>
    %swap3A_511 = arith.constant 736 : index
    %swap3A_512 = tpu.vector_load %arg6[%swap3A_511] {strides = array<i32>} : memref<8192xi32, #tpu.memory_space<vmem>>, vector<16xi32>,
    %swap3A_513 = vector.shape_cast %swap3A_512 : vector<16xi32> to vector<16xi32>
    %swap3A_514 = vector.shape_cast %shift_right_arithmetic3A_510 : vector<16xi32> to vector<16xi32>
    tpu.vector_store %arg6[%swap3A_511], %swap3A_514 {strides = array<i32>} : memref<8192xi32, #tpu.memory_space<vmem>>, vector<16xi32>,
    %get3A_515 = arith.constant 752 : index
    %get3A_516 = tpu.vector_load %arg5[%get3A_515] {strides = array<i32>} : memref<8192xi32, #tpu.memory_space<vmem>>, vector<16xi32>,
    %get3A_517 = vector.shape_cast %get3A_516 : vector<16xi32> to vector<16xi32>
    %shift_right_arithmetic3A_518 = arith.constant 3 : i32
    %shift_right_arithmetic3A_519 = vector.broadcast %shift_right_arithmetic3A_518 : i32 to vector<16xi32>
    %shift_right_arithmetic3A_520 = arith.shrsi %get3A_517, %shift_right_arithmetic3A_519 : vector<16xi32>
    %swap3A_521 = arith.constant 752 : index
    %swap3A_522 = tpu.vector_load %arg6[%swap3A_521] {strides = array<i32>} : memref<8192xi32, #tpu.memory_space<vmem>>, vector<16xi32>,
    %swap3A_523 = vector.shape_cast %swap3A_522 : vector<16xi32> to vector<16xi32>
    %swap3A_524 = vector.shape_cast %shift_right_arithmetic3A_520 : vector<16xi32> to vector<16xi32>
    tpu.vector_store %arg6[%swap3A_521], %swap3A_524 {strides = array<i32>} : memref<8192xi32, #tpu.memory_space<vmem>>, vector<16xi32>,
    %dma_start3A_525 = arith.constant 640 : i32
    %dma_start3A_526 = tpu.memref_slice %arg6[%dma_start3A_525] : memref<8192xi32, #tpu.memory_space<vmem>> -> memref<128xi32, #tpu.memory_space<vmem>>
    %dma_start3A_527 = arith.constant 0 : i32
    %dma_start3A_528 = arith.constant 0 : i32
    %dma_start3A_529 = tpu.memref_slice %arg2[%dma_start3A_527, %dma_start3A_528] : memref<65536x128xf32, #tpu.memory_space<hbm>> -> memref<65536x128xf32, #tpu.memory_space<hbm>>
    tpu.enqueue_indirect_dma source(%dma_start3A_529 : memref<65536x128xf32, #tpu.memory_space<hbm>>) target(%arg12 : memref<128x128xf32, #tpu.memory_space<vmem>>) offsets(%dma_start3A_526 : memref<128xi32, #tpu.memory_space<vmem>>) semaphore(%arg18 : memref<!tpu.dma_semaphore, #tpu.memory_space<semaphore_mem>>)
    %dma_wait3A_530 = arith.constant 256 : i32
    %dma_wait3A_531 = tpu.memref_slice %arg6[%dma_wait3A_530] : memref<8192xi32, #tpu.memory_space<vmem>> -> memref<128xi32, #tpu.memory_space<vmem>>
    %dma_wait3A_532 = arith.constant 0 : i32
    %dma_wait3A_533 = arith.constant 0 : i32
    %dma_wait3A_534 = tpu.memref_slice %arg2[%dma_wait3A_532, %dma_wait3A_533] : memref<65536x128xf32, #tpu.memory_space<hbm>> -> memref<65536x128xf32, #tpu.memory_space<hbm>>
    tpu.wait_indirect_dma semaphore(%arg15 : memref<!tpu.dma_semaphore, #tpu.memory_space<semaphore_mem>>) src(%dma_wait3A_534 : memref<65536x128xf32, #tpu.memory_space<hbm>>) dst(%arg9 : memref<128x128xf32, #tpu.memory_space<vmem>>)
    %add3A_535 = arith.constant 256 : i32
    %add3A_536 = arith.addi %mul3A_2, %add3A_535 : i32
    %dma_start3A_537 = arith.constant 0 : i32
    %dma_start3A_538 = tpu.memref_slice %arg4[%add3A_536, %dma_start3A_537] : memref<262144x128xf32, #tpu.memory_space<hbm>> -> memref<128x128xf32, #tpu.memory_space<hbm>>
    %dma_start3A_539 = arith.constant 0 : i32
    %dma_start3A_540 = tpu.memref_slice %arg4[%add3A_536, %dma_start3A_539] : memref<262144x128xf32, #tpu.memory_space<hbm>> -> memref<128x128xf32, #tpu.memory_space<hbm>>
    tpu.enqueue_dma source(%arg9 : memref<128x128xf32, #tpu.memory_space<vmem>>) target(%dma_start3A_540 : memref<128x128xf32, #tpu.memory_space<hbm>>) target_semaphore(%arg21 : memref<!tpu.dma_semaphore, #tpu.memory_space<semaphore_mem>>)
    %add3A_541 = arith.constant 0 : i32
    %add3A_542 = arith.addi %mul3A_2, %add3A_541 : i32
    %dma_wait3A_543 = arith.constant 0 : i32
    %dma_wait3A_544 = tpu.memref_slice %arg4[%add3A_542, %dma_wait3A_543] : memref<262144x128xf32, #tpu.memory_space<hbm>> -> memref<128x128xf32, #tpu.memory_space<hbm>>
    %dma_wait3A_545 = arith.constant 0 : i32
    %dma_wait3A_546 = tpu.memref_slice %arg4[%add3A_542, %dma_wait3A_545] : memref<262144x128xf32, #tpu.memory_space<hbm>> -> memref<128x128xf32, #tpu.memory_space<hbm>>
    tpu.wait_dma2 semaphore(%arg19 : memref<!tpu.dma_semaphore, #tpu.memory_space<semaphore_mem>>) src(%arg7 : memref<128x128xf32, #tpu.memory_space<vmem>>) dst(%dma_wait3A_546 : memref<128x128xf32, #tpu.memory_space<hbm>>)
    %get3A_547 = arith.constant 768 : index
    %get3A_548 = tpu.vector_load %arg5[%get3A_547] {strides = array<i32>} : memref<8192xi32, #tpu.memory_space<vmem>>, vector<16xi32>,
    %get3A_549 = vector.shape_cast %get3A_548 : vector<16xi32> to vector<16xi32>
    %shift_right_arithmetic3A_550 = arith.constant 3 : i32
    %shift_right_arithmetic3A_551 = vector.broadcast %shift_right_arithmetic3A_550 : i32 to vector<16xi32>
    %shift_right_arithmetic3A_552 = arith.shrsi %get3A_549, %shift_right_arithmetic3A_551 : vector<16xi32>
    %swap3A_553 = arith.constant 768 : index
    %swap3A_554 = tpu.vector_load %arg6[%swap3A_553] {strides = array<i32>} : memref<8192xi32, #tpu.memory_space<vmem>>, vector<16xi32>,
    %swap3A_555 = vector.shape_cast %swap3A_554 : vector<16xi32> to vector<16xi32>
    %swap3A_556 = vector.shape_cast %shift_right_arithmetic3A_552 : vector<16xi32> to vector<16xi32>
    tpu.vector_store %arg6[%swap3A_553], %swap3A_556 {strides = array<i32>} : memref<8192xi32, #tpu.memory_space<vmem>>, vector<16xi32>,
    %get3A_557 = arith.constant 784 : index
    %get3A_558 = tpu.vector_load %arg5[%get3A_557] {strides = array<i32>} : memref<8192xi32, #tpu.memory_space<vmem>>, vector<16xi32>,
    %get3A_559 = vector.shape_cast %get3A_558 : vector<16xi32> to vector<16xi32>
    %shift_right_arithmetic3A_560 = arith.constant 3 : i32
    %shift_right_arithmetic3A_561 = vector.broadcast %shift_right_arithmetic3A_560 : i32 to vector<16xi32>
    %shift_right_arithmetic3A_562 = arith.shrsi %get3A_559, %shift_right_arithmetic3A_561 : vector<16xi32>
    %swap3A_563 = arith.constant 784 : index
    %swap3A_564 = tpu.vector_load %arg6[%swap3A_563] {strides = array<i32>} : memref<8192xi32, #tpu.memory_space<vmem>>, vector<16xi32>,
    %swap3A_565 = vector.shape_cast %swap3A_564 : vector<16xi32> to vector<16xi32>
    %swap3A_566 = vector.shape_cast %shift_right_arithmetic3A_562 : vector<16xi32> to vector<16xi32>
    tpu.vector_store %arg6[%swap3A_563], %swap3A_566 {strides = array<i32>} : memref<8192xi32, #tpu.memory_space<vmem>>, vector<16xi32>,
    %get3A_567 = arith.constant 800 : index
    %get3A_568 = tpu.vector_load %arg5[%get3A_567] {strides = array<i32>} : memref<8192xi32, #tpu.memory_space<vmem>>, vector<16xi32>,
    %get3A_569 = vector.shape_cast %get3A_568 : vector<16xi32> to vector<16xi32>
    %shift_right_arithmetic3A_570 = arith.constant 3 : i32
    %shift_right_arithmetic3A_571 = vector.broadcast %shift_right_arithmetic3A_570 : i32 to vector<16xi32>
    %shift_right_arithmetic3A_572 = arith.shrsi %get3A_569, %shift_right_arithmetic3A_571 : vector<16xi32>
    %swap3A_573 = arith.constant 800 : index
    %swap3A_574 = tpu.vector_load %arg6[%swap3A_573] {strides = array<i32>} : memref<8192xi32, #tpu.memory_space<vmem>>, vector<16xi32>,
    %swap3A_575 = vector.shape_cast %swap3A_574 : vector<16xi32> to vector<16xi32>
    %swap3A_576 = vector.shape_cast %shift_right_arithmetic3A_572 : vector<16xi32> to vector<16xi32>
    tpu.vector_store %arg6[%swap3A_573], %swap3A_576 {strides = array<i32>} : memref<8192xi32, #tpu.memory_space<vmem>>, vector<16xi32>,
    %get3A_577 = arith.constant 816 : index
    %get3A_578 = tpu.vector_load %arg5[%get3A_577] {strides = array<i32>} : memref<8192xi32, #tpu.memory_space<vmem>>, vector<16xi32>,
    %get3A_579 = vector.shape_cast %get3A_578 : vector<16xi32> to vector<16xi32>
    %shift_right_arithmetic3A_580 = arith.constant 3 : i32
    %shift_right_arithmetic3A_581 = vector.broadcast %shift_right_arithmetic3A_580 : i32 to vector<16xi32>
    %shift_right_arithmetic3A_582 = arith.shrsi %get3A_579, %shift_right_arithmetic3A_581 : vector<16xi32>
    %swap3A_583 = arith.constant 816 : index
    %swap3A_584 = tpu.vector_load %arg6[%swap3A_583] {strides = array<i32>} : memref<8192xi32, #tpu.memory_space<vmem>>, vector<16xi32>,
    %swap3A_585 = vector.shape_cast %swap3A_584 : vector<16xi32> to vector<16xi32>
    %swap3A_586 = vector.shape_cast %shift_right_arithmetic3A_582 : vector<16xi32> to vector<16xi32>
    tpu.vector_store %arg6[%swap3A_583], %swap3A_586 {strides = array<i32>} : memref<8192xi32, #tpu.memory_space<vmem>>, vector<16xi32>,
    %get3A_587 = arith.constant 832 : index
    %get3A_588 = tpu.vector_load %arg5[%get3A_587] {strides = array<i32>} : memref<8192xi32, #tpu.memory_space<vmem>>, vector<16xi32>,
    %get3A_589 = vector.shape_cast %get3A_588 : vector<16xi32> to vector<16xi32>
    %shift_right_arithmetic3A_590 = arith.constant 3 : i32
    %shift_right_arithmetic3A_591 = vector.broadcast %shift_right_arithmetic3A_590 : i32 to vector<16xi32>
    %shift_right_arithmetic3A_592 = arith.shrsi %get3A_589, %shift_right_arithmetic3A_591 : vector<16xi32>
    %swap3A_593 = arith.constant 832 : index
    %swap3A_594 = tpu.vector_load %arg6[%swap3A_593] {strides = array<i32>} : memref<8192xi32, #tpu.memory_space<vmem>>, vector<16xi32>,
    %swap3A_595 = vector.shape_cast %swap3A_594 : vector<16xi32> to vector<16xi32>
    %swap3A_596 = vector.shape_cast %shift_right_arithmetic3A_592 : vector<16xi32> to vector<16xi32>
    tpu.vector_store %arg6[%swap3A_593], %swap3A_596 {strides = array<i32>} : memref<8192xi32, #tpu.memory_space<vmem>>, vector<16xi32>,
    %get3A_597 = arith.constant 848 : index
    %get3A_598 = tpu.vector_load %arg5[%get3A_597] {strides = array<i32>} : memref<8192xi32, #tpu.memory_space<vmem>>, vector<16xi32>,
    %get3A_599 = vector.shape_cast %get3A_598 : vector<16xi32> to vector<16xi32>
    %shift_right_arithmetic3A_600 = arith.constant 3 : i32
    %shift_right_arithmetic3A_601 = vector.broadcast %shift_right_arithmetic3A_600 : i32 to vector<16xi32>
    %shift_right_arithmetic3A_602 = arith.shrsi %get3A_599, %shift_right_arithmetic3A_601 : vector<16xi32>
    %swap3A_603 = arith.constant 848 : index
    %swap3A_604 = tpu.vector_load %arg6[%swap3A_603] {strides = array<i32>} : memref<8192xi32, #tpu.memory_space<vmem>>, vector<16xi32>,
    %swap3A_605 = vector.shape_cast %swap3A_604 : vector<16xi32> to vector<16xi32>
    %swap3A_606 = vector.shape_cast %shift_right_arithmetic3A_602 : vector<16xi32> to vector<16xi32>
    tpu.vector_store %arg6[%swap3A_603], %swap3A_606 {strides = array<i32>} : memref<8192xi32, #tpu.memory_space<vmem>>, vector<16xi32>,
    %get3A_607 = arith.constant 864 : index
    %get3A_608 = tpu.vector_load %arg5[%get3A_607] {strides = array<i32>} : memref<8192xi32, #tpu.memory_space<vmem>>, vector<16xi32>,
    %get3A_609 = vector.shape_cast %get3A_608 : vector<16xi32> to vector<16xi32>
    %shift_right_arithmetic3A_610 = arith.constant 3 : i32
    %shift_right_arithmetic3A_611 = vector.broadcast %shift_right_arithmetic3A_610 : i32 to vector<16xi32>
    %shift_right_arithmetic3A_612 = arith.shrsi %get3A_609, %shift_right_arithmetic3A_611 : vector<16xi32>
    %swap3A_613 = arith.constant 864 : index
    %swap3A_614 = tpu.vector_load %arg6[%swap3A_613] {strides = array<i32>} : memref<8192xi32, #tpu.memory_space<vmem>>, vector<16xi32>,
    %swap3A_615 = vector.shape_cast %swap3A_614 : vector<16xi32> to vector<16xi32>
    %swap3A_616 = vector.shape_cast %shift_right_arithmetic3A_612 : vector<16xi32> to vector<16xi32>
    tpu.vector_store %arg6[%swap3A_613], %swap3A_616 {strides = array<i32>} : memref<8192xi32, #tpu.memory_space<vmem>>, vector<16xi32>,
    %get3A_617 = arith.constant 880 : index
    %get3A_618 = tpu.vector_load %arg5[%get3A_617] {strides = array<i32>} : memref<8192xi32, #tpu.memory_space<vmem>>, vector<16xi32>,
    %get3A_619 = vector.shape_cast %get3A_618 : vector<16xi32> to vector<16xi32>
    %shift_right_arithmetic3A_620 = arith.constant 3 : i32
    %shift_right_arithmetic3A_621 = vector.broadcast %shift_right_arithmetic3A_620 : i32 to vector<16xi32>
    %shift_right_arithmetic3A_622 = arith.shrsi %get3A_619, %shift_right_arithmetic3A_621 : vector<16xi32>
    %swap3A_623 = arith.constant 880 : index
    %swap3A_624 = tpu.vector_load %arg6[%swap3A_623] {strides = array<i32>} : memref<8192xi32, #tpu.memory_space<vmem>>, vector<16xi32>,
    %swap3A_625 = vector.shape_cast %swap3A_624 : vector<16xi32> to vector<16xi32>
    %swap3A_626 = vector.shape_cast %shift_right_arithmetic3A_622 : vector<16xi32> to vector<16xi32>
    tpu.vector_store %arg6[%swap3A_623], %swap3A_626 {strides = array<i32>} : memref<8192xi32, #tpu.memory_space<vmem>>, vector<16xi32>,
    %dma_start3A_627 = arith.constant 768 : i32
    %dma_start3A_628 = tpu.memref_slice %arg6[%dma_start3A_627] : memref<8192xi32, #tpu.memory_space<vmem>> -> memref<128xi32, #tpu.memory_space<vmem>>
    %dma_start3A_629 = arith.constant 0 : i32
    %dma_start3A_630 = arith.constant 0 : i32
    %dma_start3A_631 = tpu.memref_slice %arg2[%dma_start3A_629, %dma_start3A_630] : memref<65536x128xf32, #tpu.memory_space<hbm>> -> memref<65536x128xf32, #tpu.memory_space<hbm>>
    tpu.enqueue_indirect_dma source(%dma_start3A_631 : memref<65536x128xf32, #tpu.memory_space<hbm>>) target(%arg7 : memref<128x128xf32, #tpu.memory_space<vmem>>) offsets(%dma_start3A_628 : memref<128xi32, #tpu.memory_space<vmem>>) semaphore(%arg13 : memref<!tpu.dma_semaphore, #tpu.memory_space<semaphore_mem>>)
    %dma_wait3A_632 = arith.constant 384 : i32
    %dma_wait3A_633 = tpu.memref_slice %arg6[%dma_wait3A_632] : memref<8192xi32, #tpu.memory_space<vmem>> -> memref<128xi32, #tpu.memory_space<vmem>>
    %dma_wait3A_634 = arith.constant 0 : i32
    %dma_wait3A_635 = arith.constant 0 : i32
    %dma_wait3A_636 = tpu.memref_slice %arg2[%dma_wait3A_634, %dma_wait3A_635] : memref<65536x128xf32, #tpu.memory_space<hbm>> -> memref<65536x128xf32, #tpu.memory_space<hbm>>
    tpu.wait_indirect_dma semaphore(%arg16 : memref<!tpu.dma_semaphore, #tpu.memory_space<semaphore_mem>>) src(%dma_wait3A_636 : memref<65536x128xf32, #tpu.memory_space<hbm>>) dst(%arg10 : memref<128x128xf32, #tpu.memory_space<vmem>>)
    %add3A_637 = arith.constant 384 : i32
    %add3A_638 = arith.addi %mul3A_2, %add3A_637 : i32
    %dma_start3A_639 = arith.constant 0 : i32
    %dma_start3A_640 = tpu.memref_slice %arg4[%add3A_638, %dma_start3A_639] : memref<262144x128xf32, #tpu.memory_space<hbm>> -> memref<128x128xf32, #tpu.memory_space<hbm>>
    %dma_start3A_641 = arith.constant 0 : i32
    %dma_start3A_642 = tpu.memref_slice %arg4[%add3A_638, %dma_start3A_641] : memref<262144x128xf32, #tpu.memory_space<hbm>> -> memref<128x128xf32, #tpu.memory_space<hbm>>
    tpu.enqueue_dma source(%arg10 : memref<128x128xf32, #tpu.memory_space<vmem>>) target(%dma_start3A_642 : memref<128x128xf32, #tpu.memory_space<hbm>>) target_semaphore(%arg22 : memref<!tpu.dma_semaphore, #tpu.memory_space<semaphore_mem>>)
    %add3A_643 = arith.constant 128 : i32
    %add3A_644 = arith.addi %mul3A_2, %add3A_643 : i32
    %dma_wait3A_645 = arith.constant 0 : i32
    %dma_wait3A_646 = tpu.memref_slice %arg4[%add3A_644, %dma_wait3A_645] : memref<262144x128xf32, #tpu.memory_space<hbm>> -> memref<128x128xf32, #tpu.memory_space<hbm>>
    %dma_wait3A_647 = arith.constant 0 : i32
    %dma_wait3A_648 = tpu.memref_slice %arg4[%add3A_644, %dma_wait3A_647] : memref<262144x128xf32, #tpu.memory_space<hbm>> -> memref<128x128xf32, #tpu.memory_space<hbm>>
    tpu.wait_dma2 semaphore(%arg20 : memref<!tpu.dma_semaphore, #tpu.memory_space<semaphore_mem>>) src(%arg8 : memref<128x128xf32, #tpu.memory_space<vmem>>) dst(%dma_wait3A_648 : memref<128x128xf32, #tpu.memory_space<hbm>>)
    %get3A_649 = arith.constant 896 : index
    %get3A_650 = tpu.vector_load %arg5[%get3A_649] {strides = array<i32>} : memref<8192xi32, #tpu.memory_space<vmem>>, vector<16xi32>,
    %get3A_651 = vector.shape_cast %get3A_650 : vector<16xi32> to vector<16xi32>
    %shift_right_arithmetic3A_652 = arith.constant 3 : i32
    %shift_right_arithmetic3A_653 = vector.broadcast %shift_right_arithmetic3A_652 : i32 to vector<16xi32>
    %shift_right_arithmetic3A_654 = arith.shrsi %get3A_651, %shift_right_arithmetic3A_653 : vector<16xi32>
    %swap3A_655 = arith.constant 896 : index
    %swap3A_656 = tpu.vector_load %arg6[%swap3A_655] {strides = array<i32>} : memref<8192xi32, #tpu.memory_space<vmem>>, vector<16xi32>,
    %swap3A_657 = vector.shape_cast %swap3A_656 : vector<16xi32> to vector<16xi32>
    %swap3A_658 = vector.shape_cast %shift_right_arithmetic3A_654 : vector<16xi32> to vector<16xi32>
    tpu.vector_store %arg6[%swap3A_655], %swap3A_658 {strides = array<i32>} : memref<8192xi32, #tpu.memory_space<vmem>>, vector<16xi32>,
    %get3A_659 = arith.constant 912 : index
    %get3A_660 = tpu.vector_load %arg5[%get3A_659] {strides = array<i32>} : memref<8192xi32, #tpu.memory_space<vmem>>, vector<16xi32>,
    %get3A_661 = vector.shape_cast %get3A_660 : vector<16xi32> to vector<16xi32>
    %shift_right_arithmetic3A_662 = arith.constant 3 : i32
    %shift_right_arithmetic3A_663 = vector.broadcast %shift_right_arithmetic3A_662 : i32 to vector<16xi32>
    %shift_right_arithmetic3A_664 = arith.shrsi %get3A_661, %shift_right_arithmetic3A_663 : vector<16xi32>
    %swap3A_665 = arith.constant 912 : index
    %swap3A_666 = tpu.vector_load %arg6[%swap3A_665] {strides = array<i32>} : memref<8192xi32, #tpu.memory_space<vmem>>, vector<16xi32>,
    %swap3A_667 = vector.shape_cast %swap3A_666 : vector<16xi32> to vector<16xi32>
    %swap3A_668 = vector.shape_cast %shift_right_arithmetic3A_664 : vector<16xi32> to vector<16xi32>
    tpu.vector_store %arg6[%swap3A_665], %swap3A_668 {strides = array<i32>} : memref<8192xi32, #tpu.memory_space<vmem>>, vector<16xi32>,
    %get3A_669 = arith.constant 928 : index
    %get3A_670 = tpu.vector_load %arg5[%get3A_669] {strides = array<i32>} : memref<8192xi32, #tpu.memory_space<vmem>>, vector<16xi32>,
    %get3A_671 = vector.shape_cast %get3A_670 : vector<16xi32> to vector<16xi32>
    %shift_right_arithmetic3A_672 = arith.constant 3 : i32
    %shift_right_arithmetic3A_673 = vector.broadcast %shift_right_arithmetic3A_672 : i32 to vector<16xi32>
    %shift_right_arithmetic3A_674 = arith.shrsi %get3A_671, %shift_right_arithmetic3A_673 : vector<16xi32>
    %swap3A_675 = arith.constant 928 : index
    %swap3A_676 = tpu.vector_load %arg6[%swap3A_675] {strides = array<i32>} : memref<8192xi32, #tpu.memory_space<vmem>>, vector<16xi32>,
    %swap3A_677 = vector.shape_cast %swap3A_676 : vector<16xi32> to vector<16xi32>
    %swap3A_678 = vector.shape_cast %shift_right_arithmetic3A_674 : vector<16xi32> to vector<16xi32>
    tpu.vector_store %arg6[%swap3A_675], %swap3A_678 {strides = array<i32>} : memref<8192xi32, #tpu.memory_space<vmem>>, vector<16xi32>,
    %get3A_679 = arith.constant 944 : index
    %get3A_680 = tpu.vector_load %arg5[%get3A_679] {strides = array<i32>} : memref<8192xi32, #tpu.memory_space<vmem>>, vector<16xi32>,
    %get3A_681 = vector.shape_cast %get3A_680 : vector<16xi32> to vector<16xi32>
    %shift_right_arithmetic3A_682 = arith.constant 3 : i32
    %shift_right_arithmetic3A_683 = vector.broadcast %shift_right_arithmetic3A_682 : i32 to vector<16xi32>
    %shift_right_arithmetic3A_684 = arith.shrsi %get3A_681, %shift_right_arithmetic3A_683 : vector<16xi32>
    %swap3A_685 = arith.constant 944 : index
    %swap3A_686 = tpu.vector_load %arg6[%swap3A_685] {strides = array<i32>} : memref<8192xi32, #tpu.memory_space<vmem>>, vector<16xi32>,
    %swap3A_687 = vector.shape_cast %swap3A_686 : vector<16xi32> to vector<16xi32>
    %swap3A_688 = vector.shape_cast %shift_right_arithmetic3A_684 : vector<16xi32> to vector<16xi32>
    tpu.vector_store %arg6[%swap3A_685], %swap3A_688 {strides = array<i32>} : memref<8192xi32, #tpu.memory_space<vmem>>, vector<16xi32>,
    %get3A_689 = arith.constant 960 : index
    %get3A_690 = tpu.vector_load %arg5[%get3A_689] {strides = array<i32>} : memref<8192xi32, #tpu.memory_space<vmem>>, vector<16xi32>,
    %get3A_691 = vector.shape_cast %get3A_690 : vector<16xi32> to vector<16xi32>
    %shift_right_arithmetic3A_692 = arith.constant 3 : i32
    %shift_right_arithmetic3A_693 = vector.broadcast %shift_right_arithmetic3A_692 : i32 to vector<16xi32>
    %shift_right_arithmetic3A_694 = arith.shrsi %get3A_691, %shift_right_arithmetic3A_693 : vector<16xi32>
    %swap3A_695 = arith.constant 960 : index
    %swap3A_696 = tpu.vector_load %arg6[%swap3A_695] {strides = array<i32>} : memref<8192xi32, #tpu.memory_space<vmem>>, vector<16xi32>,
    %swap3A_697 = vector.shape_cast %swap3A_696 : vector<16xi32> to vector<16xi32>
    %swap3A_698 = vector.shape_cast %shift_right_arithmetic3A_694 : vector<16xi32> to vector<16xi32>
    tpu.vector_store %arg6[%swap3A_695], %swap3A_698 {strides = array<i32>} : memref<8192xi32, #tpu.memory_space<vmem>>, vector<16xi32>,
    %get3A_699 = arith.constant 976 : index
    %get3A_700 = tpu.vector_load %arg5[%get3A_699] {strides = array<i32>} : memref<8192xi32, #tpu.memory_space<vmem>>, vector<16xi32>,
    %get3A_701 = vector.shape_cast %get3A_700 : vector<16xi32> to vector<16xi32>
    %shift_right_arithmetic3A_702 = arith.constant 3 : i32
    %shift_right_arithmetic3A_703 = vector.broadcast %shift_right_arithmetic3A_702 : i32 to vector<16xi32>
    %shift_right_arithmetic3A_704 = arith.shrsi %get3A_701, %shift_right_arithmetic3A_703 : vector<16xi32>
    %swap3A_705 = arith.constant 976 : index
    %swap3A_706 = tpu.vector_load %arg6[%swap3A_705] {strides = array<i32>} : memref<8192xi32, #tpu.memory_space<vmem>>, vector<16xi32>,
    %swap3A_707 = vector.shape_cast %swap3A_706 : vector<16xi32> to vector<16xi32>
    %swap3A_708 = vector.shape_cast %shift_right_arithmetic3A_704 : vector<16xi32> to vector<16xi32>
    tpu.vector_store %arg6[%swap3A_705], %swap3A_708 {strides = array<i32>} : memref<8192xi32, #tpu.memory_space<vmem>>, vector<16xi32>,
    %get3A_709 = arith.constant 992 : index
    %get3A_710 = tpu.vector_load %arg5[%get3A_709] {strides = array<i32>} : memref<8192xi32, #tpu.memory_space<vmem>>, vector<16xi32>,
    %get3A_711 = vector.shape_cast %get3A_710 : vector<16xi32> to vector<16xi32>
    %shift_right_arithmetic3A_712 = arith.constant 3 : i32
    %shift_right_arithmetic3A_713 = vector.broadcast %shift_right_arithmetic3A_712 : i32 to vector<16xi32>
    %shift_right_arithmetic3A_714 = arith.shrsi %get3A_711, %shift_right_arithmetic3A_713 : vector<16xi32>
    %swap3A_715 = arith.constant 992 : index
    %swap3A_716 = tpu.vector_load %arg6[%swap3A_715] {strides = array<i32>} : memref<8192xi32, #tpu.memory_space<vmem>>, vector<16xi32>,
    %swap3A_717 = vector.shape_cast %swap3A_716 : vector<16xi32> to vector<16xi32>
    %swap3A_718 = vector.shape_cast %shift_right_arithmetic3A_714 : vector<16xi32> to vector<16xi32>
    tpu.vector_store %arg6[%swap3A_715], %swap3A_718 {strides = array<i32>} : memref<8192xi32, #tpu.memory_space<vmem>>, vector<16xi32>,
    %get3A_719 = arith.constant 1008 : index
    %get3A_720 = tpu.vector_load %arg5[%get3A_719] {strides = array<i32>} : memref<8192xi32, #tpu.memory_space<vmem>>, vector<16xi32>,
    %get3A_721 = vector.shape_cast %get3A_720 : vector<16xi32> to vector<16xi32>
    %shift_right_arithmetic3A_722 = arith.constant 3 : i32
    %shift_right_arithmetic3A_723 = vector.broadcast %shift_right_arithmetic3A_722 : i32 to vector<16xi32>
    %shift_right_arithmetic3A_724 = arith.shrsi %get3A_721, %shift_right_arithmetic3A_723 : vector<16xi32>
    %swap3A_725 = arith.constant 1008 : index
    %swap3A_726 = tpu.vector_load %arg6[%swap3A_725] {strides = array<i32>} : memref<8192xi32, #tpu.memory_space<vmem>>, vector<16xi32>,
    %swap3A_727 = vector.shape_cast %swap3A_726 : vector<16xi32> to vector<16xi32>
    %swap3A_728 = vector.shape_cast %shift_right_arithmetic3A_724 : vector<16xi32> to vector<16xi32>
    tpu.vector_store %arg6[%swap3A_725], %swap3A_728 {strides = array<i32>} : memref<8192xi32, #tpu.memory_space<vmem>>, vector<16xi32>,
    %dma_start3A_729 = arith.constant 896 : i32
    %dma_start3A_730 = tpu.memref_slice %arg6[%dma_start3A_729] : memref<8192xi32, #tpu.memory_space<vmem>> -> memref<128xi32, #tpu.memory_space<vmem>>
    %dma_start3A_731 = arith.constant 0 : i32
    %dma_start3A_732 = arith.constant 0 : i32
    %dma_start3A_733 = tpu.memref_slice %arg2[%dma_start3A_731, %dma_start3A_732] : memref<65536x128xf32, #tpu.memory_space<hbm>> -> memref<65536x128xf32, #tpu.memory_space<hbm>>
    tpu.enqueue_indirect_dma source(%dma_start3A_733 : memref<65536x128xf32, #tpu.memory_space<hbm>>) target(%arg8 : memref<128x128xf32, #tpu.memory_space<vmem>>) offsets(%dma_start3A_730 : memref<128xi32, #tpu.memory_space<vmem>>) semaphore(%arg14 : memref<!tpu.dma_semaphore, #tpu.memory_space<semaphore_mem>>)
    %dma_wait3A_734 = arith.constant 512 : i32
    %dma_wait3A_735 = tpu.memref_slice %arg6[%dma_wait3A_734] : memref<8192xi32, #tpu.memory_space<vmem>> -> memref<128xi32, #tpu.memory_space<vmem>>
    %dma_wait3A_736 = arith.constant 0 : i32
    %dma_wait3A_737 = arith.constant 0 : i32
    %dma_wait3A_738 = tpu.memref_slice %arg2[%dma_wait3A_736, %dma_wait3A_737] : memref<65536x128xf32, #tpu.memory_space<hbm>> -> memref<65536x128xf32, #tpu.memory_space<hbm>>
    tpu.wait_indirect_dma semaphore(%arg17 : memref<!tpu.dma_semaphore, #tpu.memory_space<semaphore_mem>>) src(%dma_wait3A_738 : memref<65536x128xf32, #tpu.memory_space<hbm>>) dst(%arg11 : memref<128x128xf32, #tpu.memory_space<vmem>>)
    %add3A_739 = arith.constant 512 : i32
    %add3A_740 = arith.addi %mul3A_2, %add3A_739 : i32
    %dma_start3A_741 = arith.constant 0 : i32
    %dma_start3A_742 = tpu.memref_slice %arg4[%add3A_740, %dma_start3A_741] : memref<262144x128xf32, #tpu.memory_space<hbm>> -> memref<128x128xf32, #tpu.memory_space<hbm>>
    %dma_start3A_743 = arith.constant 0 : i32
    %dma_start3A_744 = tpu.memref_slice %arg4[%add3A_740, %dma_start3A_743] : memref<262144x128xf32, #tpu.memory_space<hbm>> -> memref<128x128xf32, #tpu.memory_space<hbm>>
    tpu.enqueue_dma source(%arg11 : memref<128x128xf32, #tpu.memory_space<vmem>>) target(%dma_start3A_744 : memref<128x128xf32, #tpu.memory_space<hbm>>) target_semaphore(%arg23 : memref<!tpu.dma_semaphore, #tpu.memory_space<semaphore_mem>>)
    %add3A_745 = arith.constant 256 : i32
    %add3A_746 = arith.addi %mul3A_2, %add3A_745 : i32
    %dma_wait3A_747 = arith.constant 0 : i32
    %dma_wait3A_748 = tpu.memref_slice %arg4[%add3A_746, %dma_wait3A_747] : memref<262144x128xf32, #tpu.memory_space<hbm>> -> memref<128x128xf32, #tpu.memory_space<hbm>>
    %dma_wait3A_749 = arith.constant 0 : i32
    %dma_wait3A_750 = tpu.memref_slice %arg4[%add3A_746, %dma_wait3A_749] : memref<262144x128xf32, #tpu.memory_space<hbm>> -> memref<128x128xf32, #tpu.memory_space<hbm>>
    tpu.wait_dma2 semaphore(%arg21 : memref<!tpu.dma_semaphore, #tpu.memory_space<semaphore_mem>>) src(%arg9 : memref<128x128xf32, #tpu.memory_space<vmem>>) dst(%dma_wait3A_750 : memref<128x128xf32, #tpu.memory_space<hbm>>)
    %get3A_751 = arith.constant 1024 : index
    %get3A_752 = tpu.vector_load %arg5[%get3A_751] {strides = array<i32>} : memref<8192xi32, #tpu.memory_space<vmem>>, vector<16xi32>,
    %get3A_753 = vector.shape_cast %get3A_752 : vector<16xi32> to vector<16xi32>
    %shift_right_arithmetic3A_754 = arith.constant 3 : i32
    %shift_right_arithmetic3A_755 = vector.broadcast %shift_right_arithmetic3A_754 : i32 to vector<16xi32>
    %shift_right_arithmetic3A_756 = arith.shrsi %get3A_753, %shift_right_arithmetic3A_755 : vector<16xi32>
    %swap3A_757 = arith.constant 1024 : index
    %swap3A_758 = tpu.vector_load %arg6[%swap3A_757] {strides = array<i32>} : memref<8192xi32, #tpu.memory_space<vmem>>, vector<16xi32>,
    %swap3A_759 = vector.shape_cast %swap3A_758 : vector<16xi32> to vector<16xi32>
    %swap3A_760 = vector.shape_cast %shift_right_arithmetic3A_756 : vector<16xi32> to vector<16xi32>
    tpu.vector_store %arg6[%swap3A_757], %swap3A_760 {strides = array<i32>} : memref<8192xi32, #tpu.memory_space<vmem>>, vector<16xi32>,
    %get3A_761 = arith.constant 1040 : index
    %get3A_762 = tpu.vector_load %arg5[%get3A_761] {strides = array<i32>} : memref<8192xi32, #tpu.memory_space<vmem>>, vector<16xi32>,
    %get3A_763 = vector.shape_cast %get3A_762 : vector<16xi32> to vector<16xi32>
    %shift_right_arithmetic3A_764 = arith.constant 3 : i32
    %shift_right_arithmetic3A_765 = vector.broadcast %shift_right_arithmetic3A_764 : i32 to vector<16xi32>
    %shift_right_arithmetic3A_766 = arith.shrsi %get3A_763, %shift_right_arithmetic3A_765 : vector<16xi32>
    %swap3A_767 = arith.constant 1040 : index
    %swap3A_768 = tpu.vector_load %arg6[%swap3A_767] {strides = array<i32>} : memref<8192xi32, #tpu.memory_space<vmem>>, vector<16xi32>,
    %swap3A_769 = vector.shape_cast %swap3A_768 : vector<16xi32> to vector<16xi32>
    %swap3A_770 = vector.shape_cast %shift_right_arithmetic3A_766 : vector<16xi32> to vector<16xi32>
    tpu.vector_store %arg6[%swap3A_767], %swap3A_770 {strides = array<i32>} : memref<8192xi32, #tpu.memory_space<vmem>>, vector<16xi32>,
    %get3A_771 = arith.constant 1056 : index
    %get3A_772 = tpu.vector_load %arg5[%get3A_771] {strides = array<i32>} : memref<8192xi32, #tpu.memory_space<vmem>>, vector<16xi32>,
    %get3A_773 = vector.shape_cast %get3A_772 : vector<16xi32> to vector<16xi32>
    %shift_right_arithmetic3A_774 = arith.constant 3 : i32
    %shift_right_arithmetic3A_775 = vector.broadcast %shift_right_arithmetic3A_774 : i32 to vector<16xi32>
    %shift_right_arithmetic3A_776 = arith.shrsi %get3A_773, %shift_right_arithmetic3A_775 : vector<16xi32>
    %swap3A_777 = arith.constant 1056 : index
    %swap3A_778 = tpu.vector_load %arg6[%swap3A_777] {strides = array<i32>} : memref<8192xi32, #tpu.memory_space<vmem>>, vector<16xi32>,
    %swap3A_779 = vector.shape_cast %swap3A_778 : vector<16xi32> to vector<16xi32>
    %swap3A_780 = vector.shape_cast %shift_right_arithmetic3A_776 : vector<16xi32> to vector<16xi32>
    tpu.vector_store %arg6[%swap3A_777], %swap3A_780 {strides = array<i32>} : memref<8192xi32, #tpu.memory_space<vmem>>, vector<16xi32>,
    %get3A_781 = arith.constant 1072 : index
    %get3A_782 = tpu.vector_load %arg5[%get3A_781] {strides = array<i32>} : memref<8192xi32, #tpu.memory_space<vmem>>, vector<16xi32>,
    %get3A_783 = vector.shape_cast %get3A_782 : vector<16xi32> to vector<16xi32>
    %shift_right_arithmetic3A_784 = arith.constant 3 : i32
    %shift_right_arithmetic3A_785 = vector.broadcast %shift_right_arithmetic3A_784 : i32 to vector<16xi32>
    %shift_right_arithmetic3A_786 = arith.shrsi %get3A_783, %shift_right_arithmetic3A_785 : vector<16xi32>
    %swap3A_787 = arith.constant 1072 : index
    %swap3A_788 = tpu.vector_load %arg6[%swap3A_787] {strides = array<i32>} : memref<8192xi32, #tpu.memory_space<vmem>>, vector<16xi32>,
    %swap3A_789 = vector.shape_cast %swap3A_788 : vector<16xi32> to vector<16xi32>
    %swap3A_790 = vector.shape_cast %shift_right_arithmetic3A_786 : vector<16xi32> to vector<16xi32>
    tpu.vector_store %arg6[%swap3A_787], %swap3A_790 {strides = array<i32>} : memref<8192xi32, #tpu.memory_space<vmem>>, vector<16xi32>,
    %get3A_791 = arith.constant 1088 : index
    %get3A_792 = tpu.vector_load %arg5[%get3A_791] {strides = array<i32>} : memref<8192xi32, #tpu.memory_space<vmem>>, vector<16xi32>,
    %get3A_793 = vector.shape_cast %get3A_792 : vector<16xi32> to vector<16xi32>
    %shift_right_arithmetic3A_794 = arith.constant 3 : i32
    %shift_right_arithmetic3A_795 = vector.broadcast %shift_right_arithmetic3A_794 : i32 to vector<16xi32>
    %shift_right_arithmetic3A_796 = arith.shrsi %get3A_793, %shift_right_arithmetic3A_795 : vector<16xi32>
    %swap3A_797 = arith.constant 1088 : index
    %swap3A_798 = tpu.vector_load %arg6[%swap3A_797] {strides = array<i32>} : memref<8192xi32, #tpu.memory_space<vmem>>, vector<16xi32>,
    %swap3A_799 = vector.shape_cast %swap3A_798 : vector<16xi32> to vector<16xi32>
    %swap3A_800 = vector.shape_cast %shift_right_arithmetic3A_796 : vector<16xi32> to vector<16xi32>
    tpu.vector_store %arg6[%swap3A_797], %swap3A_800 {strides = array<i32>} : memref<8192xi32, #tpu.memory_space<vmem>>, vector<16xi32>,
    %get3A_801 = arith.constant 1104 : index
    %get3A_802 = tpu.vector_load %arg5[%get3A_801] {strides = array<i32>} : memref<8192xi32, #tpu.memory_space<vmem>>, vector<16xi32>,
    %get3A_803 = vector.shape_cast %get3A_802 : vector<16xi32> to vector<16xi32>
    %shift_right_arithmetic3A_804 = arith.constant 3 : i32
    %shift_right_arithmetic3A_805 = vector.broadcast %shift_right_arithmetic3A_804 : i32 to vector<16xi32>
    %shift_right_arithmetic3A_806 = arith.shrsi %get3A_803, %shift_right_arithmetic3A_805 : vector<16xi32>
    %swap3A_807 = arith.constant 1104 : index
    %swap3A_808 = tpu.vector_load %arg6[%swap3A_807] {strides = array<i32>} : memref<8192xi32, #tpu.memory_space<vmem>>, vector<16xi32>,
    %swap3A_809 = vector.shape_cast %swap3A_808 : vector<16xi32> to vector<16xi32>
    %swap3A_810 = vector.shape_cast %shift_right_arithmetic3A_806 : vector<16xi32> to vector<16xi32>
    tpu.vector_store %arg6[%swap3A_807], %swap3A_810 {strides = array<i32>} : memref<8192xi32, #tpu.memory_space<vmem>>, vector<16xi32>,
    %get3A_811 = arith.constant 1120 : index
    %get3A_812 = tpu.vector_load %arg5[%get3A_811] {strides = array<i32>} : memref<8192xi32, #tpu.memory_space<vmem>>, vector<16xi32>,
    %get3A_813 = vector.shape_cast %get3A_812 : vector<16xi32> to vector<16xi32>
    %shift_right_arithmetic3A_814 = arith.constant 3 : i32
    %shift_right_arithmetic3A_815 = vector.broadcast %shift_right_arithmetic3A_814 : i32 to vector<16xi32>
    %shift_right_arithmetic3A_816 = arith.shrsi %get3A_813, %shift_right_arithmetic3A_815 : vector<16xi32>
    %swap3A_817 = arith.constant 1120 : index
    %swap3A_818 = tpu.vector_load %arg6[%swap3A_817] {strides = array<i32>} : memref<8192xi32, #tpu.memory_space<vmem>>, vector<16xi32>,
    %swap3A_819 = vector.shape_cast %swap3A_818 : vector<16xi32> to vector<16xi32>
    %swap3A_820 = vector.shape_cast %shift_right_arithmetic3A_816 : vector<16xi32> to vector<16xi32>
    tpu.vector_store %arg6[%swap3A_817], %swap3A_820 {strides = array<i32>} : memref<8192xi32, #tpu.memory_space<vmem>>, vector<16xi32>,
    %get3A_821 = arith.constant 1136 : index
    %get3A_822 = tpu.vector_load %arg5[%get3A_821] {strides = array<i32>} : memref<8192xi32, #tpu.memory_space<vmem>>, vector<16xi32>,
    %get3A_823 = vector.shape_cast %get3A_822 : vector<16xi32> to vector<16xi32>
    %shift_right_arithmetic3A_824 = arith.constant 3 : i32
    %shift_right_arithmetic3A_825 = vector.broadcast %shift_right_arithmetic3A_824 : i32 to vector<16xi32>
    %shift_right_arithmetic3A_826 = arith.shrsi %get3A_823, %shift_right_arithmetic3A_825 : vector<16xi32>
    %swap3A_827 = arith.constant 1136 : index
    %swap3A_828 = tpu.vector_load %arg6[%swap3A_827] {strides = array<i32>} : memref<8192xi32, #tpu.memory_space<vmem>>, vector<16xi32>,
    %swap3A_829 = vector.shape_cast %swap3A_828 : vector<16xi32> to vector<16xi32>
    %swap3A_830 = vector.shape_cast %shift_right_arithmetic3A_826 : vector<16xi32> to vector<16xi32>
    tpu.vector_store %arg6[%swap3A_827], %swap3A_830 {strides = array<i32>} : memref<8192xi32, #tpu.memory_space<vmem>>, vector<16xi32>,
    %dma_start3A_831 = arith.constant 1024 : i32
    %dma_start3A_832 = tpu.memref_slice %arg6[%dma_start3A_831] : memref<8192xi32, #tpu.memory_space<vmem>> -> memref<128xi32, #tpu.memory_space<vmem>>
    %dma_start3A_833 = arith.constant 0 : i32
    %dma_start3A_834 = arith.constant 0 : i32
    %dma_start3A_835 = tpu.memref_slice %arg2[%dma_start3A_833, %dma_start3A_834] : memref<65536x128xf32, #tpu.memory_space<hbm>> -> memref<65536x128xf32, #tpu.memory_space<hbm>>
    tpu.enqueue_indirect_dma source(%dma_start3A_835 : memref<65536x128xf32, #tpu.memory_space<hbm>>) target(%arg9 : memref<128x128xf32, #tpu.memory_space<vmem>>) offsets(%dma_start3A_832 : memref<128xi32, #tpu.memory_space<vmem>>) semaphore(%arg15 : memref<!tpu.dma_semaphore, #tpu.memory_space<semaphore_mem>>)
    %dma_wait3A_836 = arith.constant 640 : i32
    %dma_wait3A_837 = tpu.memref_slice %arg6[%dma_wait3A_836] : memref<8192xi32, #tpu.memory_space<vmem>> -> memref<128xi32, #tpu.memory_space<vmem>>
    %dma_wait3A_838 = arith.constant 0 : i32
    %dma_wait3A_839 = arith.constant 0 : i32
    %dma_wait3A_840 = tpu.memref_slice %arg2[%dma_wait3A_838, %dma_wait3A_839] : memref<65536x128xf32, #tpu.memory_space<hbm>> -> memref<65536x128xf32, #tpu.memory_space<hbm>>
    tpu.wait_indirect_dma semaphore(%arg18 : memref<!tpu.dma_semaphore, #tpu.memory_space<semaphore_mem>>) src(%dma_wait3A_840 : memref<65536x128xf32, #tpu.memory_space<hbm>>) dst(%arg12 : memref<128x128xf32, #tpu.memory_space<vmem>>)
    %add3A_841 = arith.constant 640 : i32
    %add3A_842 = arith.addi %mul3A_2, %add3A_841 : i32
    %dma_start3A_843 = arith.constant 0 : i32
    %dma_start3A_844 = tpu.memref_slice %arg4[%add3A_842, %dma_start3A_843] : memref<262144x128xf32, #tpu.memory_space<hbm>> -> memref<128x128xf32, #tpu.memory_space<hbm>>
    %dma_start3A_845 = arith.constant 0 : i32
    %dma_start3A_846 = tpu.memref_slice %arg4[%add3A_842, %dma_start3A_845] : memref<262144x128xf32, #tpu.memory_space<hbm>> -> memref<128x128xf32, #tpu.memory_space<hbm>>
    tpu.enqueue_dma source(%arg12 : memref<128x128xf32, #tpu.memory_space<vmem>>) target(%dma_start3A_846 : memref<128x128xf32, #tpu.memory_space<hbm>>) target_semaphore(%arg24 : memref<!tpu.dma_semaphore, #tpu.memory_space<semaphore_mem>>)
    %scan3A = arith.constant 0 : i32
    %scan3A_847 = arith.constant 1 : i32
    %scan3A_848 = arith.constant 8 : i32
    %scan3A_849 = arith.addi %scan3A_847, %scan3A_848 : i32
    %scan3A_850 = arith.constant 1 : i32
    scf.for %scan3A_1635 = %scan3A_847 to %scan3A_849 step %scan3A_850  : i32 {
      %mul3A_1636 = arith.constant 6 : i32
      %mul3A_1637 = arith.muli %mul3A_1636, %scan3A_1635 : i32
      %add3A_1638 = arith.constant 0 : i32
      %add3A_1639 = arith.addi %mul3A_1637, %add3A_1638 : i32
      %sub3A = arith.constant 3 : i32
      %sub3A_1640 = arith.subi %add3A_1639, %sub3A : i32
      %mul3A_1641 = arith.constant 128 : i32
      %mul3A_1642 = arith.muli %sub3A_1640, %mul3A_1641 : i32
      %add3A_1643 = arith.addi %mul3A_2, %mul3A_1642 : i32
      %dma_wait3A_1644 = arith.constant 0 : i32
      %dma_wait3A_1645 = tpu.memref_slice %arg4[%add3A_1643, %dma_wait3A_1644] : memref<262144x128xf32, #tpu.memory_space<hbm>> -> memref<128x128xf32, #tpu.memory_space<hbm>>
      %dma_wait3A_1646 = arith.constant 0 : i32
      %dma_wait3A_1647 = tpu.memref_slice %arg4[%add3A_1643, %dma_wait3A_1646] : memref<262144x128xf32, #tpu.memory_space<hbm>> -> memref<128x128xf32, #tpu.memory_space<hbm>>
      tpu.wait_dma2 semaphore(%arg22 : memref<!tpu.dma_semaphore, #tpu.memory_space<semaphore_mem>>) src(%arg10 : memref<128x128xf32, #tpu.memory_space<vmem>>) dst(%dma_wait3A_1647 : memref<128x128xf32, #tpu.memory_space<hbm>>)
      %add3A_1648 = arith.constant 3 : i32
      %add3A_1649 = arith.addi %add3A_1639, %add3A_1648 : i32
      %mul3A_1650 = arith.constant 128 : i32
      %mul3A_1651 = arith.muli %add3A_1649, %mul3A_1650 : i32
      %add3A_1652 = arith.constant 0 : i32
      %add3A_1653 = arith.addi %mul3A_1651, %add3A_1652 : i32
      %get3A_1654 = arith.index_cast %add3A_1653 : i32 to index
      %get3A_1655 = tpu.vector_load %arg5[%get3A_1654] {strides = array<i32>} : memref<8192xi32, #tpu.memory_space<vmem>>, vector<16xi32>,
      %get3A_1656 = vector.shape_cast %get3A_1655 : vector<16xi32> to vector<16xi32>
      %shift_right_arithmetic3A_1657 = arith.constant 3 : i32
      %shift_right_arithmetic3A_1658 = vector.broadcast %shift_right_arithmetic3A_1657 : i32 to vector<16xi32>
      %shift_right_arithmetic3A_1659 = arith.shrsi %get3A_1656, %shift_right_arithmetic3A_1658 : vector<16xi32>
      %swap3A_1660 = arith.index_cast %add3A_1653 : i32 to index
      %swap3A_1661 = tpu.vector_load %arg6[%swap3A_1660] {strides = array<i32>} : memref<8192xi32, #tpu.memory_space<vmem>>, vector<16xi32>,
      %swap3A_1662 = vector.shape_cast %swap3A_1661 : vector<16xi32> to vector<16xi32>
      %swap3A_1663 = vector.shape_cast %shift_right_arithmetic3A_1659 : vector<16xi32> to vector<16xi32>
      tpu.vector_store %arg6[%swap3A_1660], %swap3A_1663 {strides = array<i32>} : memref<8192xi32, #tpu.memory_space<vmem>>, vector<16xi32>,
      %mul3A_1664 = arith.constant 128 : i32
      %mul3A_1665 = arith.muli %add3A_1649, %mul3A_1664 : i32
      %add3A_1666 = arith.constant 16 : i32
      %add3A_1667 = arith.addi %mul3A_1665, %add3A_1666 : i32
      %get3A_1668 = arith.index_cast %add3A_1667 : i32 to index
      %get3A_1669 = tpu.vector_load %arg5[%get3A_1668] {strides = array<i32>} : memref<8192xi32, #tpu.memory_space<vmem>>, vector<16xi32>,
      %get3A_1670 = vector.shape_cast %get3A_1669 : vector<16xi32> to vector<16xi32>
      %shift_right_arithmetic3A_1671 = arith.constant 3 : i32
      %shift_right_arithmetic3A_1672 = vector.broadcast %shift_right_arithmetic3A_1671 : i32 to vector<16xi32>
      %shift_right_arithmetic3A_1673 = arith.shrsi %get3A_1670, %shift_right_arithmetic3A_1672 : vector<16xi32>
      %swap3A_1674 = arith.index_cast %add3A_1667 : i32 to index
      %swap3A_1675 = tpu.vector_load %arg6[%swap3A_1674] {strides = array<i32>} : memref<8192xi32, #tpu.memory_space<vmem>>, vector<16xi32>,
      %swap3A_1676 = vector.shape_cast %swap3A_1675 : vector<16xi32> to vector<16xi32>
      %swap3A_1677 = vector.shape_cast %shift_right_arithmetic3A_1673 : vector<16xi32> to vector<16xi32>
      tpu.vector_store %arg6[%swap3A_1674], %swap3A_1677 {strides = array<i32>} : memref<8192xi32, #tpu.memory_space<vmem>>, vector<16xi32>,
      %mul3A_1678 = arith.constant 128 : i32
      %mul3A_1679 = arith.muli %add3A_1649, %mul3A_1678 : i32
      %add3A_1680 = arith.constant 32 : i32
      %add3A_1681 = arith.addi %mul3A_1679, %add3A_1680 : i32
      %get3A_1682 = arith.index_cast %add3A_1681 : i32 to index
      %get3A_1683 = tpu.vector_load %arg5[%get3A_1682] {strides = array<i32>} : memref<8192xi32, #tpu.memory_space<vmem>>, vector<16xi32>,
      %get3A_1684 = vector.shape_cast %get3A_1683 : vector<16xi32> to vector<16xi32>
      %shift_right_arithmetic3A_1685 = arith.constant 3 : i32
      %shift_right_arithmetic3A_1686 = vector.broadcast %shift_right_arithmetic3A_1685 : i32 to vector<16xi32>
      %shift_right_arithmetic3A_1687 = arith.shrsi %get3A_1684, %shift_right_arithmetic3A_1686 : vector<16xi32>
      %swap3A_1688 = arith.index_cast %add3A_1681 : i32 to index
      %swap3A_1689 = tpu.vector_load %arg6[%swap3A_1688] {strides = array<i32>} : memref<8192xi32, #tpu.memory_space<vmem>>, vector<16xi32>,
      %swap3A_1690 = vector.shape_cast %swap3A_1689 : vector<16xi32> to vector<16xi32>
      %swap3A_1691 = vector.shape_cast %shift_right_arithmetic3A_1687 : vector<16xi32> to vector<16xi32>
      tpu.vector_store %arg6[%swap3A_1688], %swap3A_1691 {strides = array<i32>} : memref<8192xi32, #tpu.memory_space<vmem>>, vector<16xi32>,
      %mul3A_1692 = arith.constant 128 : i32
      %mul3A_1693 = arith.muli %add3A_1649, %mul3A_1692 : i32
      %add3A_1694 = arith.constant 48 : i32
      %add3A_1695 = arith.addi %mul3A_1693, %add3A_1694 : i32
      %get3A_1696 = arith.index_cast %add3A_1695 : i32 to index
      %get3A_1697 = tpu.vector_load %arg5[%get3A_1696] {strides = array<i32>} : memref<8192xi32, #tpu.memory_space<vmem>>, vector<16xi32>,
      %get3A_1698 = vector.shape_cast %get3A_1697 : vector<16xi32> to vector<16xi32>
      %shift_right_arithmetic3A_1699 = arith.constant 3 : i32
      %shift_right_arithmetic3A_1700 = vector.broadcast %shift_right_arithmetic3A_1699 : i32 to vector<16xi32>
      %shift_right_arithmetic3A_1701 = arith.shrsi %get3A_1698, %shift_right_arithmetic3A_1700 : vector<16xi32>
      %swap3A_1702 = arith.index_cast %add3A_1695 : i32 to index
      %swap3A_1703 = tpu.vector_load %arg6[%swap3A_1702] {strides = array<i32>} : memref<8192xi32, #tpu.memory_space<vmem>>, vector<16xi32>,
      %swap3A_1704 = vector.shape_cast %swap3A_1703 : vector<16xi32> to vector<16xi32>
      %swap3A_1705 = vector.shape_cast %shift_right_arithmetic3A_1701 : vector<16xi32> to vector<16xi32>
      tpu.vector_store %arg6[%swap3A_1702], %swap3A_1705 {strides = array<i32>} : memref<8192xi32, #tpu.memory_space<vmem>>, vector<16xi32>,
      %mul3A_1706 = arith.constant 128 : i32
      %mul3A_1707 = arith.muli %add3A_1649, %mul3A_1706 : i32
      %add3A_1708 = arith.constant 64 : i32
      %add3A_1709 = arith.addi %mul3A_1707, %add3A_1708 : i32
      %get3A_1710 = arith.index_cast %add3A_1709 : i32 to index
      %get3A_1711 = tpu.vector_load %arg5[%get3A_1710] {strides = array<i32>} : memref<8192xi32, #tpu.memory_space<vmem>>, vector<16xi32>,
      %get3A_1712 = vector.shape_cast %get3A_1711 : vector<16xi32> to vector<16xi32>
      %shift_right_arithmetic3A_1713 = arith.constant 3 : i32
      %shift_right_arithmetic3A_1714 = vector.broadcast %shift_right_arithmetic3A_1713 : i32 to vector<16xi32>
      %shift_right_arithmetic3A_1715 = arith.shrsi %get3A_1712, %shift_right_arithmetic3A_1714 : vector<16xi32>
      %swap3A_1716 = arith.index_cast %add3A_1709 : i32 to index
      %swap3A_1717 = tpu.vector_load %arg6[%swap3A_1716] {strides = array<i32>} : memref<8192xi32, #tpu.memory_space<vmem>>, vector<16xi32>,
      %swap3A_1718 = vector.shape_cast %swap3A_1717 : vector<16xi32> to vector<16xi32>
      %swap3A_1719 = vector.shape_cast %shift_right_arithmetic3A_1715 : vector<16xi32> to vector<16xi32>
      tpu.vector_store %arg6[%swap3A_1716], %swap3A_1719 {strides = array<i32>} : memref<8192xi32, #tpu.memory_space<vmem>>, vector<16xi32>,
      %mul3A_1720 = arith.constant 128 : i32
      %mul3A_1721 = arith.muli %add3A_1649, %mul3A_1720 : i32
      %add3A_1722 = arith.constant 80 : i32
      %add3A_1723 = arith.addi %mul3A_1721, %add3A_1722 : i32
      %get3A_1724 = arith.index_cast %add3A_1723 : i32 to index
      %get3A_1725 = tpu.vector_load %arg5[%get3A_1724] {strides = array<i32>} : memref<8192xi32, #tpu.memory_space<vmem>>, vector<16xi32>,
      %get3A_1726 = vector.shape_cast %get3A_1725 : vector<16xi32> to vector<16xi32>
      %shift_right_arithmetic3A_1727 = arith.constant 3 : i32
      %shift_right_arithmetic3A_1728 = vector.broadcast %shift_right_arithmetic3A_1727 : i32 to vector<16xi32>
      %shift_right_arithmetic3A_1729 = arith.shrsi %get3A_1726, %shift_right_arithmetic3A_1728 : vector<16xi32>
      %swap3A_1730 = arith.index_cast %add3A_1723 : i32 to index
      %swap3A_1731 = tpu.vector_load %arg6[%swap3A_1730] {strides = array<i32>} : memref<8192xi32, #tpu.memory_space<vmem>>, vector<16xi32>,
      %swap3A_1732 = vector.shape_cast %swap3A_1731 : vector<16xi32> to vector<16xi32>
      %swap3A_1733 = vector.shape_cast %shift_right_arithmetic3A_1729 : vector<16xi32> to vector<16xi32>
      tpu.vector_store %arg6[%swap3A_1730], %swap3A_1733 {strides = array<i32>} : memref<8192xi32, #tpu.memory_space<vmem>>, vector<16xi32>,
      %mul3A_1734 = arith.constant 128 : i32
      %mul3A_1735 = arith.muli %add3A_1649, %mul3A_1734 : i32
      %add3A_1736 = arith.constant 96 : i32
      %add3A_1737 = arith.addi %mul3A_1735, %add3A_1736 : i32
      %get3A_1738 = arith.index_cast %add3A_1737 : i32 to index
      %get3A_1739 = tpu.vector_load %arg5[%get3A_1738] {strides = array<i32>} : memref<8192xi32, #tpu.memory_space<vmem>>, vector<16xi32>,
      %get3A_1740 = vector.shape_cast %get3A_1739 : vector<16xi32> to vector<16xi32>
      %shift_right_arithmetic3A_1741 = arith.constant 3 : i32
      %shift_right_arithmetic3A_1742 = vector.broadcast %shift_right_arithmetic3A_1741 : i32 to vector<16xi32>
      %shift_right_arithmetic3A_1743 = arith.shrsi %get3A_1740, %shift_right_arithmetic3A_1742 : vector<16xi32>
      %swap3A_1744 = arith.index_cast %add3A_1737 : i32 to index
      %swap3A_1745 = tpu.vector_load %arg6[%swap3A_1744] {strides = array<i32>} : memref<8192xi32, #tpu.memory_space<vmem>>, vector<16xi32>,
      %swap3A_1746 = vector.shape_cast %swap3A_1745 : vector<16xi32> to vector<16xi32>
      %swap3A_1747 = vector.shape_cast %shift_right_arithmetic3A_1743 : vector<16xi32> to vector<16xi32>
      tpu.vector_store %arg6[%swap3A_1744], %swap3A_1747 {strides = array<i32>} : memref<8192xi32, #tpu.memory_space<vmem>>, vector<16xi32>,
      %mul3A_1748 = arith.constant 128 : i32
      %mul3A_1749 = arith.muli %add3A_1649, %mul3A_1748 : i32
      %add3A_1750 = arith.constant 112 : i32
      %add3A_1751 = arith.addi %mul3A_1749, %add3A_1750 : i32
      %get3A_1752 = arith.index_cast %add3A_1751 : i32 to index
      %get3A_1753 = tpu.vector_load %arg5[%get3A_1752] {strides = array<i32>} : memref<8192xi32, #tpu.memory_space<vmem>>, vector<16xi32>,
      %get3A_1754 = vector.shape_cast %get3A_1753 : vector<16xi32> to vector<16xi32>
      %shift_right_arithmetic3A_1755 = arith.constant 3 : i32
      %shift_right_arithmetic3A_1756 = vector.broadcast %shift_right_arithmetic3A_1755 : i32 to vector<16xi32>
      %shift_right_arithmetic3A_1757 = arith.shrsi %get3A_1754, %shift_right_arithmetic3A_1756 : vector<16xi32>
      %swap3A_1758 = arith.index_cast %add3A_1751 : i32 to index
      %swap3A_1759 = tpu.vector_load %arg6[%swap3A_1758] {strides = array<i32>} : memref<8192xi32, #tpu.memory_space<vmem>>, vector<16xi32>,
      %swap3A_1760 = vector.shape_cast %swap3A_1759 : vector<16xi32> to vector<16xi32>
      %swap3A_1761 = vector.shape_cast %shift_right_arithmetic3A_1757 : vector<16xi32> to vector<16xi32>
      tpu.vector_store %arg6[%swap3A_1758], %swap3A_1761 {strides = array<i32>} : memref<8192xi32, #tpu.memory_space<vmem>>, vector<16xi32>,
      %add3A_1762 = arith.constant 3 : i32
      %add3A_1763 = arith.addi %add3A_1639, %add3A_1762 : i32
      %mul3A_1764 = arith.constant 128 : i32
      %mul3A_1765 = arith.muli %add3A_1763, %mul3A_1764 : i32
      %dma_start3A_1766 = tpu.memref_slice %arg6[%mul3A_1765] : memref<8192xi32, #tpu.memory_space<vmem>> -> memref<128xi32, #tpu.memory_space<vmem>>
      %dma_start3A_1767 = arith.constant 0 : i32
      %dma_start3A_1768 = arith.constant 0 : i32
      %dma_start3A_1769 = tpu.memref_slice %arg2[%dma_start3A_1767, %dma_start3A_1768] : memref<65536x128xf32, #tpu.memory_space<hbm>> -> memref<65536x128xf32, #tpu.memory_space<hbm>>
      tpu.enqueue_indirect_dma source(%dma_start3A_1769 : memref<65536x128xf32, #tpu.memory_space<hbm>>) target(%arg10 : memref<128x128xf32, #tpu.memory_space<vmem>>) offsets(%dma_start3A_1766 : memref<128xi32, #tpu.memory_space<vmem>>) semaphore(%arg16 : memref<!tpu.dma_semaphore, #tpu.memory_space<semaphore_mem>>)
      %mul3A_1770 = arith.constant 128 : i32
      %mul3A_1771 = arith.muli %add3A_1639, %mul3A_1770 : i32
      %dma_wait3A_1772 = tpu.memref_slice %arg6[%mul3A_1771] : memref<8192xi32, #tpu.memory_space<vmem>> -> memref<128xi32, #tpu.memory_space<vmem>>
      %dma_wait3A_1773 = arith.constant 0 : i32
      %dma_wait3A_1774 = arith.constant 0 : i32
      %dma_wait3A_1775 = tpu.memref_slice %arg2[%dma_wait3A_1773, %dma_wait3A_1774] : memref<65536x128xf32, #tpu.memory_space<hbm>> -> memref<65536x128xf32, #tpu.memory_space<hbm>>
      tpu.wait_indirect_dma semaphore(%arg13 : memref<!tpu.dma_semaphore, #tpu.memory_space<semaphore_mem>>) src(%dma_wait3A_1775 : memref<65536x128xf32, #tpu.memory_space<hbm>>) dst(%arg7 : memref<128x128xf32, #tpu.memory_space<vmem>>)
      %mul3A_1776 = arith.constant 128 : i32
      %mul3A_1777 = arith.muli %add3A_1639, %mul3A_1776 : i32
      %add3A_1778 = arith.addi %mul3A_2, %mul3A_1777 : i32
      %dma_start3A_1779 = arith.constant 0 : i32
      %dma_start3A_1780 = tpu.memref_slice %arg4[%add3A_1778, %dma_start3A_1779] : memref<262144x128xf32, #tpu.memory_space<hbm>> -> memref<128x128xf32, #tpu.memory_space<hbm>>
      %dma_start3A_1781 = arith.constant 0 : i32
      %dma_start3A_1782 = tpu.memref_slice %arg4[%add3A_1778, %dma_start3A_1781] : memref<262144x128xf32, #tpu.memory_space<hbm>> -> memref<128x128xf32, #tpu.memory_space<hbm>>
      tpu.enqueue_dma source(%arg7 : memref<128x128xf32, #tpu.memory_space<vmem>>) target(%dma_start3A_1782 : memref<128x128xf32, #tpu.memory_space<hbm>>) target_semaphore(%arg19 : memref<!tpu.dma_semaphore, #tpu.memory_space<semaphore_mem>>)
      %mul3A_1783 = arith.constant 6 : i32
      %mul3A_1784 = arith.muli %mul3A_1783, %scan3A_1635 : i32
      %add3A_1785 = arith.constant 1 : i32
      %add3A_1786 = arith.addi %mul3A_1784, %add3A_1785 : i32
      %sub3A_1787 = arith.constant 3 : i32
      %sub3A_1788 = arith.subi %add3A_1786, %sub3A_1787 : i32
      %mul3A_1789 = arith.constant 128 : i32
      %mul3A_1790 = arith.muli %sub3A_1788, %mul3A_1789 : i32
      %add3A_1791 = arith.addi %mul3A_2, %mul3A_1790 : i32
      %dma_wait3A_1792 = arith.constant 0 : i32
      %dma_wait3A_1793 = tpu.memref_slice %arg4[%add3A_1791, %dma_wait3A_1792] : memref<262144x128xf32, #tpu.memory_space<hbm>> -> memref<128x128xf32, #tpu.memory_space<hbm>>
      %dma_wait3A_1794 = arith.constant 0 : i32
      %dma_wait3A_1795 = tpu.memref_slice %arg4[%add3A_1791, %dma_wait3A_1794] : memref<262144x128xf32, #tpu.memory_space<hbm>> -> memref<128x128xf32, #tpu.memory_space<hbm>>
      tpu.wait_dma2 semaphore(%arg23 : memref<!tpu.dma_semaphore, #tpu.memory_space<semaphore_mem>>) src(%arg11 : memref<128x128xf32, #tpu.memory_space<vmem>>) dst(%dma_wait3A_1795 : memref<128x128xf32, #tpu.memory_space<hbm>>)
      %add3A_1796 = arith.constant 3 : i32
      %add3A_1797 = arith.addi %add3A_1786, %add3A_1796 : i32
      %mul3A_1798 = arith.constant 128 : i32
      %mul3A_1799 = arith.muli %add3A_1797, %mul3A_1798 : i32
      %add3A_1800 = arith.constant 0 : i32
      %add3A_1801 = arith.addi %mul3A_1799, %add3A_1800 : i32
      %get3A_1802 = arith.index_cast %add3A_1801 : i32 to index
      %get3A_1803 = tpu.vector_load %arg5[%get3A_1802] {strides = array<i32>} : memref<8192xi32, #tpu.memory_space<vmem>>, vector<16xi32>,
      %get3A_1804 = vector.shape_cast %get3A_1803 : vector<16xi32> to vector<16xi32>
      %shift_right_arithmetic3A_1805 = arith.constant 3 : i32
      %shift_right_arithmetic3A_1806 = vector.broadcast %shift_right_arithmetic3A_1805 : i32 to vector<16xi32>
      %shift_right_arithmetic3A_1807 = arith.shrsi %get3A_1804, %shift_right_arithmetic3A_1806 : vector<16xi32>
      %swap3A_1808 = arith.index_cast %add3A_1801 : i32 to index
      %swap3A_1809 = tpu.vector_load %arg6[%swap3A_1808] {strides = array<i32>} : memref<8192xi32, #tpu.memory_space<vmem>>, vector<16xi32>,
      %swap3A_1810 = vector.shape_cast %swap3A_1809 : vector<16xi32> to vector<16xi32>
      %swap3A_1811 = vector.shape_cast %shift_right_arithmetic3A_1807 : vector<16xi32> to vector<16xi32>
      tpu.vector_store %arg6[%swap3A_1808], %swap3A_1811 {strides = array<i32>} : memref<8192xi32, #tpu.memory_space<vmem>>, vector<16xi32>,
      %mul3A_1812 = arith.constant 128 : i32
      %mul3A_1813 = arith.muli %add3A_1797, %mul3A_1812 : i32
      %add3A_1814 = arith.constant 16 : i32
      %add3A_1815 = arith.addi %mul3A_1813, %add3A_1814 : i32
      %get3A_1816 = arith.index_cast %add3A_1815 : i32 to index
      %get3A_1817 = tpu.vector_load %arg5[%get3A_1816] {strides = array<i32>} : memref<8192xi32, #tpu.memory_space<vmem>>, vector<16xi32>,
      %get3A_1818 = vector.shape_cast %get3A_1817 : vector<16xi32> to vector<16xi32>
      %shift_right_arithmetic3A_1819 = arith.constant 3 : i32
      %shift_right_arithmetic3A_1820 = vector.broadcast %shift_right_arithmetic3A_1819 : i32 to vector<16xi32>
      %shift_right_arithmetic3A_1821 = arith.shrsi %get3A_1818, %shift_right_arithmetic3A_1820 : vector<16xi32>
      %swap3A_1822 = arith.index_cast %add3A_1815 : i32 to index
      %swap3A_1823 = tpu.vector_load %arg6[%swap3A_1822] {strides = array<i32>} : memref<8192xi32, #tpu.memory_space<vmem>>, vector<16xi32>,
      %swap3A_1824 = vector.shape_cast %swap3A_1823 : vector<16xi32> to vector<16xi32>
      %swap3A_1825 = vector.shape_cast %shift_right_arithmetic3A_1821 : vector<16xi32> to vector<16xi32>
      tpu.vector_store %arg6[%swap3A_1822], %swap3A_1825 {strides = array<i32>} : memref<8192xi32, #tpu.memory_space<vmem>>, vector<16xi32>,
      %mul3A_1826 = arith.constant 128 : i32
      %mul3A_1827 = arith.muli %add3A_1797, %mul3A_1826 : i32
      %add3A_1828 = arith.constant 32 : i32
      %add3A_1829 = arith.addi %mul3A_1827, %add3A_1828 : i32
      %get3A_1830 = arith.index_cast %add3A_1829 : i32 to index
      %get3A_1831 = tpu.vector_load %arg5[%get3A_1830] {strides = array<i32>} : memref<8192xi32, #tpu.memory_space<vmem>>, vector<16xi32>,
      %get3A_1832 = vector.shape_cast %get3A_1831 : vector<16xi32> to vector<16xi32>
      %shift_right_arithmetic3A_1833 = arith.constant 3 : i32
      %shift_right_arithmetic3A_1834 = vector.broadcast %shift_right_arithmetic3A_1833 : i32 to vector<16xi32>
      %shift_right_arithmetic3A_1835 = arith.shrsi %get3A_1832, %shift_right_arithmetic3A_1834 : vector<16xi32>
      %swap3A_1836 = arith.index_cast %add3A_1829 : i32 to index
      %swap3A_1837 = tpu.vector_load %arg6[%swap3A_1836] {strides = array<i32>} : memref<8192xi32, #tpu.memory_space<vmem>>, vector<16xi32>,
      %swap3A_1838 = vector.shape_cast %swap3A_1837 : vector<16xi32> to vector<16xi32>
      %swap3A_1839 = vector.shape_cast %shift_right_arithmetic3A_1835 : vector<16xi32> to vector<16xi32>
      tpu.vector_store %arg6[%swap3A_1836], %swap3A_1839 {strides = array<i32>} : memref<8192xi32, #tpu.memory_space<vmem>>, vector<16xi32>,
      %mul3A_1840 = arith.constant 128 : i32
      %mul3A_1841 = arith.muli %add3A_1797, %mul3A_1840 : i32
      %add3A_1842 = arith.constant 48 : i32
      %add3A_1843 = arith.addi %mul3A_1841, %add3A_1842 : i32
      %get3A_1844 = arith.index_cast %add3A_1843 : i32 to index
      %get3A_1845 = tpu.vector_load %arg5[%get3A_1844] {strides = array<i32>} : memref<8192xi32, #tpu.memory_space<vmem>>, vector<16xi32>,
      %get3A_1846 = vector.shape_cast %get3A_1845 : vector<16xi32> to vector<16xi32>
      %shift_right_arithmetic3A_1847 = arith.constant 3 : i32
      %shift_right_arithmetic3A_1848 = vector.broadcast %shift_right_arithmetic3A_1847 : i32 to vector<16xi32>
      %shift_right_arithmetic3A_1849 = arith.shrsi %get3A_1846, %shift_right_arithmetic3A_1848 : vector<16xi32>
      %swap3A_1850 = arith.index_cast %add3A_1843 : i32 to index
      %swap3A_1851 = tpu.vector_load %arg6[%swap3A_1850] {strides = array<i32>} : memref<8192xi32, #tpu.memory_space<vmem>>, vector<16xi32>,
      %swap3A_1852 = vector.shape_cast %swap3A_1851 : vector<16xi32> to vector<16xi32>
      %swap3A_1853 = vector.shape_cast %shift_right_arithmetic3A_1849 : vector<16xi32> to vector<16xi32>
      tpu.vector_store %arg6[%swap3A_1850], %swap3A_1853 {strides = array<i32>} : memref<8192xi32, #tpu.memory_space<vmem>>, vector<16xi32>,
      %mul3A_1854 = arith.constant 128 : i32
      %mul3A_1855 = arith.muli %add3A_1797, %mul3A_1854 : i32
      %add3A_1856 = arith.constant 64 : i32
      %add3A_1857 = arith.addi %mul3A_1855, %add3A_1856 : i32
      %get3A_1858 = arith.index_cast %add3A_1857 : i32 to index
      %get3A_1859 = tpu.vector_load %arg5[%get3A_1858] {strides = array<i32>} : memref<8192xi32, #tpu.memory_space<vmem>>, vector<16xi32>,
      %get3A_1860 = vector.shape_cast %get3A_1859 : vector<16xi32> to vector<16xi32>
      %shift_right_arithmetic3A_1861 = arith.constant 3 : i32
      %shift_right_arithmetic3A_1862 = vector.broadcast %shift_right_arithmetic3A_1861 : i32 to vector<16xi32>
      %shift_right_arithmetic3A_1863 = arith.shrsi %get3A_1860, %shift_right_arithmetic3A_1862 : vector<16xi32>
      %swap3A_1864 = arith.index_cast %add3A_1857 : i32 to index
      %swap3A_1865 = tpu.vector_load %arg6[%swap3A_1864] {strides = array<i32>} : memref<8192xi32, #tpu.memory_space<vmem>>, vector<16xi32>,
      %swap3A_1866 = vector.shape_cast %swap3A_1865 : vector<16xi32> to vector<16xi32>
      %swap3A_1867 = vector.shape_cast %shift_right_arithmetic3A_1863 : vector<16xi32> to vector<16xi32>
      tpu.vector_store %arg6[%swap3A_1864], %swap3A_1867 {strides = array<i32>} : memref<8192xi32, #tpu.memory_space<vmem>>, vector<16xi32>,
      %mul3A_1868 = arith.constant 128 : i32
      %mul3A_1869 = arith.muli %add3A_1797, %mul3A_1868 : i32
      %add3A_1870 = arith.constant 80 : i32
      %add3A_1871 = arith.addi %mul3A_1869, %add3A_1870 : i32
      %get3A_1872 = arith.index_cast %add3A_1871 : i32 to index
      %get3A_1873 = tpu.vector_load %arg5[%get3A_1872] {strides = array<i32>} : memref<8192xi32, #tpu.memory_space<vmem>>, vector<16xi32>,
      %get3A_1874 = vector.shape_cast %get3A_1873 : vector<16xi32> to vector<16xi32>
      %shift_right_arithmetic3A_1875 = arith.constant 3 : i32
      %shift_right_arithmetic3A_1876 = vector.broadcast %shift_right_arithmetic3A_1875 : i32 to vector<16xi32>
      %shift_right_arithmetic3A_1877 = arith.shrsi %get3A_1874, %shift_right_arithmetic3A_1876 : vector<16xi32>
      %swap3A_1878 = arith.index_cast %add3A_1871 : i32 to index
      %swap3A_1879 = tpu.vector_load %arg6[%swap3A_1878] {strides = array<i32>} : memref<8192xi32, #tpu.memory_space<vmem>>, vector<16xi32>,
      %swap3A_1880 = vector.shape_cast %swap3A_1879 : vector<16xi32> to vector<16xi32>
      %swap3A_1881 = vector.shape_cast %shift_right_arithmetic3A_1877 : vector<16xi32> to vector<16xi32>
      tpu.vector_store %arg6[%swap3A_1878], %swap3A_1881 {strides = array<i32>} : memref<8192xi32, #tpu.memory_space<vmem>>, vector<16xi32>,
      %mul3A_1882 = arith.constant 128 : i32
      %mul3A_1883 = arith.muli %add3A_1797, %mul3A_1882 : i32
      %add3A_1884 = arith.constant 96 : i32
      %add3A_1885 = arith.addi %mul3A_1883, %add3A_1884 : i32
      %get3A_1886 = arith.index_cast %add3A_1885 : i32 to index
      %get3A_1887 = tpu.vector_load %arg5[%get3A_1886] {strides = array<i32>} : memref<8192xi32, #tpu.memory_space<vmem>>, vector<16xi32>,
      %get3A_1888 = vector.shape_cast %get3A_1887 : vector<16xi32> to vector<16xi32>
      %shift_right_arithmetic3A_1889 = arith.constant 3 : i32
      %shift_right_arithmetic3A_1890 = vector.broadcast %shift_right_arithmetic3A_1889 : i32 to vector<16xi32>
      %shift_right_arithmetic3A_1891 = arith.shrsi %get3A_1888, %shift_right_arithmetic3A_1890 : vector<16xi32>
      %swap3A_1892 = arith.index_cast %add3A_1885 : i32 to index
      %swap3A_1893 = tpu.vector_load %arg6[%swap3A_1892] {strides = array<i32>} : memref<8192xi32, #tpu.memory_space<vmem>>, vector<16xi32>,
      %swap3A_1894 = vector.shape_cast %swap3A_1893 : vector<16xi32> to vector<16xi32>
      %swap3A_1895 = vector.shape_cast %shift_right_arithmetic3A_1891 : vector<16xi32> to vector<16xi32>
      tpu.vector_store %arg6[%swap3A_1892], %swap3A_1895 {strides = array<i32>} : memref<8192xi32, #tpu.memory_space<vmem>>, vector<16xi32>,
      %mul3A_1896 = arith.constant 128 : i32
      %mul3A_1897 = arith.muli %add3A_1797, %mul3A_1896 : i32
      %add3A_1898 = arith.constant 112 : i32
      %add3A_1899 = arith.addi %mul3A_1897, %add3A_1898 : i32
      %get3A_1900 = arith.index_cast %add3A_1899 : i32 to index
      %get3A_1901 = tpu.vector_load %arg5[%get3A_1900] {strides = array<i32>} : memref<8192xi32, #tpu.memory_space<vmem>>, vector<16xi32>,
      %get3A_1902 = vector.shape_cast %get3A_1901 : vector<16xi32> to vector<16xi32>
      %shift_right_arithmetic3A_1903 = arith.constant 3 : i32
      %shift_right_arithmetic3A_1904 = vector.broadcast %shift_right_arithmetic3A_1903 : i32 to vector<16xi32>
      %shift_right_arithmetic3A_1905 = arith.shrsi %get3A_1902, %shift_right_arithmetic3A_1904 : vector<16xi32>
      %swap3A_1906 = arith.index_cast %add3A_1899 : i32 to index
      %swap3A_1907 = tpu.vector_load %arg6[%swap3A_1906] {strides = array<i32>} : memref<8192xi32, #tpu.memory_space<vmem>>, vector<16xi32>,
      %swap3A_1908 = vector.shape_cast %swap3A_1907 : vector<16xi32> to vector<16xi32>
      %swap3A_1909 = vector.shape_cast %shift_right_arithmetic3A_1905 : vector<16xi32> to vector<16xi32>
      tpu.vector_store %arg6[%swap3A_1906], %swap3A_1909 {strides = array<i32>} : memref<8192xi32, #tpu.memory_space<vmem>>, vector<16xi32>,
      %add3A_1910 = arith.constant 3 : i32
      %add3A_1911 = arith.addi %add3A_1786, %add3A_1910 : i32
      %mul3A_1912 = arith.constant 128 : i32
      %mul3A_1913 = arith.muli %add3A_1911, %mul3A_1912 : i32
      %dma_start3A_1914 = tpu.memref_slice %arg6[%mul3A_1913] : memref<8192xi32, #tpu.memory_space<vmem>> -> memref<128xi32, #tpu.memory_space<vmem>>
      %dma_start3A_1915 = arith.constant 0 : i32
      %dma_start3A_1916 = arith.constant 0 : i32
      %dma_start3A_1917 = tpu.memref_slice %arg2[%dma_start3A_1915, %dma_start3A_1916] : memref<65536x128xf32, #tpu.memory_space<hbm>> -> memref<65536x128xf32, #tpu.memory_space<hbm>>
      tpu.enqueue_indirect_dma source(%dma_start3A_1917 : memref<65536x128xf32, #tpu.memory_space<hbm>>) target(%arg11 : memref<128x128xf32, #tpu.memory_space<vmem>>) offsets(%dma_start3A_1914 : memref<128xi32, #tpu.memory_space<vmem>>) semaphore(%arg17 : memref<!tpu.dma_semaphore, #tpu.memory_space<semaphore_mem>>)
      %mul3A_1918 = arith.constant 128 : i32
      %mul3A_1919 = arith.muli %add3A_1786, %mul3A_1918 : i32
      %dma_wait3A_1920 = tpu.memref_slice %arg6[%mul3A_1919] : memref<8192xi32, #tpu.memory_space<vmem>> -> memref<128xi32, #tpu.memory_space<vmem>>
      %dma_wait3A_1921 = arith.constant 0 : i32
      %dma_wait3A_1922 = arith.constant 0 : i32
      %dma_wait3A_1923 = tpu.memref_slice %arg2[%dma_wait3A_1921, %dma_wait3A_1922] : memref<65536x128xf32, #tpu.memory_space<hbm>> -> memref<65536x128xf32, #tpu.memory_space<hbm>>
      tpu.wait_indirect_dma semaphore(%arg14 : memref<!tpu.dma_semaphore, #tpu.memory_space<semaphore_mem>>) src(%dma_wait3A_1923 : memref<65536x128xf32, #tpu.memory_space<hbm>>) dst(%arg8 : memref<128x128xf32, #tpu.memory_space<vmem>>)
      %mul3A_1924 = arith.constant 128 : i32
      %mul3A_1925 = arith.muli %add3A_1786, %mul3A_1924 : i32
      %add3A_1926 = arith.addi %mul3A_2, %mul3A_1925 : i32
      %dma_start3A_1927 = arith.constant 0 : i32
      %dma_start3A_1928 = tpu.memref_slice %arg4[%add3A_1926, %dma_start3A_1927] : memref<262144x128xf32, #tpu.memory_space<hbm>> -> memref<128x128xf32, #tpu.memory_space<hbm>>
      %dma_start3A_1929 = arith.constant 0 : i32
      %dma_start3A_1930 = tpu.memref_slice %arg4[%add3A_1926, %dma_start3A_1929] : memref<262144x128xf32, #tpu.memory_space<hbm>> -> memref<128x128xf32, #tpu.memory_space<hbm>>
      tpu.enqueue_dma source(%arg8 : memref<128x128xf32, #tpu.memory_space<vmem>>) target(%dma_start3A_1930 : memref<128x128xf32, #tpu.memory_space<hbm>>) target_semaphore(%arg20 : memref<!tpu.dma_semaphore, #tpu.memory_space<semaphore_mem>>)
      %mul3A_1931 = arith.constant 6 : i32
      %mul3A_1932 = arith.muli %mul3A_1931, %scan3A_1635 : i32
      %add3A_1933 = arith.constant 2 : i32
      %add3A_1934 = arith.addi %mul3A_1932, %add3A_1933 : i32
      %sub3A_1935 = arith.constant 3 : i32
      %sub3A_1936 = arith.subi %add3A_1934, %sub3A_1935 : i32
      %mul3A_1937 = arith.constant 128 : i32
      %mul3A_1938 = arith.muli %sub3A_1936, %mul3A_1937 : i32
      %add3A_1939 = arith.addi %mul3A_2, %mul3A_1938 : i32
      %dma_wait3A_1940 = arith.constant 0 : i32
      %dma_wait3A_1941 = tpu.memref_slice %arg4[%add3A_1939, %dma_wait3A_1940] : memref<262144x128xf32, #tpu.memory_space<hbm>> -> memref<128x128xf32, #tpu.memory_space<hbm>>
      %dma_wait3A_1942 = arith.constant 0 : i32
      %dma_wait3A_1943 = tpu.memref_slice %arg4[%add3A_1939, %dma_wait3A_1942] : memref<262144x128xf32, #tpu.memory_space<hbm>> -> memref<128x128xf32, #tpu.memory_space<hbm>>
      tpu.wait_dma2 semaphore(%arg24 : memref<!tpu.dma_semaphore, #tpu.memory_space<semaphore_mem>>) src(%arg12 : memref<128x128xf32, #tpu.memory_space<vmem>>) dst(%dma_wait3A_1943 : memref<128x128xf32, #tpu.memory_space<hbm>>)
      %add3A_1944 = arith.constant 3 : i32
      %add3A_1945 = arith.addi %add3A_1934, %add3A_1944 : i32
      %mul3A_1946 = arith.constant 128 : i32
      %mul3A_1947 = arith.muli %add3A_1945, %mul3A_1946 : i32
      %add3A_1948 = arith.constant 0 : i32
      %add3A_1949 = arith.addi %mul3A_1947, %add3A_1948 : i32
      %get3A_1950 = arith.index_cast %add3A_1949 : i32 to index
      %get3A_1951 = tpu.vector_load %arg5[%get3A_1950] {strides = array<i32>} : memref<8192xi32, #tpu.memory_space<vmem>>, vector<16xi32>,
      %get3A_1952 = vector.shape_cast %get3A_1951 : vector<16xi32> to vector<16xi32>
      %shift_right_arithmetic3A_1953 = arith.constant 3 : i32
      %shift_right_arithmetic3A_1954 = vector.broadcast %shift_right_arithmetic3A_1953 : i32 to vector<16xi32>
      %shift_right_arithmetic3A_1955 = arith.shrsi %get3A_1952, %shift_right_arithmetic3A_1954 : vector<16xi32>
      %swap3A_1956 = arith.index_cast %add3A_1949 : i32 to index
      %swap3A_1957 = tpu.vector_load %arg6[%swap3A_1956] {strides = array<i32>} : memref<8192xi32, #tpu.memory_space<vmem>>, vector<16xi32>,
      %swap3A_1958 = vector.shape_cast %swap3A_1957 : vector<16xi32> to vector<16xi32>
      %swap3A_1959 = vector.shape_cast %shift_right_arithmetic3A_1955 : vector<16xi32> to vector<16xi32>
      tpu.vector_store %arg6[%swap3A_1956], %swap3A_1959 {strides = array<i32>} : memref<8192xi32, #tpu.memory_space<vmem>>, vector<16xi32>,
      %mul3A_1960 = arith.constant 128 : i32
      %mul3A_1961 = arith.muli %add3A_1945, %mul3A_1960 : i32
      %add3A_1962 = arith.constant 16 : i32
      %add3A_1963 = arith.addi %mul3A_1961, %add3A_1962 : i32
      %get3A_1964 = arith.index_cast %add3A_1963 : i32 to index
      %get3A_1965 = tpu.vector_load %arg5[%get3A_1964] {strides = array<i32>} : memref<8192xi32, #tpu.memory_space<vmem>>, vector<16xi32>,
      %get3A_1966 = vector.shape_cast %get3A_1965 : vector<16xi32> to vector<16xi32>
      %shift_right_arithmetic3A_1967 = arith.constant 3 : i32
      %shift_right_arithmetic3A_1968 = vector.broadcast %shift_right_arithmetic3A_1967 : i32 to vector<16xi32>
      %shift_right_arithmetic3A_1969 = arith.shrsi %get3A_1966, %shift_right_arithmetic3A_1968 : vector<16xi32>
      %swap3A_1970 = arith.index_cast %add3A_1963 : i32 to index
      %swap3A_1971 = tpu.vector_load %arg6[%swap3A_1970] {strides = array<i32>} : memref<8192xi32, #tpu.memory_space<vmem>>, vector<16xi32>,
      %swap3A_1972 = vector.shape_cast %swap3A_1971 : vector<16xi32> to vector<16xi32>
      %swap3A_1973 = vector.shape_cast %shift_right_arithmetic3A_1969 : vector<16xi32> to vector<16xi32>
      tpu.vector_store %arg6[%swap3A_1970], %swap3A_1973 {strides = array<i32>} : memref<8192xi32, #tpu.memory_space<vmem>>, vector<16xi32>,
      %mul3A_1974 = arith.constant 128 : i32
      %mul3A_1975 = arith.muli %add3A_1945, %mul3A_1974 : i32
      %add3A_1976 = arith.constant 32 : i32
      %add3A_1977 = arith.addi %mul3A_1975, %add3A_1976 : i32
      %get3A_1978 = arith.index_cast %add3A_1977 : i32 to index
      %get3A_1979 = tpu.vector_load %arg5[%get3A_1978] {strides = array<i32>} : memref<8192xi32, #tpu.memory_space<vmem>>, vector<16xi32>,
      %get3A_1980 = vector.shape_cast %get3A_1979 : vector<16xi32> to vector<16xi32>
      %shift_right_arithmetic3A_1981 = arith.constant 3 : i32
      %shift_right_arithmetic3A_1982 = vector.broadcast %shift_right_arithmetic3A_1981 : i32 to vector<16xi32>
      %shift_right_arithmetic3A_1983 = arith.shrsi %get3A_1980, %shift_right_arithmetic3A_1982 : vector<16xi32>
      %swap3A_1984 = arith.index_cast %add3A_1977 : i32 to index
      %swap3A_1985 = tpu.vector_load %arg6[%swap3A_1984] {strides = array<i32>} : memref<8192xi32, #tpu.memory_space<vmem>>, vector<16xi32>,
      %swap3A_1986 = vector.shape_cast %swap3A_1985 : vector<16xi32> to vector<16xi32>
      %swap3A_1987 = vector.shape_cast %shift_right_arithmetic3A_1983 : vector<16xi32> to vector<16xi32>
      tpu.vector_store %arg6[%swap3A_1984], %swap3A_1987 {strides = array<i32>} : memref<8192xi32, #tpu.memory_space<vmem>>, vector<16xi32>,
      %mul3A_1988 = arith.constant 128 : i32
      %mul3A_1989 = arith.muli %add3A_1945, %mul3A_1988 : i32
      %add3A_1990 = arith.constant 48 : i32
      %add3A_1991 = arith.addi %mul3A_1989, %add3A_1990 : i32
      %get3A_1992 = arith.index_cast %add3A_1991 : i32 to index
      %get3A_1993 = tpu.vector_load %arg5[%get3A_1992] {strides = array<i32>} : memref<8192xi32, #tpu.memory_space<vmem>>, vector<16xi32>,
      %get3A_1994 = vector.shape_cast %get3A_1993 : vector<16xi32> to vector<16xi32>
      %shift_right_arithmetic3A_1995 = arith.constant 3 : i32
      %shift_right_arithmetic3A_1996 = vector.broadcast %shift_right_arithmetic3A_1995 : i32 to vector<16xi32>
      %shift_right_arithmetic3A_1997 = arith.shrsi %get3A_1994, %shift_right_arithmetic3A_1996 : vector<16xi32>
      %swap3A_1998 = arith.index_cast %add3A_1991 : i32 to index
      %swap3A_1999 = tpu.vector_load %arg6[%swap3A_1998] {strides = array<i32>} : memref<8192xi32, #tpu.memory_space<vmem>>, vector<16xi32>,
      %swap3A_2000 = vector.shape_cast %swap3A_1999 : vector<16xi32> to vector<16xi32>
      %swap3A_2001 = vector.shape_cast %shift_right_arithmetic3A_1997 : vector<16xi32> to vector<16xi32>
      tpu.vector_store %arg6[%swap3A_1998], %swap3A_2001 {strides = array<i32>} : memref<8192xi32, #tpu.memory_space<vmem>>, vector<16xi32>,
      %mul3A_2002 = arith.constant 128 : i32
      %mul3A_2003 = arith.muli %add3A_1945, %mul3A_2002 : i32
      %add3A_2004 = arith.constant 64 : i32
      %add3A_2005 = arith.addi %mul3A_2003, %add3A_2004 : i32
      %get3A_2006 = arith.index_cast %add3A_2005 : i32 to index
      %get3A_2007 = tpu.vector_load %arg5[%get3A_2006] {strides = array<i32>} : memref<8192xi32, #tpu.memory_space<vmem>>, vector<16xi32>,
      %get3A_2008 = vector.shape_cast %get3A_2007 : vector<16xi32> to vector<16xi32>
      %shift_right_arithmetic3A_2009 = arith.constant 3 : i32
      %shift_right_arithmetic3A_2010 = vector.broadcast %shift_right_arithmetic3A_2009 : i32 to vector<16xi32>
      %shift_right_arithmetic3A_2011 = arith.shrsi %get3A_2008, %shift_right_arithmetic3A_2010 : vector<16xi32>
      %swap3A_2012 = arith.index_cast %add3A_2005 : i32 to index
      %swap3A_2013 = tpu.vector_load %arg6[%swap3A_2012] {strides = array<i32>} : memref<8192xi32, #tpu.memory_space<vmem>>, vector<16xi32>,
      %swap3A_2014 = vector.shape_cast %swap3A_2013 : vector<16xi32> to vector<16xi32>
      %swap3A_2015 = vector.shape_cast %shift_right_arithmetic3A_2011 : vector<16xi32> to vector<16xi32>
      tpu.vector_store %arg6[%swap3A_2012], %swap3A_2015 {strides = array<i32>} : memref<8192xi32, #tpu.memory_space<vmem>>, vector<16xi32>,
      %mul3A_2016 = arith.constant 128 : i32
      %mul3A_2017 = arith.muli %add3A_1945, %mul3A_2016 : i32
      %add3A_2018 = arith.constant 80 : i32
      %add3A_2019 = arith.addi %mul3A_2017, %add3A_2018 : i32
      %get3A_2020 = arith.index_cast %add3A_2019 : i32 to index
      %get3A_2021 = tpu.vector_load %arg5[%get3A_2020] {strides = array<i32>} : memref<8192xi32, #tpu.memory_space<vmem>>, vector<16xi32>,
      %get3A_2022 = vector.shape_cast %get3A_2021 : vector<16xi32> to vector<16xi32>
      %shift_right_arithmetic3A_2023 = arith.constant 3 : i32
      %shift_right_arithmetic3A_2024 = vector.broadcast %shift_right_arithmetic3A_2023 : i32 to vector<16xi32>
      %shift_right_arithmetic3A_2025 = arith.shrsi %get3A_2022, %shift_right_arithmetic3A_2024 : vector<16xi32>
      %swap3A_2026 = arith.index_cast %add3A_2019 : i32 to index
      %swap3A_2027 = tpu.vector_load %arg6[%swap3A_2026] {strides = array<i32>} : memref<8192xi32, #tpu.memory_space<vmem>>, vector<16xi32>,
      %swap3A_2028 = vector.shape_cast %swap3A_2027 : vector<16xi32> to vector<16xi32>
      %swap3A_2029 = vector.shape_cast %shift_right_arithmetic3A_2025 : vector<16xi32> to vector<16xi32>
      tpu.vector_store %arg6[%swap3A_2026], %swap3A_2029 {strides = array<i32>} : memref<8192xi32, #tpu.memory_space<vmem>>, vector<16xi32>,
      %mul3A_2030 = arith.constant 128 : i32
      %mul3A_2031 = arith.muli %add3A_1945, %mul3A_2030 : i32
      %add3A_2032 = arith.constant 96 : i32
      %add3A_2033 = arith.addi %mul3A_2031, %add3A_2032 : i32
      %get3A_2034 = arith.index_cast %add3A_2033 : i32 to index
      %get3A_2035 = tpu.vector_load %arg5[%get3A_2034] {strides = array<i32>} : memref<8192xi32, #tpu.memory_space<vmem>>, vector<16xi32>,
      %get3A_2036 = vector.shape_cast %get3A_2035 : vector<16xi32> to vector<16xi32>
      %shift_right_arithmetic3A_2037 = arith.constant 3 : i32
      %shift_right_arithmetic3A_2038 = vector.broadcast %shift_right_arithmetic3A_2037 : i32 to vector<16xi32>
      %shift_right_arithmetic3A_2039 = arith.shrsi %get3A_2036, %shift_right_arithmetic3A_2038 : vector<16xi32>
      %swap3A_2040 = arith.index_cast %add3A_2033 : i32 to index
      %swap3A_2041 = tpu.vector_load %arg6[%swap3A_2040] {strides = array<i32>} : memref<8192xi32, #tpu.memory_space<vmem>>, vector<16xi32>,
      %swap3A_2042 = vector.shape_cast %swap3A_2041 : vector<16xi32> to vector<16xi32>
      %swap3A_2043 = vector.shape_cast %shift_right_arithmetic3A_2039 : vector<16xi32> to vector<16xi32>
      tpu.vector_store %arg6[%swap3A_2040], %swap3A_2043 {strides = array<i32>} : memref<8192xi32, #tpu.memory_space<vmem>>, vector<16xi32>,
      %mul3A_2044 = arith.constant 128 : i32
      %mul3A_2045 = arith.muli %add3A_1945, %mul3A_2044 : i32
      %add3A_2046 = arith.constant 112 : i32
      %add3A_2047 = arith.addi %mul3A_2045, %add3A_2046 : i32
      %get3A_2048 = arith.index_cast %add3A_2047 : i32 to index
      %get3A_2049 = tpu.vector_load %arg5[%get3A_2048] {strides = array<i32>} : memref<8192xi32, #tpu.memory_space<vmem>>, vector<16xi32>,
      %get3A_2050 = vector.shape_cast %get3A_2049 : vector<16xi32> to vector<16xi32>
      %shift_right_arithmetic3A_2051 = arith.constant 3 : i32
      %shift_right_arithmetic3A_2052 = vector.broadcast %shift_right_arithmetic3A_2051 : i32 to vector<16xi32>
      %shift_right_arithmetic3A_2053 = arith.shrsi %get3A_2050, %shift_right_arithmetic3A_2052 : vector<16xi32>
      %swap3A_2054 = arith.index_cast %add3A_2047 : i32 to index
      %swap3A_2055 = tpu.vector_load %arg6[%swap3A_2054] {strides = array<i32>} : memref<8192xi32, #tpu.memory_space<vmem>>, vector<16xi32>,
      %swap3A_2056 = vector.shape_cast %swap3A_2055 : vector<16xi32> to vector<16xi32>
      %swap3A_2057 = vector.shape_cast %shift_right_arithmetic3A_2053 : vector<16xi32> to vector<16xi32>
      tpu.vector_store %arg6[%swap3A_2054], %swap3A_2057 {strides = array<i32>} : memref<8192xi32, #tpu.memory_space<vmem>>, vector<16xi32>,
      %add3A_2058 = arith.constant 3 : i32
      %add3A_2059 = arith.addi %add3A_1934, %add3A_2058 : i32
      %mul3A_2060 = arith.constant 128 : i32
      %mul3A_2061 = arith.muli %add3A_2059, %mul3A_2060 : i32
      %dma_start3A_2062 = tpu.memref_slice %arg6[%mul3A_2061] : memref<8192xi32, #tpu.memory_space<vmem>> -> memref<128xi32, #tpu.memory_space<vmem>>
      %dma_start3A_2063 = arith.constant 0 : i32
      %dma_start3A_2064 = arith.constant 0 : i32
      %dma_start3A_2065 = tpu.memref_slice %arg2[%dma_start3A_2063, %dma_start3A_2064] : memref<65536x128xf32, #tpu.memory_space<hbm>> -> memref<65536x128xf32, #tpu.memory_space<hbm>>
      tpu.enqueue_indirect_dma source(%dma_start3A_2065 : memref<65536x128xf32, #tpu.memory_space<hbm>>) target(%arg12 : memref<128x128xf32, #tpu.memory_space<vmem>>) offsets(%dma_start3A_2062 : memref<128xi32, #tpu.memory_space<vmem>>) semaphore(%arg18 : memref<!tpu.dma_semaphore, #tpu.memory_space<semaphore_mem>>)
      %mul3A_2066 = arith.constant 128 : i32
      %mul3A_2067 = arith.muli %add3A_1934, %mul3A_2066 : i32
      %dma_wait3A_2068 = tpu.memref_slice %arg6[%mul3A_2067] : memref<8192xi32, #tpu.memory_space<vmem>> -> memref<128xi32, #tpu.memory_space<vmem>>
      %dma_wait3A_2069 = arith.constant 0 : i32
      %dma_wait3A_2070 = arith.constant 0 : i32
      %dma_wait3A_2071 = tpu.memref_slice %arg2[%dma_wait3A_2069, %dma_wait3A_2070] : memref<65536x128xf32, #tpu.memory_space<hbm>> -> memref<65536x128xf32, #tpu.memory_space<hbm>>
      tpu.wait_indirect_dma semaphore(%arg15 : memref<!tpu.dma_semaphore, #tpu.memory_space<semaphore_mem>>) src(%dma_wait3A_2071 : memref<65536x128xf32, #tpu.memory_space<hbm>>) dst(%arg9 : memref<128x128xf32, #tpu.memory_space<vmem>>)
      %mul3A_2072 = arith.constant 128 : i32
      %mul3A_2073 = arith.muli %add3A_1934, %mul3A_2072 : i32
      %add3A_2074 = arith.addi %mul3A_2, %mul3A_2073 : i32
      %dma_start3A_2075 = arith.constant 0 : i32
      %dma_start3A_2076 = tpu.memref_slice %arg4[%add3A_2074, %dma_start3A_2075] : memref<262144x128xf32, #tpu.memory_space<hbm>> -> memref<128x128xf32, #tpu.memory_space<hbm>>
      %dma_start3A_2077 = arith.constant 0 : i32
      %dma_start3A_2078 = tpu.memref_slice %arg4[%add3A_2074, %dma_start3A_2077] : memref<262144x128xf32, #tpu.memory_space<hbm>> -> memref<128x128xf32, #tpu.memory_space<hbm>>
      tpu.enqueue_dma source(%arg9 : memref<128x128xf32, #tpu.memory_space<vmem>>) target(%dma_start3A_2078 : memref<128x128xf32, #tpu.memory_space<hbm>>) target_semaphore(%arg21 : memref<!tpu.dma_semaphore, #tpu.memory_space<semaphore_mem>>)
      %mul3A_2079 = arith.constant 6 : i32
      %mul3A_2080 = arith.muli %mul3A_2079, %scan3A_1635 : i32
      %add3A_2081 = arith.constant 3 : i32
      %add3A_2082 = arith.addi %mul3A_2080, %add3A_2081 : i32
      %sub3A_2083 = arith.constant 3 : i32
      %sub3A_2084 = arith.subi %add3A_2082, %sub3A_2083 : i32
      %mul3A_2085 = arith.constant 128 : i32
      %mul3A_2086 = arith.muli %sub3A_2084, %mul3A_2085 : i32
      %add3A_2087 = arith.addi %mul3A_2, %mul3A_2086 : i32
      %dma_wait3A_2088 = arith.constant 0 : i32
      %dma_wait3A_2089 = tpu.memref_slice %arg4[%add3A_2087, %dma_wait3A_2088] : memref<262144x128xf32, #tpu.memory_space<hbm>> -> memref<128x128xf32, #tpu.memory_space<hbm>>
      %dma_wait3A_2090 = arith.constant 0 : i32
      %dma_wait3A_2091 = tpu.memref_slice %arg4[%add3A_2087, %dma_wait3A_2090] : memref<262144x128xf32, #tpu.memory_space<hbm>> -> memref<128x128xf32, #tpu.memory_space<hbm>>
      tpu.wait_dma2 semaphore(%arg19 : memref<!tpu.dma_semaphore, #tpu.memory_space<semaphore_mem>>) src(%arg7 : memref<128x128xf32, #tpu.memory_space<vmem>>) dst(%dma_wait3A_2091 : memref<128x128xf32, #tpu.memory_space<hbm>>)
      %add3A_2092 = arith.constant 3 : i32
      %add3A_2093 = arith.addi %add3A_2082, %add3A_2092 : i32
      %mul3A_2094 = arith.constant 128 : i32
      %mul3A_2095 = arith.muli %add3A_2093, %mul3A_2094 : i32
      %add3A_2096 = arith.constant 0 : i32
      %add3A_2097 = arith.addi %mul3A_2095, %add3A_2096 : i32
      %get3A_2098 = arith.index_cast %add3A_2097 : i32 to index
      %get3A_2099 = tpu.vector_load %arg5[%get3A_2098] {strides = array<i32>} : memref<8192xi32, #tpu.memory_space<vmem>>, vector<16xi32>,
      %get3A_2100 = vector.shape_cast %get3A_2099 : vector<16xi32> to vector<16xi32>
      %shift_right_arithmetic3A_2101 = arith.constant 3 : i32
      %shift_right_arithmetic3A_2102 = vector.broadcast %shift_right_arithmetic3A_2101 : i32 to vector<16xi32>
      %shift_right_arithmetic3A_2103 = arith.shrsi %get3A_2100, %shift_right_arithmetic3A_2102 : vector<16xi32>
      %swap3A_2104 = arith.index_cast %add3A_2097 : i32 to index
      %swap3A_2105 = tpu.vector_load %arg6[%swap3A_2104] {strides = array<i32>} : memref<8192xi32, #tpu.memory_space<vmem>>, vector<16xi32>,
      %swap3A_2106 = vector.shape_cast %swap3A_2105 : vector<16xi32> to vector<16xi32>
      %swap3A_2107 = vector.shape_cast %shift_right_arithmetic3A_2103 : vector<16xi32> to vector<16xi32>
      tpu.vector_store %arg6[%swap3A_2104], %swap3A_2107 {strides = array<i32>} : memref<8192xi32, #tpu.memory_space<vmem>>, vector<16xi32>,
      %mul3A_2108 = arith.constant 128 : i32
      %mul3A_2109 = arith.muli %add3A_2093, %mul3A_2108 : i32
      %add3A_2110 = arith.constant 16 : i32
      %add3A_2111 = arith.addi %mul3A_2109, %add3A_2110 : i32
      %get3A_2112 = arith.index_cast %add3A_2111 : i32 to index
      %get3A_2113 = tpu.vector_load %arg5[%get3A_2112] {strides = array<i32>} : memref<8192xi32, #tpu.memory_space<vmem>>, vector<16xi32>,
      %get3A_2114 = vector.shape_cast %get3A_2113 : vector<16xi32> to vector<16xi32>
      %shift_right_arithmetic3A_2115 = arith.constant 3 : i32
      %shift_right_arithmetic3A_2116 = vector.broadcast %shift_right_arithmetic3A_2115 : i32 to vector<16xi32>
      %shift_right_arithmetic3A_2117 = arith.shrsi %get3A_2114, %shift_right_arithmetic3A_2116 : vector<16xi32>
      %swap3A_2118 = arith.index_cast %add3A_2111 : i32 to index
      %swap3A_2119 = tpu.vector_load %arg6[%swap3A_2118] {strides = array<i32>} : memref<8192xi32, #tpu.memory_space<vmem>>, vector<16xi32>,
      %swap3A_2120 = vector.shape_cast %swap3A_2119 : vector<16xi32> to vector<16xi32>
      %swap3A_2121 = vector.shape_cast %shift_right_arithmetic3A_2117 : vector<16xi32> to vector<16xi32>
      tpu.vector_store %arg6[%swap3A_2118], %swap3A_2121 {strides = array<i32>} : memref<8192xi32, #tpu.memory_space<vmem>>, vector<16xi32>,
      %mul3A_2122 = arith.constant 128 : i32
      %mul3A_2123 = arith.muli %add3A_2093, %mul3A_2122 : i32
      %add3A_2124 = arith.constant 32 : i32
      %add3A_2125 = arith.addi %mul3A_2123, %add3A_2124 : i32
      %get3A_2126 = arith.index_cast %add3A_2125 : i32 to index
      %get3A_2127 = tpu.vector_load %arg5[%get3A_2126] {strides = array<i32>} : memref<8192xi32, #tpu.memory_space<vmem>>, vector<16xi32>,
      %get3A_2128 = vector.shape_cast %get3A_2127 : vector<16xi32> to vector<16xi32>
      %shift_right_arithmetic3A_2129 = arith.constant 3 : i32
      %shift_right_arithmetic3A_2130 = vector.broadcast %shift_right_arithmetic3A_2129 : i32 to vector<16xi32>
      %shift_right_arithmetic3A_2131 = arith.shrsi %get3A_2128, %shift_right_arithmetic3A_2130 : vector<16xi32>
      %swap3A_2132 = arith.index_cast %add3A_2125 : i32 to index
      %swap3A_2133 = tpu.vector_load %arg6[%swap3A_2132] {strides = array<i32>} : memref<8192xi32, #tpu.memory_space<vmem>>, vector<16xi32>,
      %swap3A_2134 = vector.shape_cast %swap3A_2133 : vector<16xi32> to vector<16xi32>
      %swap3A_2135 = vector.shape_cast %shift_right_arithmetic3A_2131 : vector<16xi32> to vector<16xi32>
      tpu.vector_store %arg6[%swap3A_2132], %swap3A_2135 {strides = array<i32>} : memref<8192xi32, #tpu.memory_space<vmem>>, vector<16xi32>,
      %mul3A_2136 = arith.constant 128 : i32
      %mul3A_2137 = arith.muli %add3A_2093, %mul3A_2136 : i32
      %add3A_2138 = arith.constant 48 : i32
      %add3A_2139 = arith.addi %mul3A_2137, %add3A_2138 : i32
      %get3A_2140 = arith.index_cast %add3A_2139 : i32 to index
      %get3A_2141 = tpu.vector_load %arg5[%get3A_2140] {strides = array<i32>} : memref<8192xi32, #tpu.memory_space<vmem>>, vector<16xi32>,
      %get3A_2142 = vector.shape_cast %get3A_2141 : vector<16xi32> to vector<16xi32>
      %shift_right_arithmetic3A_2143 = arith.constant 3 : i32
      %shift_right_arithmetic3A_2144 = vector.broadcast %shift_right_arithmetic3A_2143 : i32 to vector<16xi32>
      %shift_right_arithmetic3A_2145 = arith.shrsi %get3A_2142, %shift_right_arithmetic3A_2144 : vector<16xi32>
      %swap3A_2146 = arith.index_cast %add3A_2139 : i32 to index
      %swap3A_2147 = tpu.vector_load %arg6[%swap3A_2146] {strides = array<i32>} : memref<8192xi32, #tpu.memory_space<vmem>>, vector<16xi32>,
      %swap3A_2148 = vector.shape_cast %swap3A_2147 : vector<16xi32> to vector<16xi32>
      %swap3A_2149 = vector.shape_cast %shift_right_arithmetic3A_2145 : vector<16xi32> to vector<16xi32>
      tpu.vector_store %arg6[%swap3A_2146], %swap3A_2149 {strides = array<i32>} : memref<8192xi32, #tpu.memory_space<vmem>>, vector<16xi32>,
      %mul3A_2150 = arith.constant 128 : i32
      %mul3A_2151 = arith.muli %add3A_2093, %mul3A_2150 : i32
      %add3A_2152 = arith.constant 64 : i32
      %add3A_2153 = arith.addi %mul3A_2151, %add3A_2152 : i32
      %get3A_2154 = arith.index_cast %add3A_2153 : i32 to index
      %get3A_2155 = tpu.vector_load %arg5[%get3A_2154] {strides = array<i32>} : memref<8192xi32, #tpu.memory_space<vmem>>, vector<16xi32>,
      %get3A_2156 = vector.shape_cast %get3A_2155 : vector<16xi32> to vector<16xi32>
      %shift_right_arithmetic3A_2157 = arith.constant 3 : i32
      %shift_right_arithmetic3A_2158 = vector.broadcast %shift_right_arithmetic3A_2157 : i32 to vector<16xi32>
      %shift_right_arithmetic3A_2159 = arith.shrsi %get3A_2156, %shift_right_arithmetic3A_2158 : vector<16xi32>
      %swap3A_2160 = arith.index_cast %add3A_2153 : i32 to index
      %swap3A_2161 = tpu.vector_load %arg6[%swap3A_2160] {strides = array<i32>} : memref<8192xi32, #tpu.memory_space<vmem>>, vector<16xi32>,
      %swap3A_2162 = vector.shape_cast %swap3A_2161 : vector<16xi32> to vector<16xi32>
      %swap3A_2163 = vector.shape_cast %shift_right_arithmetic3A_2159 : vector<16xi32> to vector<16xi32>
      tpu.vector_store %arg6[%swap3A_2160], %swap3A_2163 {strides = array<i32>} : memref<8192xi32, #tpu.memory_space<vmem>>, vector<16xi32>,
      %mul3A_2164 = arith.constant 128 : i32
      %mul3A_2165 = arith.muli %add3A_2093, %mul3A_2164 : i32
      %add3A_2166 = arith.constant 80 : i32
      %add3A_2167 = arith.addi %mul3A_2165, %add3A_2166 : i32
      %get3A_2168 = arith.index_cast %add3A_2167 : i32 to index
      %get3A_2169 = tpu.vector_load %arg5[%get3A_2168] {strides = array<i32>} : memref<8192xi32, #tpu.memory_space<vmem>>, vector<16xi32>,
      %get3A_2170 = vector.shape_cast %get3A_2169 : vector<16xi32> to vector<16xi32>
      %shift_right_arithmetic3A_2171 = arith.constant 3 : i32
      %shift_right_arithmetic3A_2172 = vector.broadcast %shift_right_arithmetic3A_2171 : i32 to vector<16xi32>
      %shift_right_arithmetic3A_2173 = arith.shrsi %get3A_2170, %shift_right_arithmetic3A_2172 : vector<16xi32>
      %swap3A_2174 = arith.index_cast %add3A_2167 : i32 to index
      %swap3A_2175 = tpu.vector_load %arg6[%swap3A_2174] {strides = array<i32>} : memref<8192xi32, #tpu.memory_space<vmem>>, vector<16xi32>,
      %swap3A_2176 = vector.shape_cast %swap3A_2175 : vector<16xi32> to vector<16xi32>
      %swap3A_2177 = vector.shape_cast %shift_right_arithmetic3A_2173 : vector<16xi32> to vector<16xi32>
      tpu.vector_store %arg6[%swap3A_2174], %swap3A_2177 {strides = array<i32>} : memref<8192xi32, #tpu.memory_space<vmem>>, vector<16xi32>,
      %mul3A_2178 = arith.constant 128 : i32
      %mul3A_2179 = arith.muli %add3A_2093, %mul3A_2178 : i32
      %add3A_2180 = arith.constant 96 : i32
      %add3A_2181 = arith.addi %mul3A_2179, %add3A_2180 : i32
      %get3A_2182 = arith.index_cast %add3A_2181 : i32 to index
      %get3A_2183 = tpu.vector_load %arg5[%get3A_2182] {strides = array<i32>} : memref<8192xi32, #tpu.memory_space<vmem>>, vector<16xi32>,
      %get3A_2184 = vector.shape_cast %get3A_2183 : vector<16xi32> to vector<16xi32>
      %shift_right_arithmetic3A_2185 = arith.constant 3 : i32
      %shift_right_arithmetic3A_2186 = vector.broadcast %shift_right_arithmetic3A_2185 : i32 to vector<16xi32>
      %shift_right_arithmetic3A_2187 = arith.shrsi %get3A_2184, %shift_right_arithmetic3A_2186 : vector<16xi32>
      %swap3A_2188 = arith.index_cast %add3A_2181 : i32 to index
      %swap3A_2189 = tpu.vector_load %arg6[%swap3A_2188] {strides = array<i32>} : memref<8192xi32, #tpu.memory_space<vmem>>, vector<16xi32>,
      %swap3A_2190 = vector.shape_cast %swap3A_2189 : vector<16xi32> to vector<16xi32>
      %swap3A_2191 = vector.shape_cast %shift_right_arithmetic3A_2187 : vector<16xi32> to vector<16xi32>
      tpu.vector_store %arg6[%swap3A_2188], %swap3A_2191 {strides = array<i32>} : memref<8192xi32, #tpu.memory_space<vmem>>, vector<16xi32>,
      %mul3A_2192 = arith.constant 128 : i32
      %mul3A_2193 = arith.muli %add3A_2093, %mul3A_2192 : i32
      %add3A_2194 = arith.constant 112 : i32
      %add3A_2195 = arith.addi %mul3A_2193, %add3A_2194 : i32
      %get3A_2196 = arith.index_cast %add3A_2195 : i32 to index
      %get3A_2197 = tpu.vector_load %arg5[%get3A_2196] {strides = array<i32>} : memref<8192xi32, #tpu.memory_space<vmem>>, vector<16xi32>,
      %get3A_2198 = vector.shape_cast %get3A_2197 : vector<16xi32> to vector<16xi32>
      %shift_right_arithmetic3A_2199 = arith.constant 3 : i32
      %shift_right_arithmetic3A_2200 = vector.broadcast %shift_right_arithmetic3A_2199 : i32 to vector<16xi32>
      %shift_right_arithmetic3A_2201 = arith.shrsi %get3A_2198, %shift_right_arithmetic3A_2200 : vector<16xi32>
      %swap3A_2202 = arith.index_cast %add3A_2195 : i32 to index
      %swap3A_2203 = tpu.vector_load %arg6[%swap3A_2202] {strides = array<i32>} : memref<8192xi32, #tpu.memory_space<vmem>>, vector<16xi32>,
      %swap3A_2204 = vector.shape_cast %swap3A_2203 : vector<16xi32> to vector<16xi32>
      %swap3A_2205 = vector.shape_cast %shift_right_arithmetic3A_2201 : vector<16xi32> to vector<16xi32>
      tpu.vector_store %arg6[%swap3A_2202], %swap3A_2205 {strides = array<i32>} : memref<8192xi32, #tpu.memory_space<vmem>>, vector<16xi32>,
      %add3A_2206 = arith.constant 3 : i32
      %add3A_2207 = arith.addi %add3A_2082, %add3A_2206 : i32
      %mul3A_2208 = arith.constant 128 : i32
      %mul3A_2209 = arith.muli %add3A_2207, %mul3A_2208 : i32
      %dma_start3A_2210 = tpu.memref_slice %arg6[%mul3A_2209] : memref<8192xi32, #tpu.memory_space<vmem>> -> memref<128xi32, #tpu.memory_space<vmem>>
      %dma_start3A_2211 = arith.constant 0 : i32
      %dma_start3A_2212 = arith.constant 0 : i32
      %dma_start3A_2213 = tpu.memref_slice %arg2[%dma_start3A_2211, %dma_start3A_2212] : memref<65536x128xf32, #tpu.memory_space<hbm>> -> memref<65536x128xf32, #tpu.memory_space<hbm>>
      tpu.enqueue_indirect_dma source(%dma_start3A_2213 : memref<65536x128xf32, #tpu.memory_space<hbm>>) target(%arg7 : memref<128x128xf32, #tpu.memory_space<vmem>>) offsets(%dma_start3A_2210 : memref<128xi32, #tpu.memory_space<vmem>>) semaphore(%arg13 : memref<!tpu.dma_semaphore, #tpu.memory_space<semaphore_mem>>)
      %mul3A_2214 = arith.constant 128 : i32
      %mul3A_2215 = arith.muli %add3A_2082, %mul3A_2214 : i32
      %dma_wait3A_2216 = tpu.memref_slice %arg6[%mul3A_2215] : memref<8192xi32, #tpu.memory_space<vmem>> -> memref<128xi32, #tpu.memory_space<vmem>>
      %dma_wait3A_2217 = arith.constant 0 : i32
      %dma_wait3A_2218 = arith.constant 0 : i32
      %dma_wait3A_2219 = tpu.memref_slice %arg2[%dma_wait3A_2217, %dma_wait3A_2218] : memref<65536x128xf32, #tpu.memory_space<hbm>> -> memref<65536x128xf32, #tpu.memory_space<hbm>>
      tpu.wait_indirect_dma semaphore(%arg16 : memref<!tpu.dma_semaphore, #tpu.memory_space<semaphore_mem>>) src(%dma_wait3A_2219 : memref<65536x128xf32, #tpu.memory_space<hbm>>) dst(%arg10 : memref<128x128xf32, #tpu.memory_space<vmem>>)
      %mul3A_2220 = arith.constant 128 : i32
      %mul3A_2221 = arith.muli %add3A_2082, %mul3A_2220 : i32
      %add3A_2222 = arith.addi %mul3A_2, %mul3A_2221 : i32
      %dma_start3A_2223 = arith.constant 0 : i32
      %dma_start3A_2224 = tpu.memref_slice %arg4[%add3A_2222, %dma_start3A_2223] : memref<262144x128xf32, #tpu.memory_space<hbm>> -> memref<128x128xf32, #tpu.memory_space<hbm>>
      %dma_start3A_2225 = arith.constant 0 : i32
      %dma_start3A_2226 = tpu.memref_slice %arg4[%add3A_2222, %dma_start3A_2225] : memref<262144x128xf32, #tpu.memory_space<hbm>> -> memref<128x128xf32, #tpu.memory_space<hbm>>
      tpu.enqueue_dma source(%arg10 : memref<128x128xf32, #tpu.memory_space<vmem>>) target(%dma_start3A_2226 : memref<128x128xf32, #tpu.memory_space<hbm>>) target_semaphore(%arg22 : memref<!tpu.dma_semaphore, #tpu.memory_space<semaphore_mem>>)
      %mul3A_2227 = arith.constant 6 : i32
      %mul3A_2228 = arith.muli %mul3A_2227, %scan3A_1635 : i32
      %add3A_2229 = arith.constant 4 : i32
      %add3A_2230 = arith.addi %mul3A_2228, %add3A_2229 : i32
      %sub3A_2231 = arith.constant 3 : i32
      %sub3A_2232 = arith.subi %add3A_2230, %sub3A_2231 : i32
      %mul3A_2233 = arith.constant 128 : i32
      %mul3A_2234 = arith.muli %sub3A_2232, %mul3A_2233 : i32
      %add3A_2235 = arith.addi %mul3A_2, %mul3A_2234 : i32
      %dma_wait3A_2236 = arith.constant 0 : i32
      %dma_wait3A_2237 = tpu.memref_slice %arg4[%add3A_2235, %dma_wait3A_2236] : memref<262144x128xf32, #tpu.memory_space<hbm>> -> memref<128x128xf32, #tpu.memory_space<hbm>>
      %dma_wait3A_2238 = arith.constant 0 : i32
      %dma_wait3A_2239 = tpu.memref_slice %arg4[%add3A_2235, %dma_wait3A_2238] : memref<262144x128xf32, #tpu.memory_space<hbm>> -> memref<128x128xf32, #tpu.memory_space<hbm>>
      tpu.wait_dma2 semaphore(%arg20 : memref<!tpu.dma_semaphore, #tpu.memory_space<semaphore_mem>>) src(%arg8 : memref<128x128xf32, #tpu.memory_space<vmem>>) dst(%dma_wait3A_2239 : memref<128x128xf32, #tpu.memory_space<hbm>>)
      %add3A_2240 = arith.constant 3 : i32
      %add3A_2241 = arith.addi %add3A_2230, %add3A_2240 : i32
      %mul3A_2242 = arith.constant 128 : i32
      %mul3A_2243 = arith.muli %add3A_2241, %mul3A_2242 : i32
      %add3A_2244 = arith.constant 0 : i32
      %add3A_2245 = arith.addi %mul3A_2243, %add3A_2244 : i32
      %get3A_2246 = arith.index_cast %add3A_2245 : i32 to index
      %get3A_2247 = tpu.vector_load %arg5[%get3A_2246] {strides = array<i32>} : memref<8192xi32, #tpu.memory_space<vmem>>, vector<16xi32>,
      %get3A_2248 = vector.shape_cast %get3A_2247 : vector<16xi32> to vector<16xi32>
      %shift_right_arithmetic3A_2249 = arith.constant 3 : i32
      %shift_right_arithmetic3A_2250 = vector.broadcast %shift_right_arithmetic3A_2249 : i32 to vector<16xi32>
      %shift_right_arithmetic3A_2251 = arith.shrsi %get3A_2248, %shift_right_arithmetic3A_2250 : vector<16xi32>
      %swap3A_2252 = arith.index_cast %add3A_2245 : i32 to index
      %swap3A_2253 = tpu.vector_load %arg6[%swap3A_2252] {strides = array<i32>} : memref<8192xi32, #tpu.memory_space<vmem>>, vector<16xi32>,
      %swap3A_2254 = vector.shape_cast %swap3A_2253 : vector<16xi32> to vector<16xi32>
      %swap3A_2255 = vector.shape_cast %shift_right_arithmetic3A_2251 : vector<16xi32> to vector<16xi32>
      tpu.vector_store %arg6[%swap3A_2252], %swap3A_2255 {strides = array<i32>} : memref<8192xi32, #tpu.memory_space<vmem>>, vector<16xi32>,
      %mul3A_2256 = arith.constant 128 : i32
      %mul3A_2257 = arith.muli %add3A_2241, %mul3A_2256 : i32
      %add3A_2258 = arith.constant 16 : i32
      %add3A_2259 = arith.addi %mul3A_2257, %add3A_2258 : i32
      %get3A_2260 = arith.index_cast %add3A_2259 : i32 to index
      %get3A_2261 = tpu.vector_load %arg5[%get3A_2260] {strides = array<i32>} : memref<8192xi32, #tpu.memory_space<vmem>>, vector<16xi32>,
      %get3A_2262 = vector.shape_cast %get3A_2261 : vector<16xi32> to vector<16xi32>
      %shift_right_arithmetic3A_2263 = arith.constant 3 : i32
      %shift_right_arithmetic3A_2264 = vector.broadcast %shift_right_arithmetic3A_2263 : i32 to vector<16xi32>
      %shift_right_arithmetic3A_2265 = arith.shrsi %get3A_2262, %shift_right_arithmetic3A_2264 : vector<16xi32>
      %swap3A_2266 = arith.index_cast %add3A_2259 : i32 to index
      %swap3A_2267 = tpu.vector_load %arg6[%swap3A_2266] {strides = array<i32>} : memref<8192xi32, #tpu.memory_space<vmem>>, vector<16xi32>,
      %swap3A_2268 = vector.shape_cast %swap3A_2267 : vector<16xi32> to vector<16xi32>
      %swap3A_2269 = vector.shape_cast %shift_right_arithmetic3A_2265 : vector<16xi32> to vector<16xi32>
      tpu.vector_store %arg6[%swap3A_2266], %swap3A_2269 {strides = array<i32>} : memref<8192xi32, #tpu.memory_space<vmem>>, vector<16xi32>,
      %mul3A_2270 = arith.constant 128 : i32
      %mul3A_2271 = arith.muli %add3A_2241, %mul3A_2270 : i32
      %add3A_2272 = arith.constant 32 : i32
      %add3A_2273 = arith.addi %mul3A_2271, %add3A_2272 : i32
      %get3A_2274 = arith.index_cast %add3A_2273 : i32 to index
      %get3A_2275 = tpu.vector_load %arg5[%get3A_2274] {strides = array<i32>} : memref<8192xi32, #tpu.memory_space<vmem>>, vector<16xi32>,
      %get3A_2276 = vector.shape_cast %get3A_2275 : vector<16xi32> to vector<16xi32>
      %shift_right_arithmetic3A_2277 = arith.constant 3 : i32
      %shift_right_arithmetic3A_2278 = vector.broadcast %shift_right_arithmetic3A_2277 : i32 to vector<16xi32>
      %shift_right_arithmetic3A_2279 = arith.shrsi %get3A_2276, %shift_right_arithmetic3A_2278 : vector<16xi32>
      %swap3A_2280 = arith.index_cast %add3A_2273 : i32 to index
      %swap3A_2281 = tpu.vector_load %arg6[%swap3A_2280] {strides = array<i32>} : memref<8192xi32, #tpu.memory_space<vmem>>, vector<16xi32>,
      %swap3A_2282 = vector.shape_cast %swap3A_2281 : vector<16xi32> to vector<16xi32>
      %swap3A_2283 = vector.shape_cast %shift_right_arithmetic3A_2279 : vector<16xi32> to vector<16xi32>
      tpu.vector_store %arg6[%swap3A_2280], %swap3A_2283 {strides = array<i32>} : memref<8192xi32, #tpu.memory_space<vmem>>, vector<16xi32>,
      %mul3A_2284 = arith.constant 128 : i32
      %mul3A_2285 = arith.muli %add3A_2241, %mul3A_2284 : i32
      %add3A_2286 = arith.constant 48 : i32
      %add3A_2287 = arith.addi %mul3A_2285, %add3A_2286 : i32
      %get3A_2288 = arith.index_cast %add3A_2287 : i32 to index
      %get3A_2289 = tpu.vector_load %arg5[%get3A_2288] {strides = array<i32>} : memref<8192xi32, #tpu.memory_space<vmem>>, vector<16xi32>,
      %get3A_2290 = vector.shape_cast %get3A_2289 : vector<16xi32> to vector<16xi32>
      %shift_right_arithmetic3A_2291 = arith.constant 3 : i32
      %shift_right_arithmetic3A_2292 = vector.broadcast %shift_right_arithmetic3A_2291 : i32 to vector<16xi32>
      %shift_right_arithmetic3A_2293 = arith.shrsi %get3A_2290, %shift_right_arithmetic3A_2292 : vector<16xi32>
      %swap3A_2294 = arith.index_cast %add3A_2287 : i32 to index
      %swap3A_2295 = tpu.vector_load %arg6[%swap3A_2294] {strides = array<i32>} : memref<8192xi32, #tpu.memory_space<vmem>>, vector<16xi32>,
      %swap3A_2296 = vector.shape_cast %swap3A_2295 : vector<16xi32> to vector<16xi32>
      %swap3A_2297 = vector.shape_cast %shift_right_arithmetic3A_2293 : vector<16xi32> to vector<16xi32>
      tpu.vector_store %arg6[%swap3A_2294], %swap3A_2297 {strides = array<i32>} : memref<8192xi32, #tpu.memory_space<vmem>>, vector<16xi32>,
      %mul3A_2298 = arith.constant 128 : i32
      %mul3A_2299 = arith.muli %add3A_2241, %mul3A_2298 : i32
      %add3A_2300 = arith.constant 64 : i32
      %add3A_2301 = arith.addi %mul3A_2299, %add3A_2300 : i32
      %get3A_2302 = arith.index_cast %add3A_2301 : i32 to index
      %get3A_2303 = tpu.vector_load %arg5[%get3A_2302] {strides = array<i32>} : memref<8192xi32, #tpu.memory_space<vmem>>, vector<16xi32>,
      %get3A_2304 = vector.shape_cast %get3A_2303 : vector<16xi32> to vector<16xi32>
      %shift_right_arithmetic3A_2305 = arith.constant 3 : i32
      %shift_right_arithmetic3A_2306 = vector.broadcast %shift_right_arithmetic3A_2305 : i32 to vector<16xi32>
      %shift_right_arithmetic3A_2307 = arith.shrsi %get3A_2304, %shift_right_arithmetic3A_2306 : vector<16xi32>
      %swap3A_2308 = arith.index_cast %add3A_2301 : i32 to index
      %swap3A_2309 = tpu.vector_load %arg6[%swap3A_2308] {strides = array<i32>} : memref<8192xi32, #tpu.memory_space<vmem>>, vector<16xi32>,
      %swap3A_2310 = vector.shape_cast %swap3A_2309 : vector<16xi32> to vector<16xi32>
      %swap3A_2311 = vector.shape_cast %shift_right_arithmetic3A_2307 : vector<16xi32> to vector<16xi32>
      tpu.vector_store %arg6[%swap3A_2308], %swap3A_2311 {strides = array<i32>} : memref<8192xi32, #tpu.memory_space<vmem>>, vector<16xi32>,
      %mul3A_2312 = arith.constant 128 : i32
      %mul3A_2313 = arith.muli %add3A_2241, %mul3A_2312 : i32
      %add3A_2314 = arith.constant 80 : i32
      %add3A_2315 = arith.addi %mul3A_2313, %add3A_2314 : i32
      %get3A_2316 = arith.index_cast %add3A_2315 : i32 to index
      %get3A_2317 = tpu.vector_load %arg5[%get3A_2316] {strides = array<i32>} : memref<8192xi32, #tpu.memory_space<vmem>>, vector<16xi32>,
      %get3A_2318 = vector.shape_cast %get3A_2317 : vector<16xi32> to vector<16xi32>
      %shift_right_arithmetic3A_2319 = arith.constant 3 : i32
      %shift_right_arithmetic3A_2320 = vector.broadcast %shift_right_arithmetic3A_2319 : i32 to vector<16xi32>
      %shift_right_arithmetic3A_2321 = arith.shrsi %get3A_2318, %shift_right_arithmetic3A_2320 : vector<16xi32>
      %swap3A_2322 = arith.index_cast %add3A_2315 : i32 to index
      %swap3A_2323 = tpu.vector_load %arg6[%swap3A_2322] {strides = array<i32>} : memref<8192xi32, #tpu.memory_space<vmem>>, vector<16xi32>,
      %swap3A_2324 = vector.shape_cast %swap3A_2323 : vector<16xi32> to vector<16xi32>
      %swap3A_2325 = vector.shape_cast %shift_right_arithmetic3A_2321 : vector<16xi32> to vector<16xi32>
      tpu.vector_store %arg6[%swap3A_2322], %swap3A_2325 {strides = array<i32>} : memref<8192xi32, #tpu.memory_space<vmem>>, vector<16xi32>,
      %mul3A_2326 = arith.constant 128 : i32
      %mul3A_2327 = arith.muli %add3A_2241, %mul3A_2326 : i32
      %add3A_2328 = arith.constant 96 : i32
      %add3A_2329 = arith.addi %mul3A_2327, %add3A_2328 : i32
      %get3A_2330 = arith.index_cast %add3A_2329 : i32 to index
      %get3A_2331 = tpu.vector_load %arg5[%get3A_2330] {strides = array<i32>} : memref<8192xi32, #tpu.memory_space<vmem>>, vector<16xi32>,
      %get3A_2332 = vector.shape_cast %get3A_2331 : vector<16xi32> to vector<16xi32>
      %shift_right_arithmetic3A_2333 = arith.constant 3 : i32
      %shift_right_arithmetic3A_2334 = vector.broadcast %shift_right_arithmetic3A_2333 : i32 to vector<16xi32>
      %shift_right_arithmetic3A_2335 = arith.shrsi %get3A_2332, %shift_right_arithmetic3A_2334 : vector<16xi32>
      %swap3A_2336 = arith.index_cast %add3A_2329 : i32 to index
      %swap3A_2337 = tpu.vector_load %arg6[%swap3A_2336] {strides = array<i32>} : memref<8192xi32, #tpu.memory_space<vmem>>, vector<16xi32>,
      %swap3A_2338 = vector.shape_cast %swap3A_2337 : vector<16xi32> to vector<16xi32>
      %swap3A_2339 = vector.shape_cast %shift_right_arithmetic3A_2335 : vector<16xi32> to vector<16xi32>
      tpu.vector_store %arg6[%swap3A_2336], %swap3A_2339 {strides = array<i32>} : memref<8192xi32, #tpu.memory_space<vmem>>, vector<16xi32>,
      %mul3A_2340 = arith.constant 128 : i32
      %mul3A_2341 = arith.muli %add3A_2241, %mul3A_2340 : i32
      %add3A_2342 = arith.constant 112 : i32
      %add3A_2343 = arith.addi %mul3A_2341, %add3A_2342 : i32
      %get3A_2344 = arith.index_cast %add3A_2343 : i32 to index
      %get3A_2345 = tpu.vector_load %arg5[%get3A_2344] {strides = array<i32>} : memref<8192xi32, #tpu.memory_space<vmem>>, vector<16xi32>,
      %get3A_2346 = vector.shape_cast %get3A_2345 : vector<16xi32> to vector<16xi32>
      %shift_right_arithmetic3A_2347 = arith.constant 3 : i32
      %shift_right_arithmetic3A_2348 = vector.broadcast %shift_right_arithmetic3A_2347 : i32 to vector<16xi32>
      %shift_right_arithmetic3A_2349 = arith.shrsi %get3A_2346, %shift_right_arithmetic3A_2348 : vector<16xi32>
      %swap3A_2350 = arith.index_cast %add3A_2343 : i32 to index
      %swap3A_2351 = tpu.vector_load %arg6[%swap3A_2350] {strides = array<i32>} : memref<8192xi32, #tpu.memory_space<vmem>>, vector<16xi32>,
      %swap3A_2352 = vector.shape_cast %swap3A_2351 : vector<16xi32> to vector<16xi32>
      %swap3A_2353 = vector.shape_cast %shift_right_arithmetic3A_2349 : vector<16xi32> to vector<16xi32>
      tpu.vector_store %arg6[%swap3A_2350], %swap3A_2353 {strides = array<i32>} : memref<8192xi32, #tpu.memory_space<vmem>>, vector<16xi32>,
      %add3A_2354 = arith.constant 3 : i32
      %add3A_2355 = arith.addi %add3A_2230, %add3A_2354 : i32
      %mul3A_2356 = arith.constant 128 : i32
      %mul3A_2357 = arith.muli %add3A_2355, %mul3A_2356 : i32
      %dma_start3A_2358 = tpu.memref_slice %arg6[%mul3A_2357] : memref<8192xi32, #tpu.memory_space<vmem>> -> memref<128xi32, #tpu.memory_space<vmem>>
      %dma_start3A_2359 = arith.constant 0 : i32
      %dma_start3A_2360 = arith.constant 0 : i32
      %dma_start3A_2361 = tpu.memref_slice %arg2[%dma_start3A_2359, %dma_start3A_2360] : memref<65536x128xf32, #tpu.memory_space<hbm>> -> memref<65536x128xf32, #tpu.memory_space<hbm>>
      tpu.enqueue_indirect_dma source(%dma_start3A_2361 : memref<65536x128xf32, #tpu.memory_space<hbm>>) target(%arg8 : memref<128x128xf32, #tpu.memory_space<vmem>>) offsets(%dma_start3A_2358 : memref<128xi32, #tpu.memory_space<vmem>>) semaphore(%arg14 : memref<!tpu.dma_semaphore, #tpu.memory_space<semaphore_mem>>)
      %mul3A_2362 = arith.constant 128 : i32
      %mul3A_2363 = arith.muli %add3A_2230, %mul3A_2362 : i32
      %dma_wait3A_2364 = tpu.memref_slice %arg6[%mul3A_2363] : memref<8192xi32, #tpu.memory_space<vmem>> -> memref<128xi32, #tpu.memory_space<vmem>>
      %dma_wait3A_2365 = arith.constant 0 : i32
      %dma_wait3A_2366 = arith.constant 0 : i32
      %dma_wait3A_2367 = tpu.memref_slice %arg2[%dma_wait3A_2365, %dma_wait3A_2366] : memref<65536x128xf32, #tpu.memory_space<hbm>> -> memref<65536x128xf32, #tpu.memory_space<hbm>>
      tpu.wait_indirect_dma semaphore(%arg17 : memref<!tpu.dma_semaphore, #tpu.memory_space<semaphore_mem>>) src(%dma_wait3A_2367 : memref<65536x128xf32, #tpu.memory_space<hbm>>) dst(%arg11 : memref<128x128xf32, #tpu.memory_space<vmem>>)
      %mul3A_2368 = arith.constant 128 : i32
      %mul3A_2369 = arith.muli %add3A_2230, %mul3A_2368 : i32
      %add3A_2370 = arith.addi %mul3A_2, %mul3A_2369 : i32
      %dma_start3A_2371 = arith.constant 0 : i32
      %dma_start3A_2372 = tpu.memref_slice %arg4[%add3A_2370, %dma_start3A_2371] : memref<262144x128xf32, #tpu.memory_space<hbm>> -> memref<128x128xf32, #tpu.memory_space<hbm>>
      %dma_start3A_2373 = arith.constant 0 : i32
      %dma_start3A_2374 = tpu.memref_slice %arg4[%add3A_2370, %dma_start3A_2373] : memref<262144x128xf32, #tpu.memory_space<hbm>> -> memref<128x128xf32, #tpu.memory_space<hbm>>
      tpu.enqueue_dma source(%arg11 : memref<128x128xf32, #tpu.memory_space<vmem>>) target(%dma_start3A_2374 : memref<128x128xf32, #tpu.memory_space<hbm>>) target_semaphore(%arg23 : memref<!tpu.dma_semaphore, #tpu.memory_space<semaphore_mem>>)
      %mul3A_2375 = arith.constant 6 : i32
      %mul3A_2376 = arith.muli %mul3A_2375, %scan3A_1635 : i32
      %add3A_2377 = arith.constant 5 : i32
      %add3A_2378 = arith.addi %mul3A_2376, %add3A_2377 : i32
      %sub3A_2379 = arith.constant 3 : i32
      %sub3A_2380 = arith.subi %add3A_2378, %sub3A_2379 : i32
      %mul3A_2381 = arith.constant 128 : i32
      %mul3A_2382 = arith.muli %sub3A_2380, %mul3A_2381 : i32
      %add3A_2383 = arith.addi %mul3A_2, %mul3A_2382 : i32
      %dma_wait3A_2384 = arith.constant 0 : i32
      %dma_wait3A_2385 = tpu.memref_slice %arg4[%add3A_2383, %dma_wait3A_2384] : memref<262144x128xf32, #tpu.memory_space<hbm>> -> memref<128x128xf32, #tpu.memory_space<hbm>>
      %dma_wait3A_2386 = arith.constant 0 : i32
      %dma_wait3A_2387 = tpu.memref_slice %arg4[%add3A_2383, %dma_wait3A_2386] : memref<262144x128xf32, #tpu.memory_space<hbm>> -> memref<128x128xf32, #tpu.memory_space<hbm>>
      tpu.wait_dma2 semaphore(%arg21 : memref<!tpu.dma_semaphore, #tpu.memory_space<semaphore_mem>>) src(%arg9 : memref<128x128xf32, #tpu.memory_space<vmem>>) dst(%dma_wait3A_2387 : memref<128x128xf32, #tpu.memory_space<hbm>>)
      %add3A_2388 = arith.constant 3 : i32
      %add3A_2389 = arith.addi %add3A_2378, %add3A_2388 : i32
      %mul3A_2390 = arith.constant 128 : i32
      %mul3A_2391 = arith.muli %add3A_2389, %mul3A_2390 : i32
      %add3A_2392 = arith.constant 0 : i32
      %add3A_2393 = arith.addi %mul3A_2391, %add3A_2392 : i32
      %get3A_2394 = arith.index_cast %add3A_2393 : i32 to index
      %get3A_2395 = tpu.vector_load %arg5[%get3A_2394] {strides = array<i32>} : memref<8192xi32, #tpu.memory_space<vmem>>, vector<16xi32>,
      %get3A_2396 = vector.shape_cast %get3A_2395 : vector<16xi32> to vector<16xi32>
      %shift_right_arithmetic3A_2397 = arith.constant 3 : i32
      %shift_right_arithmetic3A_2398 = vector.broadcast %shift_right_arithmetic3A_2397 : i32 to vector<16xi32>
      %shift_right_arithmetic3A_2399 = arith.shrsi %get3A_2396, %shift_right_arithmetic3A_2398 : vector<16xi32>
      %swap3A_2400 = arith.index_cast %add3A_2393 : i32 to index
      %swap3A_2401 = tpu.vector_load %arg6[%swap3A_2400] {strides = array<i32>} : memref<8192xi32, #tpu.memory_space<vmem>>, vector<16xi32>,
      %swap3A_2402 = vector.shape_cast %swap3A_2401 : vector<16xi32> to vector<16xi32>
      %swap3A_2403 = vector.shape_cast %shift_right_arithmetic3A_2399 : vector<16xi32> to vector<16xi32>
      tpu.vector_store %arg6[%swap3A_2400], %swap3A_2403 {strides = array<i32>} : memref<8192xi32, #tpu.memory_space<vmem>>, vector<16xi32>,
      %mul3A_2404 = arith.constant 128 : i32
      %mul3A_2405 = arith.muli %add3A_2389, %mul3A_2404 : i32
      %add3A_2406 = arith.constant 16 : i32
      %add3A_2407 = arith.addi %mul3A_2405, %add3A_2406 : i32
      %get3A_2408 = arith.index_cast %add3A_2407 : i32 to index
      %get3A_2409 = tpu.vector_load %arg5[%get3A_2408] {strides = array<i32>} : memref<8192xi32, #tpu.memory_space<vmem>>, vector<16xi32>,
      %get3A_2410 = vector.shape_cast %get3A_2409 : vector<16xi32> to vector<16xi32>
      %shift_right_arithmetic3A_2411 = arith.constant 3 : i32
      %shift_right_arithmetic3A_2412 = vector.broadcast %shift_right_arithmetic3A_2411 : i32 to vector<16xi32>
      %shift_right_arithmetic3A_2413 = arith.shrsi %get3A_2410, %shift_right_arithmetic3A_2412 : vector<16xi32>
      %swap3A_2414 = arith.index_cast %add3A_2407 : i32 to index
      %swap3A_2415 = tpu.vector_load %arg6[%swap3A_2414] {strides = array<i32>} : memref<8192xi32, #tpu.memory_space<vmem>>, vector<16xi32>,
      %swap3A_2416 = vector.shape_cast %swap3A_2415 : vector<16xi32> to vector<16xi32>
      %swap3A_2417 = vector.shape_cast %shift_right_arithmetic3A_2413 : vector<16xi32> to vector<16xi32>
      tpu.vector_store %arg6[%swap3A_2414], %swap3A_2417 {strides = array<i32>} : memref<8192xi32, #tpu.memory_space<vmem>>, vector<16xi32>,
      %mul3A_2418 = arith.constant 128 : i32
      %mul3A_2419 = arith.muli %add3A_2389, %mul3A_2418 : i32
      %add3A_2420 = arith.constant 32 : i32
      %add3A_2421 = arith.addi %mul3A_2419, %add3A_2420 : i32
      %get3A_2422 = arith.index_cast %add3A_2421 : i32 to index
      %get3A_2423 = tpu.vector_load %arg5[%get3A_2422] {strides = array<i32>} : memref<8192xi32, #tpu.memory_space<vmem>>, vector<16xi32>,
      %get3A_2424 = vector.shape_cast %get3A_2423 : vector<16xi32> to vector<16xi32>
      %shift_right_arithmetic3A_2425 = arith.constant 3 : i32
      %shift_right_arithmetic3A_2426 = vector.broadcast %shift_right_arithmetic3A_2425 : i32 to vector<16xi32>
      %shift_right_arithmetic3A_2427 = arith.shrsi %get3A_2424, %shift_right_arithmetic3A_2426 : vector<16xi32>
      %swap3A_2428 = arith.index_cast %add3A_2421 : i32 to index
      %swap3A_2429 = tpu.vector_load %arg6[%swap3A_2428] {strides = array<i32>} : memref<8192xi32, #tpu.memory_space<vmem>>, vector<16xi32>,
      %swap3A_2430 = vector.shape_cast %swap3A_2429 : vector<16xi32> to vector<16xi32>
      %swap3A_2431 = vector.shape_cast %shift_right_arithmetic3A_2427 : vector<16xi32> to vector<16xi32>
      tpu.vector_store %arg6[%swap3A_2428], %swap3A_2431 {strides = array<i32>} : memref<8192xi32, #tpu.memory_space<vmem>>, vector<16xi32>,
      %mul3A_2432 = arith.constant 128 : i32
      %mul3A_2433 = arith.muli %add3A_2389, %mul3A_2432 : i32
      %add3A_2434 = arith.constant 48 : i32
      %add3A_2435 = arith.addi %mul3A_2433, %add3A_2434 : i32
      %get3A_2436 = arith.index_cast %add3A_2435 : i32 to index
      %get3A_2437 = tpu.vector_load %arg5[%get3A_2436] {strides = array<i32>} : memref<8192xi32, #tpu.memory_space<vmem>>, vector<16xi32>,
      %get3A_2438 = vector.shape_cast %get3A_2437 : vector<16xi32> to vector<16xi32>
      %shift_right_arithmetic3A_2439 = arith.constant 3 : i32
      %shift_right_arithmetic3A_2440 = vector.broadcast %shift_right_arithmetic3A_2439 : i32 to vector<16xi32>
      %shift_right_arithmetic3A_2441 = arith.shrsi %get3A_2438, %shift_right_arithmetic3A_2440 : vector<16xi32>
      %swap3A_2442 = arith.index_cast %add3A_2435 : i32 to index
      %swap3A_2443 = tpu.vector_load %arg6[%swap3A_2442] {strides = array<i32>} : memref<8192xi32, #tpu.memory_space<vmem>>, vector<16xi32>,
      %swap3A_2444 = vector.shape_cast %swap3A_2443 : vector<16xi32> to vector<16xi32>
      %swap3A_2445 = vector.shape_cast %shift_right_arithmetic3A_2441 : vector<16xi32> to vector<16xi32>
      tpu.vector_store %arg6[%swap3A_2442], %swap3A_2445 {strides = array<i32>} : memref<8192xi32, #tpu.memory_space<vmem>>, vector<16xi32>,
      %mul3A_2446 = arith.constant 128 : i32
      %mul3A_2447 = arith.muli %add3A_2389, %mul3A_2446 : i32
      %add3A_2448 = arith.constant 64 : i32
      %add3A_2449 = arith.addi %mul3A_2447, %add3A_2448 : i32
      %get3A_2450 = arith.index_cast %add3A_2449 : i32 to index
      %get3A_2451 = tpu.vector_load %arg5[%get3A_2450] {strides = array<i32>} : memref<8192xi32, #tpu.memory_space<vmem>>, vector<16xi32>,
      %get3A_2452 = vector.shape_cast %get3A_2451 : vector<16xi32> to vector<16xi32>
      %shift_right_arithmetic3A_2453 = arith.constant 3 : i32
      %shift_right_arithmetic3A_2454 = vector.broadcast %shift_right_arithmetic3A_2453 : i32 to vector<16xi32>
      %shift_right_arithmetic3A_2455 = arith.shrsi %get3A_2452, %shift_right_arithmetic3A_2454 : vector<16xi32>
      %swap3A_2456 = arith.index_cast %add3A_2449 : i32 to index
      %swap3A_2457 = tpu.vector_load %arg6[%swap3A_2456] {strides = array<i32>} : memref<8192xi32, #tpu.memory_space<vmem>>, vector<16xi32>,
      %swap3A_2458 = vector.shape_cast %swap3A_2457 : vector<16xi32> to vector<16xi32>
      %swap3A_2459 = vector.shape_cast %shift_right_arithmetic3A_2455 : vector<16xi32> to vector<16xi32>
      tpu.vector_store %arg6[%swap3A_2456], %swap3A_2459 {strides = array<i32>} : memref<8192xi32, #tpu.memory_space<vmem>>, vector<16xi32>,
      %mul3A_2460 = arith.constant 128 : i32
      %mul3A_2461 = arith.muli %add3A_2389, %mul3A_2460 : i32
      %add3A_2462 = arith.constant 80 : i32
      %add3A_2463 = arith.addi %mul3A_2461, %add3A_2462 : i32
      %get3A_2464 = arith.index_cast %add3A_2463 : i32 to index
      %get3A_2465 = tpu.vector_load %arg5[%get3A_2464] {strides = array<i32>} : memref<8192xi32, #tpu.memory_space<vmem>>, vector<16xi32>,
      %get3A_2466 = vector.shape_cast %get3A_2465 : vector<16xi32> to vector<16xi32>
      %shift_right_arithmetic3A_2467 = arith.constant 3 : i32
      %shift_right_arithmetic3A_2468 = vector.broadcast %shift_right_arithmetic3A_2467 : i32 to vector<16xi32>
      %shift_right_arithmetic3A_2469 = arith.shrsi %get3A_2466, %shift_right_arithmetic3A_2468 : vector<16xi32>
      %swap3A_2470 = arith.index_cast %add3A_2463 : i32 to index
      %swap3A_2471 = tpu.vector_load %arg6[%swap3A_2470] {strides = array<i32>} : memref<8192xi32, #tpu.memory_space<vmem>>, vector<16xi32>,
      %swap3A_2472 = vector.shape_cast %swap3A_2471 : vector<16xi32> to vector<16xi32>
      %swap3A_2473 = vector.shape_cast %shift_right_arithmetic3A_2469 : vector<16xi32> to vector<16xi32>
      tpu.vector_store %arg6[%swap3A_2470], %swap3A_2473 {strides = array<i32>} : memref<8192xi32, #tpu.memory_space<vmem>>, vector<16xi32>,
      %mul3A_2474 = arith.constant 128 : i32
      %mul3A_2475 = arith.muli %add3A_2389, %mul3A_2474 : i32
      %add3A_2476 = arith.constant 96 : i32
      %add3A_2477 = arith.addi %mul3A_2475, %add3A_2476 : i32
      %get3A_2478 = arith.index_cast %add3A_2477 : i32 to index
      %get3A_2479 = tpu.vector_load %arg5[%get3A_2478] {strides = array<i32>} : memref<8192xi32, #tpu.memory_space<vmem>>, vector<16xi32>,
      %get3A_2480 = vector.shape_cast %get3A_2479 : vector<16xi32> to vector<16xi32>
      %shift_right_arithmetic3A_2481 = arith.constant 3 : i32
      %shift_right_arithmetic3A_2482 = vector.broadcast %shift_right_arithmetic3A_2481 : i32 to vector<16xi32>
      %shift_right_arithmetic3A_2483 = arith.shrsi %get3A_2480, %shift_right_arithmetic3A_2482 : vector<16xi32>
      %swap3A_2484 = arith.index_cast %add3A_2477 : i32 to index
      %swap3A_2485 = tpu.vector_load %arg6[%swap3A_2484] {strides = array<i32>} : memref<8192xi32, #tpu.memory_space<vmem>>, vector<16xi32>,
      %swap3A_2486 = vector.shape_cast %swap3A_2485 : vector<16xi32> to vector<16xi32>
      %swap3A_2487 = vector.shape_cast %shift_right_arithmetic3A_2483 : vector<16xi32> to vector<16xi32>
      tpu.vector_store %arg6[%swap3A_2484], %swap3A_2487 {strides = array<i32>} : memref<8192xi32, #tpu.memory_space<vmem>>, vector<16xi32>,
      %mul3A_2488 = arith.constant 128 : i32
      %mul3A_2489 = arith.muli %add3A_2389, %mul3A_2488 : i32
      %add3A_2490 = arith.constant 112 : i32
      %add3A_2491 = arith.addi %mul3A_2489, %add3A_2490 : i32
      %get3A_2492 = arith.index_cast %add3A_2491 : i32 to index
      %get3A_2493 = tpu.vector_load %arg5[%get3A_2492] {strides = array<i32>} : memref<8192xi32, #tpu.memory_space<vmem>>, vector<16xi32>,
      %get3A_2494 = vector.shape_cast %get3A_2493 : vector<16xi32> to vector<16xi32>
      %shift_right_arithmetic3A_2495 = arith.constant 3 : i32
      %shift_right_arithmetic3A_2496 = vector.broadcast %shift_right_arithmetic3A_2495 : i32 to vector<16xi32>
      %shift_right_arithmetic3A_2497 = arith.shrsi %get3A_2494, %shift_right_arithmetic3A_2496 : vector<16xi32>
      %swap3A_2498 = arith.index_cast %add3A_2491 : i32 to index
      %swap3A_2499 = tpu.vector_load %arg6[%swap3A_2498] {strides = array<i32>} : memref<8192xi32, #tpu.memory_space<vmem>>, vector<16xi32>,
      %swap3A_2500 = vector.shape_cast %swap3A_2499 : vector<16xi32> to vector<16xi32>
      %swap3A_2501 = vector.shape_cast %shift_right_arithmetic3A_2497 : vector<16xi32> to vector<16xi32>
      tpu.vector_store %arg6[%swap3A_2498], %swap3A_2501 {strides = array<i32>} : memref<8192xi32, #tpu.memory_space<vmem>>, vector<16xi32>,
      %add3A_2502 = arith.constant 3 : i32
      %add3A_2503 = arith.addi %add3A_2378, %add3A_2502 : i32
      %mul3A_2504 = arith.constant 128 : i32
      %mul3A_2505 = arith.muli %add3A_2503, %mul3A_2504 : i32
      %dma_start3A_2506 = tpu.memref_slice %arg6[%mul3A_2505] : memref<8192xi32, #tpu.memory_space<vmem>> -> memref<128xi32, #tpu.memory_space<vmem>>
      %dma_start3A_2507 = arith.constant 0 : i32
      %dma_start3A_2508 = arith.constant 0 : i32
      %dma_start3A_2509 = tpu.memref_slice %arg2[%dma_start3A_2507, %dma_start3A_2508] : memref<65536x128xf32, #tpu.memory_space<hbm>> -> memref<65536x128xf32, #tpu.memory_space<hbm>>
      tpu.enqueue_indirect_dma source(%dma_start3A_2509 : memref<65536x128xf32, #tpu.memory_space<hbm>>) target(%arg9 : memref<128x128xf32, #tpu.memory_space<vmem>>) offsets(%dma_start3A_2506 : memref<128xi32, #tpu.memory_space<vmem>>) semaphore(%arg15 : memref<!tpu.dma_semaphore, #tpu.memory_space<semaphore_mem>>)
      %mul3A_2510 = arith.constant 128 : i32
      %mul3A_2511 = arith.muli %add3A_2378, %mul3A_2510 : i32
      %dma_wait3A_2512 = tpu.memref_slice %arg6[%mul3A_2511] : memref<8192xi32, #tpu.memory_space<vmem>> -> memref<128xi32, #tpu.memory_space<vmem>>
      %dma_wait3A_2513 = arith.constant 0 : i32
      %dma_wait3A_2514 = arith.constant 0 : i32
      %dma_wait3A_2515 = tpu.memref_slice %arg2[%dma_wait3A_2513, %dma_wait3A_2514] : memref<65536x128xf32, #tpu.memory_space<hbm>> -> memref<65536x128xf32, #tpu.memory_space<hbm>>
      tpu.wait_indirect_dma semaphore(%arg18 : memref<!tpu.dma_semaphore, #tpu.memory_space<semaphore_mem>>) src(%dma_wait3A_2515 : memref<65536x128xf32, #tpu.memory_space<hbm>>) dst(%arg12 : memref<128x128xf32, #tpu.memory_space<vmem>>)
      %mul3A_2516 = arith.constant 128 : i32
      %mul3A_2517 = arith.muli %add3A_2378, %mul3A_2516 : i32
      %add3A_2518 = arith.addi %mul3A_2, %mul3A_2517 : i32
      %dma_start3A_2519 = arith.constant 0 : i32
      %dma_start3A_2520 = tpu.memref_slice %arg4[%add3A_2518, %dma_start3A_2519] : memref<262144x128xf32, #tpu.memory_space<hbm>> -> memref<128x128xf32, #tpu.memory_space<hbm>>
      %dma_start3A_2521 = arith.constant 0 : i32
      %dma_start3A_2522 = tpu.memref_slice %arg4[%add3A_2518, %dma_start3A_2521] : memref<262144x128xf32, #tpu.memory_space<hbm>> -> memref<128x128xf32, #tpu.memory_space<hbm>>
      tpu.enqueue_dma source(%arg12 : memref<128x128xf32, #tpu.memory_space<vmem>>) target(%dma_start3A_2522 : memref<128x128xf32, #tpu.memory_space<hbm>>) target_semaphore(%arg24 : memref<!tpu.dma_semaphore, #tpu.memory_space<semaphore_mem>>)
    }
    %scan3A_851 = arith.constant 8 : i32
    %add3A_852 = arith.constant 6528 : i32
    %add3A_853 = arith.addi %mul3A_2, %add3A_852 : i32
    %dma_wait3A_854 = arith.constant 0 : i32
    %dma_wait3A_855 = tpu.memref_slice %arg4[%add3A_853, %dma_wait3A_854] : memref<262144x128xf32, #tpu.memory_space<hbm>> -> memref<128x128xf32, #tpu.memory_space<hbm>>
    %dma_wait3A_856 = arith.constant 0 : i32
    %dma_wait3A_857 = tpu.memref_slice %arg4[%add3A_853, %dma_wait3A_856] : memref<262144x128xf32, #tpu.memory_space<hbm>> -> memref<128x128xf32, #tpu.memory_space<hbm>>
    tpu.wait_dma2 semaphore(%arg22 : memref<!tpu.dma_semaphore, #tpu.memory_space<semaphore_mem>>) src(%arg10 : memref<128x128xf32, #tpu.memory_space<vmem>>) dst(%dma_wait3A_857 : memref<128x128xf32, #tpu.memory_space<hbm>>)
    %get3A_858 = arith.constant 7296 : index
    %get3A_859 = tpu.vector_load %arg5[%get3A_858] {strides = array<i32>} : memref<8192xi32, #tpu.memory_space<vmem>>, vector<16xi32>,
    %get3A_860 = vector.shape_cast %get3A_859 : vector<16xi32> to vector<16xi32>
    %shift_right_arithmetic3A_861 = arith.constant 3 : i32
    %shift_right_arithmetic3A_862 = vector.broadcast %shift_right_arithmetic3A_861 : i32 to vector<16xi32>
    %shift_right_arithmetic3A_863 = arith.shrsi %get3A_860, %shift_right_arithmetic3A_862 : vector<16xi32>
    %swap3A_864 = arith.constant 7296 : index
    %swap3A_865 = tpu.vector_load %arg6[%swap3A_864] {strides = array<i32>} : memref<8192xi32, #tpu.memory_space<vmem>>, vector<16xi32>,
    %swap3A_866 = vector.shape_cast %swap3A_865 : vector<16xi32> to vector<16xi32>
    %swap3A_867 = vector.shape_cast %shift_right_arithmetic3A_863 : vector<16xi32> to vector<16xi32>
    tpu.vector_store %arg6[%swap3A_864], %swap3A_867 {strides = array<i32>} : memref<8192xi32, #tpu.memory_space<vmem>>, vector<16xi32>,
    %get3A_868 = arith.constant 7312 : index
    %get3A_869 = tpu.vector_load %arg5[%get3A_868] {strides = array<i32>} : memref<8192xi32, #tpu.memory_space<vmem>>, vector<16xi32>,
    %get3A_870 = vector.shape_cast %get3A_869 : vector<16xi32> to vector<16xi32>
    %shift_right_arithmetic3A_871 = arith.constant 3 : i32
    %shift_right_arithmetic3A_872 = vector.broadcast %shift_right_arithmetic3A_871 : i32 to vector<16xi32>
    %shift_right_arithmetic3A_873 = arith.shrsi %get3A_870, %shift_right_arithmetic3A_872 : vector<16xi32>
    %swap3A_874 = arith.constant 7312 : index
    %swap3A_875 = tpu.vector_load %arg6[%swap3A_874] {strides = array<i32>} : memref<8192xi32, #tpu.memory_space<vmem>>, vector<16xi32>,
    %swap3A_876 = vector.shape_cast %swap3A_875 : vector<16xi32> to vector<16xi32>
    %swap3A_877 = vector.shape_cast %shift_right_arithmetic3A_873 : vector<16xi32> to vector<16xi32>
    tpu.vector_store %arg6[%swap3A_874], %swap3A_877 {strides = array<i32>} : memref<8192xi32, #tpu.memory_space<vmem>>, vector<16xi32>,
    %get3A_878 = arith.constant 7328 : index
    %get3A_879 = tpu.vector_load %arg5[%get3A_878] {strides = array<i32>} : memref<8192xi32, #tpu.memory_space<vmem>>, vector<16xi32>,
    %get3A_880 = vector.shape_cast %get3A_879 : vector<16xi32> to vector<16xi32>
    %shift_right_arithmetic3A_881 = arith.constant 3 : i32
    %shift_right_arithmetic3A_882 = vector.broadcast %shift_right_arithmetic3A_881 : i32 to vector<16xi32>
    %shift_right_arithmetic3A_883 = arith.shrsi %get3A_880, %shift_right_arithmetic3A_882 : vector<16xi32>
    %swap3A_884 = arith.constant 7328 : index
    %swap3A_885 = tpu.vector_load %arg6[%swap3A_884] {strides = array<i32>} : memref<8192xi32, #tpu.memory_space<vmem>>, vector<16xi32>,
    %swap3A_886 = vector.shape_cast %swap3A_885 : vector<16xi32> to vector<16xi32>
    %swap3A_887 = vector.shape_cast %shift_right_arithmetic3A_883 : vector<16xi32> to vector<16xi32>
    tpu.vector_store %arg6[%swap3A_884], %swap3A_887 {strides = array<i32>} : memref<8192xi32, #tpu.memory_space<vmem>>, vector<16xi32>,
    %get3A_888 = arith.constant 7344 : index
    %get3A_889 = tpu.vector_load %arg5[%get3A_888] {strides = array<i32>} : memref<8192xi32, #tpu.memory_space<vmem>>, vector<16xi32>,
    %get3A_890 = vector.shape_cast %get3A_889 : vector<16xi32> to vector<16xi32>
    %shift_right_arithmetic3A_891 = arith.constant 3 : i32
    %shift_right_arithmetic3A_892 = vector.broadcast %shift_right_arithmetic3A_891 : i32 to vector<16xi32>
    %shift_right_arithmetic3A_893 = arith.shrsi %get3A_890, %shift_right_arithmetic3A_892 : vector<16xi32>
    %swap3A_894 = arith.constant 7344 : index
    %swap3A_895 = tpu.vector_load %arg6[%swap3A_894] {strides = array<i32>} : memref<8192xi32, #tpu.memory_space<vmem>>, vector<16xi32>,
    %swap3A_896 = vector.shape_cast %swap3A_895 : vector<16xi32> to vector<16xi32>
    %swap3A_897 = vector.shape_cast %shift_right_arithmetic3A_893 : vector<16xi32> to vector<16xi32>
    tpu.vector_store %arg6[%swap3A_894], %swap3A_897 {strides = array<i32>} : memref<8192xi32, #tpu.memory_space<vmem>>, vector<16xi32>,
    %get3A_898 = arith.constant 7360 : index
    %get3A_899 = tpu.vector_load %arg5[%get3A_898] {strides = array<i32>} : memref<8192xi32, #tpu.memory_space<vmem>>, vector<16xi32>,
    %get3A_900 = vector.shape_cast %get3A_899 : vector<16xi32> to vector<16xi32>
    %shift_right_arithmetic3A_901 = arith.constant 3 : i32
    %shift_right_arithmetic3A_902 = vector.broadcast %shift_right_arithmetic3A_901 : i32 to vector<16xi32>
    %shift_right_arithmetic3A_903 = arith.shrsi %get3A_900, %shift_right_arithmetic3A_902 : vector<16xi32>
    %swap3A_904 = arith.constant 7360 : index
    %swap3A_905 = tpu.vector_load %arg6[%swap3A_904] {strides = array<i32>} : memref<8192xi32, #tpu.memory_space<vmem>>, vector<16xi32>,
    %swap3A_906 = vector.shape_cast %swap3A_905 : vector<16xi32> to vector<16xi32>
    %swap3A_907 = vector.shape_cast %shift_right_arithmetic3A_903 : vector<16xi32> to vector<16xi32>
    tpu.vector_store %arg6[%swap3A_904], %swap3A_907 {strides = array<i32>} : memref<8192xi32, #tpu.memory_space<vmem>>, vector<16xi32>,
    %get3A_908 = arith.constant 7376 : index
    %get3A_909 = tpu.vector_load %arg5[%get3A_908] {strides = array<i32>} : memref<8192xi32, #tpu.memory_space<vmem>>, vector<16xi32>,
    %get3A_910 = vector.shape_cast %get3A_909 : vector<16xi32> to vector<16xi32>
    %shift_right_arithmetic3A_911 = arith.constant 3 : i32
    %shift_right_arithmetic3A_912 = vector.broadcast %shift_right_arithmetic3A_911 : i32 to vector<16xi32>
    %shift_right_arithmetic3A_913 = arith.shrsi %get3A_910, %shift_right_arithmetic3A_912 : vector<16xi32>
    %swap3A_914 = arith.constant 7376 : index
    %swap3A_915 = tpu.vector_load %arg6[%swap3A_914] {strides = array<i32>} : memref<8192xi32, #tpu.memory_space<vmem>>, vector<16xi32>,
    %swap3A_916 = vector.shape_cast %swap3A_915 : vector<16xi32> to vector<16xi32>
    %swap3A_917 = vector.shape_cast %shift_right_arithmetic3A_913 : vector<16xi32> to vector<16xi32>
    tpu.vector_store %arg6[%swap3A_914], %swap3A_917 {strides = array<i32>} : memref<8192xi32, #tpu.memory_space<vmem>>, vector<16xi32>,
    %get3A_918 = arith.constant 7392 : index
    %get3A_919 = tpu.vector_load %arg5[%get3A_918] {strides = array<i32>} : memref<8192xi32, #tpu.memory_space<vmem>>, vector<16xi32>,
    %get3A_920 = vector.shape_cast %get3A_919 : vector<16xi32> to vector<16xi32>
    %shift_right_arithmetic3A_921 = arith.constant 3 : i32
    %shift_right_arithmetic3A_922 = vector.broadcast %shift_right_arithmetic3A_921 : i32 to vector<16xi32>
    %shift_right_arithmetic3A_923 = arith.shrsi %get3A_920, %shift_right_arithmetic3A_922 : vector<16xi32>
    %swap3A_924 = arith.constant 7392 : index
    %swap3A_925 = tpu.vector_load %arg6[%swap3A_924] {strides = array<i32>} : memref<8192xi32, #tpu.memory_space<vmem>>, vector<16xi32>,
    %swap3A_926 = vector.shape_cast %swap3A_925 : vector<16xi32> to vector<16xi32>
    %swap3A_927 = vector.shape_cast %shift_right_arithmetic3A_923 : vector<16xi32> to vector<16xi32>
    tpu.vector_store %arg6[%swap3A_924], %swap3A_927 {strides = array<i32>} : memref<8192xi32, #tpu.memory_space<vmem>>, vector<16xi32>,
    %get3A_928 = arith.constant 7408 : index
    %get3A_929 = tpu.vector_load %arg5[%get3A_928] {strides = array<i32>} : memref<8192xi32, #tpu.memory_space<vmem>>, vector<16xi32>,
    %get3A_930 = vector.shape_cast %get3A_929 : vector<16xi32> to vector<16xi32>
    %shift_right_arithmetic3A_931 = arith.constant 3 : i32
    %shift_right_arithmetic3A_932 = vector.broadcast %shift_right_arithmetic3A_931 : i32 to vector<16xi32>
    %shift_right_arithmetic3A_933 = arith.shrsi %get3A_930, %shift_right_arithmetic3A_932 : vector<16xi32>
    %swap3A_934 = arith.constant 7408 : index
    %swap3A_935 = tpu.vector_load %arg6[%swap3A_934] {strides = array<i32>} : memref<8192xi32, #tpu.memory_space<vmem>>, vector<16xi32>,
    %swap3A_936 = vector.shape_cast %swap3A_935 : vector<16xi32> to vector<16xi32>
    %swap3A_937 = vector.shape_cast %shift_right_arithmetic3A_933 : vector<16xi32> to vector<16xi32>
    tpu.vector_store %arg6[%swap3A_934], %swap3A_937 {strides = array<i32>} : memref<8192xi32, #tpu.memory_space<vmem>>, vector<16xi32>,
    %dma_start3A_938 = arith.constant 7296 : i32
    %dma_start3A_939 = tpu.memref_slice %arg6[%dma_start3A_938] : memref<8192xi32, #tpu.memory_space<vmem>> -> memref<128xi32, #tpu.memory_space<vmem>>
    %dma_start3A_940 = arith.constant 0 : i32
    %dma_start3A_941 = arith.constant 0 : i32
    %dma_start3A_942 = tpu.memref_slice %arg2[%dma_start3A_940, %dma_start3A_941] : memref<65536x128xf32, #tpu.memory_space<hbm>> -> memref<65536x128xf32, #tpu.memory_space<hbm>>
    tpu.enqueue_indirect_dma source(%dma_start3A_942 : memref<65536x128xf32, #tpu.memory_space<hbm>>) target(%arg10 : memref<128x128xf32, #tpu.memory_space<vmem>>) offsets(%dma_start3A_939 : memref<128xi32, #tpu.memory_space<vmem>>) semaphore(%arg16 : memref<!tpu.dma_semaphore, #tpu.memory_space<semaphore_mem>>)
    %dma_wait3A_943 = arith.constant 6912 : i32
    %dma_wait3A_944 = tpu.memref_slice %arg6[%dma_wait3A_943] : memref<8192xi32, #tpu.memory_space<vmem>> -> memref<128xi32, #tpu.memory_space<vmem>>
    %dma_wait3A_945 = arith.constant 0 : i32
    %dma_wait3A_946 = arith.constant 0 : i32
    %dma_wait3A_947 = tpu.memref_slice %arg2[%dma_wait3A_945, %dma_wait3A_946] : memref<65536x128xf32, #tpu.memory_space<hbm>> -> memref<65536x128xf32, #tpu.memory_space<hbm>>
    tpu.wait_indirect_dma semaphore(%arg13 : memref<!tpu.dma_semaphore, #tpu.memory_space<semaphore_mem>>) src(%dma_wait3A_947 : memref<65536x128xf32, #tpu.memory_space<hbm>>) dst(%arg7 : memref<128x128xf32, #tpu.memory_space<vmem>>)
    %add3A_948 = arith.constant 6912 : i32
    %add3A_949 = arith.addi %mul3A_2, %add3A_948 : i32
    %dma_start3A_950 = arith.constant 0 : i32
    %dma_start3A_951 = tpu.memref_slice %arg4[%add3A_949, %dma_start3A_950] : memref<262144x128xf32, #tpu.memory_space<hbm>> -> memref<128x128xf32, #tpu.memory_space<hbm>>
    %dma_start3A_952 = arith.constant 0 : i32
    %dma_start3A_953 = tpu.memref_slice %arg4[%add3A_949, %dma_start3A_952] : memref<262144x128xf32, #tpu.memory_space<hbm>> -> memref<128x128xf32, #tpu.memory_space<hbm>>
    tpu.enqueue_dma source(%arg7 : memref<128x128xf32, #tpu.memory_space<vmem>>) target(%dma_start3A_953 : memref<128x128xf32, #tpu.memory_space<hbm>>) target_semaphore(%arg19 : memref<!tpu.dma_semaphore, #tpu.memory_space<semaphore_mem>>)
    %add3A_954 = arith.constant 6656 : i32
    %add3A_955 = arith.addi %mul3A_2, %add3A_954 : i32
    %dma_wait3A_956 = arith.constant 0 : i32
    %dma_wait3A_957 = tpu.memref_slice %arg4[%add3A_955, %dma_wait3A_956] : memref<262144x128xf32, #tpu.memory_space<hbm>> -> memref<128x128xf32, #tpu.memory_space<hbm>>
    %dma_wait3A_958 = arith.constant 0 : i32
    %dma_wait3A_959 = tpu.memref_slice %arg4[%add3A_955, %dma_wait3A_958] : memref<262144x128xf32, #tpu.memory_space<hbm>> -> memref<128x128xf32, #tpu.memory_space<hbm>>
    tpu.wait_dma2 semaphore(%arg23 : memref<!tpu.dma_semaphore, #tpu.memory_space<semaphore_mem>>) src(%arg11 : memref<128x128xf32, #tpu.memory_space<vmem>>) dst(%dma_wait3A_959 : memref<128x128xf32, #tpu.memory_space<hbm>>)
    %get3A_960 = arith.constant 7424 : index
    %get3A_961 = tpu.vector_load %arg5[%get3A_960] {strides = array<i32>} : memref<8192xi32, #tpu.memory_space<vmem>>, vector<16xi32>,
    %get3A_962 = vector.shape_cast %get3A_961 : vector<16xi32> to vector<16xi32>
    %shift_right_arithmetic3A_963 = arith.constant 3 : i32
    %shift_right_arithmetic3A_964 = vector.broadcast %shift_right_arithmetic3A_963 : i32 to vector<16xi32>
    %shift_right_arithmetic3A_965 = arith.shrsi %get3A_962, %shift_right_arithmetic3A_964 : vector<16xi32>
    %swap3A_966 = arith.constant 7424 : index
    %swap3A_967 = tpu.vector_load %arg6[%swap3A_966] {strides = array<i32>} : memref<8192xi32, #tpu.memory_space<vmem>>, vector<16xi32>,
    %swap3A_968 = vector.shape_cast %swap3A_967 : vector<16xi32> to vector<16xi32>
    %swap3A_969 = vector.shape_cast %shift_right_arithmetic3A_965 : vector<16xi32> to vector<16xi32>
    tpu.vector_store %arg6[%swap3A_966], %swap3A_969 {strides = array<i32>} : memref<8192xi32, #tpu.memory_space<vmem>>, vector<16xi32>,
    %get3A_970 = arith.constant 7440 : index
    %get3A_971 = tpu.vector_load %arg5[%get3A_970] {strides = array<i32>} : memref<8192xi32, #tpu.memory_space<vmem>>, vector<16xi32>,
    %get3A_972 = vector.shape_cast %get3A_971 : vector<16xi32> to vector<16xi32>
    %shift_right_arithmetic3A_973 = arith.constant 3 : i32
    %shift_right_arithmetic3A_974 = vector.broadcast %shift_right_arithmetic3A_973 : i32 to vector<16xi32>
    %shift_right_arithmetic3A_975 = arith.shrsi %get3A_972, %shift_right_arithmetic3A_974 : vector<16xi32>
    %swap3A_976 = arith.constant 7440 : index
    %swap3A_977 = tpu.vector_load %arg6[%swap3A_976] {strides = array<i32>} : memref<8192xi32, #tpu.memory_space<vmem>>, vector<16xi32>,
    %swap3A_978 = vector.shape_cast %swap3A_977 : vector<16xi32> to vector<16xi32>
    %swap3A_979 = vector.shape_cast %shift_right_arithmetic3A_975 : vector<16xi32> to vector<16xi32>
    tpu.vector_store %arg6[%swap3A_976], %swap3A_979 {strides = array<i32>} : memref<8192xi32, #tpu.memory_space<vmem>>, vector<16xi32>,
    %get3A_980 = arith.constant 7456 : index
    %get3A_981 = tpu.vector_load %arg5[%get3A_980] {strides = array<i32>} : memref<8192xi32, #tpu.memory_space<vmem>>, vector<16xi32>,
    %get3A_982 = vector.shape_cast %get3A_981 : vector<16xi32> to vector<16xi32>
    %shift_right_arithmetic3A_983 = arith.constant 3 : i32
    %shift_right_arithmetic3A_984 = vector.broadcast %shift_right_arithmetic3A_983 : i32 to vector<16xi32>
    %shift_right_arithmetic3A_985 = arith.shrsi %get3A_982, %shift_right_arithmetic3A_984 : vector<16xi32>
    %swap3A_986 = arith.constant 7456 : index
    %swap3A_987 = tpu.vector_load %arg6[%swap3A_986] {strides = array<i32>} : memref<8192xi32, #tpu.memory_space<vmem>>, vector<16xi32>,
    %swap3A_988 = vector.shape_cast %swap3A_987 : vector<16xi32> to vector<16xi32>
    %swap3A_989 = vector.shape_cast %shift_right_arithmetic3A_985 : vector<16xi32> to vector<16xi32>
    tpu.vector_store %arg6[%swap3A_986], %swap3A_989 {strides = array<i32>} : memref<8192xi32, #tpu.memory_space<vmem>>, vector<16xi32>,
    %get3A_990 = arith.constant 7472 : index
    %get3A_991 = tpu.vector_load %arg5[%get3A_990] {strides = array<i32>} : memref<8192xi32, #tpu.memory_space<vmem>>, vector<16xi32>,
    %get3A_992 = vector.shape_cast %get3A_991 : vector<16xi32> to vector<16xi32>
    %shift_right_arithmetic3A_993 = arith.constant 3 : i32
    %shift_right_arithmetic3A_994 = vector.broadcast %shift_right_arithmetic3A_993 : i32 to vector<16xi32>
    %shift_right_arithmetic3A_995 = arith.shrsi %get3A_992, %shift_right_arithmetic3A_994 : vector<16xi32>
    %swap3A_996 = arith.constant 7472 : index
    %swap3A_997 = tpu.vector_load %arg6[%swap3A_996] {strides = array<i32>} : memref<8192xi32, #tpu.memory_space<vmem>>, vector<16xi32>,
    %swap3A_998 = vector.shape_cast %swap3A_997 : vector<16xi32> to vector<16xi32>
    %swap3A_999 = vector.shape_cast %shift_right_arithmetic3A_995 : vector<16xi32> to vector<16xi32>
    tpu.vector_store %arg6[%swap3A_996], %swap3A_999 {strides = array<i32>} : memref<8192xi32, #tpu.memory_space<vmem>>, vector<16xi32>,
    %get3A_1000 = arith.constant 7488 : index
    %get3A_1001 = tpu.vector_load %arg5[%get3A_1000] {strides = array<i32>} : memref<8192xi32, #tpu.memory_space<vmem>>, vector<16xi32>,
    %get3A_1002 = vector.shape_cast %get3A_1001 : vector<16xi32> to vector<16xi32>
    %shift_right_arithmetic3A_1003 = arith.constant 3 : i32
    %shift_right_arithmetic3A_1004 = vector.broadcast %shift_right_arithmetic3A_1003 : i32 to vector<16xi32>
    %shift_right_arithmetic3A_1005 = arith.shrsi %get3A_1002, %shift_right_arithmetic3A_1004 : vector<16xi32>
    %swap3A_1006 = arith.constant 7488 : index
    %swap3A_1007 = tpu.vector_load %arg6[%swap3A_1006] {strides = array<i32>} : memref<8192xi32, #tpu.memory_space<vmem>>, vector<16xi32>,
    %swap3A_1008 = vector.shape_cast %swap3A_1007 : vector<16xi32> to vector<16xi32>
    %swap3A_1009 = vector.shape_cast %shift_right_arithmetic3A_1005 : vector<16xi32> to vector<16xi32>
    tpu.vector_store %arg6[%swap3A_1006], %swap3A_1009 {strides = array<i32>} : memref<8192xi32, #tpu.memory_space<vmem>>, vector<16xi32>,
    %get3A_1010 = arith.constant 7504 : index
    %get3A_1011 = tpu.vector_load %arg5[%get3A_1010] {strides = array<i32>} : memref<8192xi32, #tpu.memory_space<vmem>>, vector<16xi32>,
    %get3A_1012 = vector.shape_cast %get3A_1011 : vector<16xi32> to vector<16xi32>
    %shift_right_arithmetic3A_1013 = arith.constant 3 : i32
    %shift_right_arithmetic3A_1014 = vector.broadcast %shift_right_arithmetic3A_1013 : i32 to vector<16xi32>
    %shift_right_arithmetic3A_1015 = arith.shrsi %get3A_1012, %shift_right_arithmetic3A_1014 : vector<16xi32>
    %swap3A_1016 = arith.constant 7504 : index
    %swap3A_1017 = tpu.vector_load %arg6[%swap3A_1016] {strides = array<i32>} : memref<8192xi32, #tpu.memory_space<vmem>>, vector<16xi32>,
    %swap3A_1018 = vector.shape_cast %swap3A_1017 : vector<16xi32> to vector<16xi32>
    %swap3A_1019 = vector.shape_cast %shift_right_arithmetic3A_1015 : vector<16xi32> to vector<16xi32>
    tpu.vector_store %arg6[%swap3A_1016], %swap3A_1019 {strides = array<i32>} : memref<8192xi32, #tpu.memory_space<vmem>>, vector<16xi32>,
    %get3A_1020 = arith.constant 7520 : index
    %get3A_1021 = tpu.vector_load %arg5[%get3A_1020] {strides = array<i32>} : memref<8192xi32, #tpu.memory_space<vmem>>, vector<16xi32>,
    %get3A_1022 = vector.shape_cast %get3A_1021 : vector<16xi32> to vector<16xi32>
    %shift_right_arithmetic3A_1023 = arith.constant 3 : i32
    %shift_right_arithmetic3A_1024 = vector.broadcast %shift_right_arithmetic3A_1023 : i32 to vector<16xi32>
    %shift_right_arithmetic3A_1025 = arith.shrsi %get3A_1022, %shift_right_arithmetic3A_1024 : vector<16xi32>
    %swap3A_1026 = arith.constant 7520 : index
    %swap3A_1027 = tpu.vector_load %arg6[%swap3A_1026] {strides = array<i32>} : memref<8192xi32, #tpu.memory_space<vmem>>, vector<16xi32>,
    %swap3A_1028 = vector.shape_cast %swap3A_1027 : vector<16xi32> to vector<16xi32>
    %swap3A_1029 = vector.shape_cast %shift_right_arithmetic3A_1025 : vector<16xi32> to vector<16xi32>
    tpu.vector_store %arg6[%swap3A_1026], %swap3A_1029 {strides = array<i32>} : memref<8192xi32, #tpu.memory_space<vmem>>, vector<16xi32>,
    %get3A_1030 = arith.constant 7536 : index
    %get3A_1031 = tpu.vector_load %arg5[%get3A_1030] {strides = array<i32>} : memref<8192xi32, #tpu.memory_space<vmem>>, vector<16xi32>,
    %get3A_1032 = vector.shape_cast %get3A_1031 : vector<16xi32> to vector<16xi32>
    %shift_right_arithmetic3A_1033 = arith.constant 3 : i32
    %shift_right_arithmetic3A_1034 = vector.broadcast %shift_right_arithmetic3A_1033 : i32 to vector<16xi32>
    %shift_right_arithmetic3A_1035 = arith.shrsi %get3A_1032, %shift_right_arithmetic3A_1034 : vector<16xi32>
    %swap3A_1036 = arith.constant 7536 : index
    %swap3A_1037 = tpu.vector_load %arg6[%swap3A_1036] {strides = array<i32>} : memref<8192xi32, #tpu.memory_space<vmem>>, vector<16xi32>,
    %swap3A_1038 = vector.shape_cast %swap3A_1037 : vector<16xi32> to vector<16xi32>
    %swap3A_1039 = vector.shape_cast %shift_right_arithmetic3A_1035 : vector<16xi32> to vector<16xi32>
    tpu.vector_store %arg6[%swap3A_1036], %swap3A_1039 {strides = array<i32>} : memref<8192xi32, #tpu.memory_space<vmem>>, vector<16xi32>,
    %dma_start3A_1040 = arith.constant 7424 : i32
    %dma_start3A_1041 = tpu.memref_slice %arg6[%dma_start3A_1040] : memref<8192xi32, #tpu.memory_space<vmem>> -> memref<128xi32, #tpu.memory_space<vmem>>
    %dma_start3A_1042 = arith.constant 0 : i32
    %dma_start3A_1043 = arith.constant 0 : i32
    %dma_start3A_1044 = tpu.memref_slice %arg2[%dma_start3A_1042, %dma_start3A_1043] : memref<65536x128xf32, #tpu.memory_space<hbm>> -> memref<65536x128xf32, #tpu.memory_space<hbm>>
    tpu.enqueue_indirect_dma source(%dma_start3A_1044 : memref<65536x128xf32, #tpu.memory_space<hbm>>) target(%arg11 : memref<128x128xf32, #tpu.memory_space<vmem>>) offsets(%dma_start3A_1041 : memref<128xi32, #tpu.memory_space<vmem>>) semaphore(%arg17 : memref<!tpu.dma_semaphore, #tpu.memory_space<semaphore_mem>>)
    %dma_wait3A_1045 = arith.constant 7040 : i32
    %dma_wait3A_1046 = tpu.memref_slice %arg6[%dma_wait3A_1045] : memref<8192xi32, #tpu.memory_space<vmem>> -> memref<128xi32, #tpu.memory_space<vmem>>
    %dma_wait3A_1047 = arith.constant 0 : i32
    %dma_wait3A_1048 = arith.constant 0 : i32
    %dma_wait3A_1049 = tpu.memref_slice %arg2[%dma_wait3A_1047, %dma_wait3A_1048] : memref<65536x128xf32, #tpu.memory_space<hbm>> -> memref<65536x128xf32, #tpu.memory_space<hbm>>
    tpu.wait_indirect_dma semaphore(%arg14 : memref<!tpu.dma_semaphore, #tpu.memory_space<semaphore_mem>>) src(%dma_wait3A_1049 : memref<65536x128xf32, #tpu.memory_space<hbm>>) dst(%arg8 : memref<128x128xf32, #tpu.memory_space<vmem>>)
    %add3A_1050 = arith.constant 7040 : i32
    %add3A_1051 = arith.addi %mul3A_2, %add3A_1050 : i32
    %dma_start3A_1052 = arith.constant 0 : i32
    %dma_start3A_1053 = tpu.memref_slice %arg4[%add3A_1051, %dma_start3A_1052] : memref<262144x128xf32, #tpu.memory_space<hbm>> -> memref<128x128xf32, #tpu.memory_space<hbm>>
    %dma_start3A_1054 = arith.constant 0 : i32
    %dma_start3A_1055 = tpu.memref_slice %arg4[%add3A_1051, %dma_start3A_1054] : memref<262144x128xf32, #tpu.memory_space<hbm>> -> memref<128x128xf32, #tpu.memory_space<hbm>>
    tpu.enqueue_dma source(%arg8 : memref<128x128xf32, #tpu.memory_space<vmem>>) target(%dma_start3A_1055 : memref<128x128xf32, #tpu.memory_space<hbm>>) target_semaphore(%arg20 : memref<!tpu.dma_semaphore, #tpu.memory_space<semaphore_mem>>)
    %add3A_1056 = arith.constant 6784 : i32
    %add3A_1057 = arith.addi %mul3A_2, %add3A_1056 : i32
    %dma_wait3A_1058 = arith.constant 0 : i32
    %dma_wait3A_1059 = tpu.memref_slice %arg4[%add3A_1057, %dma_wait3A_1058] : memref<262144x128xf32, #tpu.memory_space<hbm>> -> memref<128x128xf32, #tpu.memory_space<hbm>>
    %dma_wait3A_1060 = arith.constant 0 : i32
    %dma_wait3A_1061 = tpu.memref_slice %arg4[%add3A_1057, %dma_wait3A_1060] : memref<262144x128xf32, #tpu.memory_space<hbm>> -> memref<128x128xf32, #tpu.memory_space<hbm>>
    tpu.wait_dma2 semaphore(%arg24 : memref<!tpu.dma_semaphore, #tpu.memory_space<semaphore_mem>>) src(%arg12 : memref<128x128xf32, #tpu.memory_space<vmem>>) dst(%dma_wait3A_1061 : memref<128x128xf32, #tpu.memory_space<hbm>>)
    %get3A_1062 = arith.constant 7552 : index
    %get3A_1063 = tpu.vector_load %arg5[%get3A_1062] {strides = array<i32>} : memref<8192xi32, #tpu.memory_space<vmem>>, vector<16xi32>,
    %get3A_1064 = vector.shape_cast %get3A_1063 : vector<16xi32> to vector<16xi32>
    %shift_right_arithmetic3A_1065 = arith.constant 3 : i32
    %shift_right_arithmetic3A_1066 = vector.broadcast %shift_right_arithmetic3A_1065 : i32 to vector<16xi32>
    %shift_right_arithmetic3A_1067 = arith.shrsi %get3A_1064, %shift_right_arithmetic3A_1066 : vector<16xi32>
    %swap3A_1068 = arith.constant 7552 : index
    %swap3A_1069 = tpu.vector_load %arg6[%swap3A_1068] {strides = array<i32>} : memref<8192xi32, #tpu.memory_space<vmem>>, vector<16xi32>,
    %swap3A_1070 = vector.shape_cast %swap3A_1069 : vector<16xi32> to vector<16xi32>
    %swap3A_1071 = vector.shape_cast %shift_right_arithmetic3A_1067 : vector<16xi32> to vector<16xi32>
    tpu.vector_store %arg6[%swap3A_1068], %swap3A_1071 {strides = array<i32>} : memref<8192xi32, #tpu.memory_space<vmem>>, vector<16xi32>,
    %get3A_1072 = arith.constant 7568 : index
    %get3A_1073 = tpu.vector_load %arg5[%get3A_1072] {strides = array<i32>} : memref<8192xi32, #tpu.memory_space<vmem>>, vector<16xi32>,
    %get3A_1074 = vector.shape_cast %get3A_1073 : vector<16xi32> to vector<16xi32>
    %shift_right_arithmetic3A_1075 = arith.constant 3 : i32
    %shift_right_arithmetic3A_1076 = vector.broadcast %shift_right_arithmetic3A_1075 : i32 to vector<16xi32>
    %shift_right_arithmetic3A_1077 = arith.shrsi %get3A_1074, %shift_right_arithmetic3A_1076 : vector<16xi32>
    %swap3A_1078 = arith.constant 7568 : index
    %swap3A_1079 = tpu.vector_load %arg6[%swap3A_1078] {strides = array<i32>} : memref<8192xi32, #tpu.memory_space<vmem>>, vector<16xi32>,
    %swap3A_1080 = vector.shape_cast %swap3A_1079 : vector<16xi32> to vector<16xi32>
    %swap3A_1081 = vector.shape_cast %shift_right_arithmetic3A_1077 : vector<16xi32> to vector<16xi32>
    tpu.vector_store %arg6[%swap3A_1078], %swap3A_1081 {strides = array<i32>} : memref<8192xi32, #tpu.memory_space<vmem>>, vector<16xi32>,
    %get3A_1082 = arith.constant 7584 : index
    %get3A_1083 = tpu.vector_load %arg5[%get3A_1082] {strides = array<i32>} : memref<8192xi32, #tpu.memory_space<vmem>>, vector<16xi32>,
    %get3A_1084 = vector.shape_cast %get3A_1083 : vector<16xi32> to vector<16xi32>
    %shift_right_arithmetic3A_1085 = arith.constant 3 : i32
    %shift_right_arithmetic3A_1086 = vector.broadcast %shift_right_arithmetic3A_1085 : i32 to vector<16xi32>
    %shift_right_arithmetic3A_1087 = arith.shrsi %get3A_1084, %shift_right_arithmetic3A_1086 : vector<16xi32>
    %swap3A_1088 = arith.constant 7584 : index
    %swap3A_1089 = tpu.vector_load %arg6[%swap3A_1088] {strides = array<i32>} : memref<8192xi32, #tpu.memory_space<vmem>>, vector<16xi32>,
    %swap3A_1090 = vector.shape_cast %swap3A_1089 : vector<16xi32> to vector<16xi32>
    %swap3A_1091 = vector.shape_cast %shift_right_arithmetic3A_1087 : vector<16xi32> to vector<16xi32>
    tpu.vector_store %arg6[%swap3A_1088], %swap3A_1091 {strides = array<i32>} : memref<8192xi32, #tpu.memory_space<vmem>>, vector<16xi32>,
    %get3A_1092 = arith.constant 7600 : index
    %get3A_1093 = tpu.vector_load %arg5[%get3A_1092] {strides = array<i32>} : memref<8192xi32, #tpu.memory_space<vmem>>, vector<16xi32>,
    %get3A_1094 = vector.shape_cast %get3A_1093 : vector<16xi32> to vector<16xi32>
    %shift_right_arithmetic3A_1095 = arith.constant 3 : i32
    %shift_right_arithmetic3A_1096 = vector.broadcast %shift_right_arithmetic3A_1095 : i32 to vector<16xi32>
    %shift_right_arithmetic3A_1097 = arith.shrsi %get3A_1094, %shift_right_arithmetic3A_1096 : vector<16xi32>
    %swap3A_1098 = arith.constant 7600 : index
    %swap3A_1099 = tpu.vector_load %arg6[%swap3A_1098] {strides = array<i32>} : memref<8192xi32, #tpu.memory_space<vmem>>, vector<16xi32>,
    %swap3A_1100 = vector.shape_cast %swap3A_1099 : vector<16xi32> to vector<16xi32>
    %swap3A_1101 = vector.shape_cast %shift_right_arithmetic3A_1097 : vector<16xi32> to vector<16xi32>
    tpu.vector_store %arg6[%swap3A_1098], %swap3A_1101 {strides = array<i32>} : memref<8192xi32, #tpu.memory_space<vmem>>, vector<16xi32>,
    %get3A_1102 = arith.constant 7616 : index
    %get3A_1103 = tpu.vector_load %arg5[%get3A_1102] {strides = array<i32>} : memref<8192xi32, #tpu.memory_space<vmem>>, vector<16xi32>,
    %get3A_1104 = vector.shape_cast %get3A_1103 : vector<16xi32> to vector<16xi32>
    %shift_right_arithmetic3A_1105 = arith.constant 3 : i32
    %shift_right_arithmetic3A_1106 = vector.broadcast %shift_right_arithmetic3A_1105 : i32 to vector<16xi32>
    %shift_right_arithmetic3A_1107 = arith.shrsi %get3A_1104, %shift_right_arithmetic3A_1106 : vector<16xi32>
    %swap3A_1108 = arith.constant 7616 : index
    %swap3A_1109 = tpu.vector_load %arg6[%swap3A_1108] {strides = array<i32>} : memref<8192xi32, #tpu.memory_space<vmem>>, vector<16xi32>,
    %swap3A_1110 = vector.shape_cast %swap3A_1109 : vector<16xi32> to vector<16xi32>
    %swap3A_1111 = vector.shape_cast %shift_right_arithmetic3A_1107 : vector<16xi32> to vector<16xi32>
    tpu.vector_store %arg6[%swap3A_1108], %swap3A_1111 {strides = array<i32>} : memref<8192xi32, #tpu.memory_space<vmem>>, vector<16xi32>,
    %get3A_1112 = arith.constant 7632 : index
    %get3A_1113 = tpu.vector_load %arg5[%get3A_1112] {strides = array<i32>} : memref<8192xi32, #tpu.memory_space<vmem>>, vector<16xi32>,
    %get3A_1114 = vector.shape_cast %get3A_1113 : vector<16xi32> to vector<16xi32>
    %shift_right_arithmetic3A_1115 = arith.constant 3 : i32
    %shift_right_arithmetic3A_1116 = vector.broadcast %shift_right_arithmetic3A_1115 : i32 to vector<16xi32>
    %shift_right_arithmetic3A_1117 = arith.shrsi %get3A_1114, %shift_right_arithmetic3A_1116 : vector<16xi32>
    %swap3A_1118 = arith.constant 7632 : index
    %swap3A_1119 = tpu.vector_load %arg6[%swap3A_1118] {strides = array<i32>} : memref<8192xi32, #tpu.memory_space<vmem>>, vector<16xi32>,
    %swap3A_1120 = vector.shape_cast %swap3A_1119 : vector<16xi32> to vector<16xi32>
    %swap3A_1121 = vector.shape_cast %shift_right_arithmetic3A_1117 : vector<16xi32> to vector<16xi32>
    tpu.vector_store %arg6[%swap3A_1118], %swap3A_1121 {strides = array<i32>} : memref<8192xi32, #tpu.memory_space<vmem>>, vector<16xi32>,
    %get3A_1122 = arith.constant 7648 : index
    %get3A_1123 = tpu.vector_load %arg5[%get3A_1122] {strides = array<i32>} : memref<8192xi32, #tpu.memory_space<vmem>>, vector<16xi32>,
    %get3A_1124 = vector.shape_cast %get3A_1123 : vector<16xi32> to vector<16xi32>
    %shift_right_arithmetic3A_1125 = arith.constant 3 : i32
    %shift_right_arithmetic3A_1126 = vector.broadcast %shift_right_arithmetic3A_1125 : i32 to vector<16xi32>
    %shift_right_arithmetic3A_1127 = arith.shrsi %get3A_1124, %shift_right_arithmetic3A_1126 : vector<16xi32>
    %swap3A_1128 = arith.constant 7648 : index
    %swap3A_1129 = tpu.vector_load %arg6[%swap3A_1128] {strides = array<i32>} : memref<8192xi32, #tpu.memory_space<vmem>>, vector<16xi32>,
    %swap3A_1130 = vector.shape_cast %swap3A_1129 : vector<16xi32> to vector<16xi32>
    %swap3A_1131 = vector.shape_cast %shift_right_arithmetic3A_1127 : vector<16xi32> to vector<16xi32>
    tpu.vector_store %arg6[%swap3A_1128], %swap3A_1131 {strides = array<i32>} : memref<8192xi32, #tpu.memory_space<vmem>>, vector<16xi32>,
    %get3A_1132 = arith.constant 7664 : index
    %get3A_1133 = tpu.vector_load %arg5[%get3A_1132] {strides = array<i32>} : memref<8192xi32, #tpu.memory_space<vmem>>, vector<16xi32>,
    %get3A_1134 = vector.shape_cast %get3A_1133 : vector<16xi32> to vector<16xi32>
    %shift_right_arithmetic3A_1135 = arith.constant 3 : i32
    %shift_right_arithmetic3A_1136 = vector.broadcast %shift_right_arithmetic3A_1135 : i32 to vector<16xi32>
    %shift_right_arithmetic3A_1137 = arith.shrsi %get3A_1134, %shift_right_arithmetic3A_1136 : vector<16xi32>
    %swap3A_1138 = arith.constant 7664 : index
    %swap3A_1139 = tpu.vector_load %arg6[%swap3A_1138] {strides = array<i32>} : memref<8192xi32, #tpu.memory_space<vmem>>, vector<16xi32>,
    %swap3A_1140 = vector.shape_cast %swap3A_1139 : vector<16xi32> to vector<16xi32>
    %swap3A_1141 = vector.shape_cast %shift_right_arithmetic3A_1137 : vector<16xi32> to vector<16xi32>
    tpu.vector_store %arg6[%swap3A_1138], %swap3A_1141 {strides = array<i32>} : memref<8192xi32, #tpu.memory_space<vmem>>, vector<16xi32>,
    %dma_start3A_1142 = arith.constant 7552 : i32
    %dma_start3A_1143 = tpu.memref_slice %arg6[%dma_start3A_1142] : memref<8192xi32, #tpu.memory_space<vmem>> -> memref<128xi32, #tpu.memory_space<vmem>>
    %dma_start3A_1144 = arith.constant 0 : i32
    %dma_start3A_1145 = arith.constant 0 : i32
    %dma_start3A_1146 = tpu.memref_slice %arg2[%dma_start3A_1144, %dma_start3A_1145] : memref<65536x128xf32, #tpu.memory_space<hbm>> -> memref<65536x128xf32, #tpu.memory_space<hbm>>
    tpu.enqueue_indirect_dma source(%dma_start3A_1146 : memref<65536x128xf32, #tpu.memory_space<hbm>>) target(%arg12 : memref<128x128xf32, #tpu.memory_space<vmem>>) offsets(%dma_start3A_1143 : memref<128xi32, #tpu.memory_space<vmem>>) semaphore(%arg18 : memref<!tpu.dma_semaphore, #tpu.memory_space<semaphore_mem>>)
    %dma_wait3A_1147 = arith.constant 7168 : i32
    %dma_wait3A_1148 = tpu.memref_slice %arg6[%dma_wait3A_1147] : memref<8192xi32, #tpu.memory_space<vmem>> -> memref<128xi32, #tpu.memory_space<vmem>>
    %dma_wait3A_1149 = arith.constant 0 : i32
    %dma_wait3A_1150 = arith.constant 0 : i32
    %dma_wait3A_1151 = tpu.memref_slice %arg2[%dma_wait3A_1149, %dma_wait3A_1150] : memref<65536x128xf32, #tpu.memory_space<hbm>> -> memref<65536x128xf32, #tpu.memory_space<hbm>>
    tpu.wait_indirect_dma semaphore(%arg15 : memref<!tpu.dma_semaphore, #tpu.memory_space<semaphore_mem>>) src(%dma_wait3A_1151 : memref<65536x128xf32, #tpu.memory_space<hbm>>) dst(%arg9 : memref<128x128xf32, #tpu.memory_space<vmem>>)
    %add3A_1152 = arith.constant 7168 : i32
    %add3A_1153 = arith.addi %mul3A_2, %add3A_1152 : i32
    %dma_start3A_1154 = arith.constant 0 : i32
    %dma_start3A_1155 = tpu.memref_slice %arg4[%add3A_1153, %dma_start3A_1154] : memref<262144x128xf32, #tpu.memory_space<hbm>> -> memref<128x128xf32, #tpu.memory_space<hbm>>
    %dma_start3A_1156 = arith.constant 0 : i32
    %dma_start3A_1157 = tpu.memref_slice %arg4[%add3A_1153, %dma_start3A_1156] : memref<262144x128xf32, #tpu.memory_space<hbm>> -> memref<128x128xf32, #tpu.memory_space<hbm>>
    tpu.enqueue_dma source(%arg9 : memref<128x128xf32, #tpu.memory_space<vmem>>) target(%dma_start3A_1157 : memref<128x128xf32, #tpu.memory_space<hbm>>) target_semaphore(%arg21 : memref<!tpu.dma_semaphore, #tpu.memory_space<semaphore_mem>>)
    %add3A_1158 = arith.constant 6912 : i32
    %add3A_1159 = arith.addi %mul3A_2, %add3A_1158 : i32
    %dma_wait3A_1160 = arith.constant 0 : i32
    %dma_wait3A_1161 = tpu.memref_slice %arg4[%add3A_1159, %dma_wait3A_1160] : memref<262144x128xf32, #tpu.memory_space<hbm>> -> memref<128x128xf32, #tpu.memory_space<hbm>>
    %dma_wait3A_1162 = arith.constant 0 : i32
    %dma_wait3A_1163 = tpu.memref_slice %arg4[%add3A_1159, %dma_wait3A_1162] : memref<262144x128xf32, #tpu.memory_space<hbm>> -> memref<128x128xf32, #tpu.memory_space<hbm>>
    tpu.wait_dma2 semaphore(%arg19 : memref<!tpu.dma_semaphore, #tpu.memory_space<semaphore_mem>>) src(%arg7 : memref<128x128xf32, #tpu.memory_space<vmem>>) dst(%dma_wait3A_1163 : memref<128x128xf32, #tpu.memory_space<hbm>>)
    %get3A_1164 = arith.constant 7680 : index
    %get3A_1165 = tpu.vector_load %arg5[%get3A_1164] {strides = array<i32>} : memref<8192xi32, #tpu.memory_space<vmem>>, vector<16xi32>,
    %get3A_1166 = vector.shape_cast %get3A_1165 : vector<16xi32> to vector<16xi32>
    %shift_right_arithmetic3A_1167 = arith.constant 3 : i32
    %shift_right_arithmetic3A_1168 = vector.broadcast %shift_right_arithmetic3A_1167 : i32 to vector<16xi32>
    %shift_right_arithmetic3A_1169 = arith.shrsi %get3A_1166, %shift_right_arithmetic3A_1168 : vector<16xi32>
    %swap3A_1170 = arith.constant 7680 : index
    %swap3A_1171 = tpu.vector_load %arg6[%swap3A_1170] {strides = array<i32>} : memref<8192xi32, #tpu.memory_space<vmem>>, vector<16xi32>,
    %swap3A_1172 = vector.shape_cast %swap3A_1171 : vector<16xi32> to vector<16xi32>
    %swap3A_1173 = vector.shape_cast %shift_right_arithmetic3A_1169 : vector<16xi32> to vector<16xi32>
    tpu.vector_store %arg6[%swap3A_1170], %swap3A_1173 {strides = array<i32>} : memref<8192xi32, #tpu.memory_space<vmem>>, vector<16xi32>,
    %get3A_1174 = arith.constant 7696 : index
    %get3A_1175 = tpu.vector_load %arg5[%get3A_1174] {strides = array<i32>} : memref<8192xi32, #tpu.memory_space<vmem>>, vector<16xi32>,
    %get3A_1176 = vector.shape_cast %get3A_1175 : vector<16xi32> to vector<16xi32>
    %shift_right_arithmetic3A_1177 = arith.constant 3 : i32
    %shift_right_arithmetic3A_1178 = vector.broadcast %shift_right_arithmetic3A_1177 : i32 to vector<16xi32>
    %shift_right_arithmetic3A_1179 = arith.shrsi %get3A_1176, %shift_right_arithmetic3A_1178 : vector<16xi32>
    %swap3A_1180 = arith.constant 7696 : index
    %swap3A_1181 = tpu.vector_load %arg6[%swap3A_1180] {strides = array<i32>} : memref<8192xi32, #tpu.memory_space<vmem>>, vector<16xi32>,
    %swap3A_1182 = vector.shape_cast %swap3A_1181 : vector<16xi32> to vector<16xi32>
    %swap3A_1183 = vector.shape_cast %shift_right_arithmetic3A_1179 : vector<16xi32> to vector<16xi32>
    tpu.vector_store %arg6[%swap3A_1180], %swap3A_1183 {strides = array<i32>} : memref<8192xi32, #tpu.memory_space<vmem>>, vector<16xi32>,
    %get3A_1184 = arith.constant 7712 : index
    %get3A_1185 = tpu.vector_load %arg5[%get3A_1184] {strides = array<i32>} : memref<8192xi32, #tpu.memory_space<vmem>>, vector<16xi32>,
    %get3A_1186 = vector.shape_cast %get3A_1185 : vector<16xi32> to vector<16xi32>
    %shift_right_arithmetic3A_1187 = arith.constant 3 : i32
    %shift_right_arithmetic3A_1188 = vector.broadcast %shift_right_arithmetic3A_1187 : i32 to vector<16xi32>
    %shift_right_arithmetic3A_1189 = arith.shrsi %get3A_1186, %shift_right_arithmetic3A_1188 : vector<16xi32>
    %swap3A_1190 = arith.constant 7712 : index
    %swap3A_1191 = tpu.vector_load %arg6[%swap3A_1190] {strides = array<i32>} : memref<8192xi32, #tpu.memory_space<vmem>>, vector<16xi32>,
    %swap3A_1192 = vector.shape_cast %swap3A_1191 : vector<16xi32> to vector<16xi32>
    %swap3A_1193 = vector.shape_cast %shift_right_arithmetic3A_1189 : vector<16xi32> to vector<16xi32>
    tpu.vector_store %arg6[%swap3A_1190], %swap3A_1193 {strides = array<i32>} : memref<8192xi32, #tpu.memory_space<vmem>>, vector<16xi32>,
    %get3A_1194 = arith.constant 7728 : index
    %get3A_1195 = tpu.vector_load %arg5[%get3A_1194] {strides = array<i32>} : memref<8192xi32, #tpu.memory_space<vmem>>, vector<16xi32>,
    %get3A_1196 = vector.shape_cast %get3A_1195 : vector<16xi32> to vector<16xi32>
    %shift_right_arithmetic3A_1197 = arith.constant 3 : i32
    %shift_right_arithmetic3A_1198 = vector.broadcast %shift_right_arithmetic3A_1197 : i32 to vector<16xi32>
    %shift_right_arithmetic3A_1199 = arith.shrsi %get3A_1196, %shift_right_arithmetic3A_1198 : vector<16xi32>
    %swap3A_1200 = arith.constant 7728 : index
    %swap3A_1201 = tpu.vector_load %arg6[%swap3A_1200] {strides = array<i32>} : memref<8192xi32, #tpu.memory_space<vmem>>, vector<16xi32>,
    %swap3A_1202 = vector.shape_cast %swap3A_1201 : vector<16xi32> to vector<16xi32>
    %swap3A_1203 = vector.shape_cast %shift_right_arithmetic3A_1199 : vector<16xi32> to vector<16xi32>
    tpu.vector_store %arg6[%swap3A_1200], %swap3A_1203 {strides = array<i32>} : memref<8192xi32, #tpu.memory_space<vmem>>, vector<16xi32>,
    %get3A_1204 = arith.constant 7744 : index
    %get3A_1205 = tpu.vector_load %arg5[%get3A_1204] {strides = array<i32>} : memref<8192xi32, #tpu.memory_space<vmem>>, vector<16xi32>,
    %get3A_1206 = vector.shape_cast %get3A_1205 : vector<16xi32> to vector<16xi32>
    %shift_right_arithmetic3A_1207 = arith.constant 3 : i32
    %shift_right_arithmetic3A_1208 = vector.broadcast %shift_right_arithmetic3A_1207 : i32 to vector<16xi32>
    %shift_right_arithmetic3A_1209 = arith.shrsi %get3A_1206, %shift_right_arithmetic3A_1208 : vector<16xi32>
    %swap3A_1210 = arith.constant 7744 : index
    %swap3A_1211 = tpu.vector_load %arg6[%swap3A_1210] {strides = array<i32>} : memref<8192xi32, #tpu.memory_space<vmem>>, vector<16xi32>,
    %swap3A_1212 = vector.shape_cast %swap3A_1211 : vector<16xi32> to vector<16xi32>
    %swap3A_1213 = vector.shape_cast %shift_right_arithmetic3A_1209 : vector<16xi32> to vector<16xi32>
    tpu.vector_store %arg6[%swap3A_1210], %swap3A_1213 {strides = array<i32>} : memref<8192xi32, #tpu.memory_space<vmem>>, vector<16xi32>,
    %get3A_1214 = arith.constant 7760 : index
    %get3A_1215 = tpu.vector_load %arg5[%get3A_1214] {strides = array<i32>} : memref<8192xi32, #tpu.memory_space<vmem>>, vector<16xi32>,
    %get3A_1216 = vector.shape_cast %get3A_1215 : vector<16xi32> to vector<16xi32>
    %shift_right_arithmetic3A_1217 = arith.constant 3 : i32
    %shift_right_arithmetic3A_1218 = vector.broadcast %shift_right_arithmetic3A_1217 : i32 to vector<16xi32>
    %shift_right_arithmetic3A_1219 = arith.shrsi %get3A_1216, %shift_right_arithmetic3A_1218 : vector<16xi32>
    %swap3A_1220 = arith.constant 7760 : index
    %swap3A_1221 = tpu.vector_load %arg6[%swap3A_1220] {strides = array<i32>} : memref<8192xi32, #tpu.memory_space<vmem>>, vector<16xi32>,
    %swap3A_1222 = vector.shape_cast %swap3A_1221 : vector<16xi32> to vector<16xi32>
    %swap3A_1223 = vector.shape_cast %shift_right_arithmetic3A_1219 : vector<16xi32> to vector<16xi32>
    tpu.vector_store %arg6[%swap3A_1220], %swap3A_1223 {strides = array<i32>} : memref<8192xi32, #tpu.memory_space<vmem>>, vector<16xi32>,
    %get3A_1224 = arith.constant 7776 : index
    %get3A_1225 = tpu.vector_load %arg5[%get3A_1224] {strides = array<i32>} : memref<8192xi32, #tpu.memory_space<vmem>>, vector<16xi32>,
    %get3A_1226 = vector.shape_cast %get3A_1225 : vector<16xi32> to vector<16xi32>
    %shift_right_arithmetic3A_1227 = arith.constant 3 : i32
    %shift_right_arithmetic3A_1228 = vector.broadcast %shift_right_arithmetic3A_1227 : i32 to vector<16xi32>
    %shift_right_arithmetic3A_1229 = arith.shrsi %get3A_1226, %shift_right_arithmetic3A_1228 : vector<16xi32>
    %swap3A_1230 = arith.constant 7776 : index
    %swap3A_1231 = tpu.vector_load %arg6[%swap3A_1230] {strides = array<i32>} : memref<8192xi32, #tpu.memory_space<vmem>>, vector<16xi32>,
    %swap3A_1232 = vector.shape_cast %swap3A_1231 : vector<16xi32> to vector<16xi32>
    %swap3A_1233 = vector.shape_cast %shift_right_arithmetic3A_1229 : vector<16xi32> to vector<16xi32>
    tpu.vector_store %arg6[%swap3A_1230], %swap3A_1233 {strides = array<i32>} : memref<8192xi32, #tpu.memory_space<vmem>>, vector<16xi32>,
    %get3A_1234 = arith.constant 7792 : index
    %get3A_1235 = tpu.vector_load %arg5[%get3A_1234] {strides = array<i32>} : memref<8192xi32, #tpu.memory_space<vmem>>, vector<16xi32>,
    %get3A_1236 = vector.shape_cast %get3A_1235 : vector<16xi32> to vector<16xi32>
    %shift_right_arithmetic3A_1237 = arith.constant 3 : i32
    %shift_right_arithmetic3A_1238 = vector.broadcast %shift_right_arithmetic3A_1237 : i32 to vector<16xi32>
    %shift_right_arithmetic3A_1239 = arith.shrsi %get3A_1236, %shift_right_arithmetic3A_1238 : vector<16xi32>
    %swap3A_1240 = arith.constant 7792 : index
    %swap3A_1241 = tpu.vector_load %arg6[%swap3A_1240] {strides = array<i32>} : memref<8192xi32, #tpu.memory_space<vmem>>, vector<16xi32>,
    %swap3A_1242 = vector.shape_cast %swap3A_1241 : vector<16xi32> to vector<16xi32>
    %swap3A_1243 = vector.shape_cast %shift_right_arithmetic3A_1239 : vector<16xi32> to vector<16xi32>
    tpu.vector_store %arg6[%swap3A_1240], %swap3A_1243 {strides = array<i32>} : memref<8192xi32, #tpu.memory_space<vmem>>, vector<16xi32>,
    %dma_start3A_1244 = arith.constant 7680 : i32
    %dma_start3A_1245 = tpu.memref_slice %arg6[%dma_start3A_1244] : memref<8192xi32, #tpu.memory_space<vmem>> -> memref<128xi32, #tpu.memory_space<vmem>>
    %dma_start3A_1246 = arith.constant 0 : i32
    %dma_start3A_1247 = arith.constant 0 : i32
    %dma_start3A_1248 = tpu.memref_slice %arg2[%dma_start3A_1246, %dma_start3A_1247] : memref<65536x128xf32, #tpu.memory_space<hbm>> -> memref<65536x128xf32, #tpu.memory_space<hbm>>
    tpu.enqueue_indirect_dma source(%dma_start3A_1248 : memref<65536x128xf32, #tpu.memory_space<hbm>>) target(%arg7 : memref<128x128xf32, #tpu.memory_space<vmem>>) offsets(%dma_start3A_1245 : memref<128xi32, #tpu.memory_space<vmem>>) semaphore(%arg13 : memref<!tpu.dma_semaphore, #tpu.memory_space<semaphore_mem>>)
    %dma_wait3A_1249 = arith.constant 7296 : i32
    %dma_wait3A_1250 = tpu.memref_slice %arg6[%dma_wait3A_1249] : memref<8192xi32, #tpu.memory_space<vmem>> -> memref<128xi32, #tpu.memory_space<vmem>>
    %dma_wait3A_1251 = arith.constant 0 : i32
    %dma_wait3A_1252 = arith.constant 0 : i32
    %dma_wait3A_1253 = tpu.memref_slice %arg2[%dma_wait3A_1251, %dma_wait3A_1252] : memref<65536x128xf32, #tpu.memory_space<hbm>> -> memref<65536x128xf32, #tpu.memory_space<hbm>>
    tpu.wait_indirect_dma semaphore(%arg16 : memref<!tpu.dma_semaphore, #tpu.memory_space<semaphore_mem>>) src(%dma_wait3A_1253 : memref<65536x128xf32, #tpu.memory_space<hbm>>) dst(%arg10 : memref<128x128xf32, #tpu.memory_space<vmem>>)
    %add3A_1254 = arith.constant 7296 : i32
    %add3A_1255 = arith.addi %mul3A_2, %add3A_1254 : i32
    %dma_start3A_1256 = arith.constant 0 : i32
    %dma_start3A_1257 = tpu.memref_slice %arg4[%add3A_1255, %dma_start3A_1256] : memref<262144x128xf32, #tpu.memory_space<hbm>> -> memref<128x128xf32, #tpu.memory_space<hbm>>
    %dma_start3A_1258 = arith.constant 0 : i32
    %dma_start3A_1259 = tpu.memref_slice %arg4[%add3A_1255, %dma_start3A_1258] : memref<262144x128xf32, #tpu.memory_space<hbm>> -> memref<128x128xf32, #tpu.memory_space<hbm>>
    tpu.enqueue_dma source(%arg10 : memref<128x128xf32, #tpu.memory_space<vmem>>) target(%dma_start3A_1259 : memref<128x128xf32, #tpu.memory_space<hbm>>) target_semaphore(%arg22 : memref<!tpu.dma_semaphore, #tpu.memory_space<semaphore_mem>>)
    %add3A_1260 = arith.constant 7040 : i32
    %add3A_1261 = arith.addi %mul3A_2, %add3A_1260 : i32
    %dma_wait3A_1262 = arith.constant 0 : i32
    %dma_wait3A_1263 = tpu.memref_slice %arg4[%add3A_1261, %dma_wait3A_1262] : memref<262144x128xf32, #tpu.memory_space<hbm>> -> memref<128x128xf32, #tpu.memory_space<hbm>>
    %dma_wait3A_1264 = arith.constant 0 : i32
    %dma_wait3A_1265 = tpu.memref_slice %arg4[%add3A_1261, %dma_wait3A_1264] : memref<262144x128xf32, #tpu.memory_space<hbm>> -> memref<128x128xf32, #tpu.memory_space<hbm>>
    tpu.wait_dma2 semaphore(%arg20 : memref<!tpu.dma_semaphore, #tpu.memory_space<semaphore_mem>>) src(%arg8 : memref<128x128xf32, #tpu.memory_space<vmem>>) dst(%dma_wait3A_1265 : memref<128x128xf32, #tpu.memory_space<hbm>>)
    %get3A_1266 = arith.constant 7808 : index
    %get3A_1267 = tpu.vector_load %arg5[%get3A_1266] {strides = array<i32>} : memref<8192xi32, #tpu.memory_space<vmem>>, vector<16xi32>,
    %get3A_1268 = vector.shape_cast %get3A_1267 : vector<16xi32> to vector<16xi32>
    %shift_right_arithmetic3A_1269 = arith.constant 3 : i32
    %shift_right_arithmetic3A_1270 = vector.broadcast %shift_right_arithmetic3A_1269 : i32 to vector<16xi32>
    %shift_right_arithmetic3A_1271 = arith.shrsi %get3A_1268, %shift_right_arithmetic3A_1270 : vector<16xi32>
    %swap3A_1272 = arith.constant 7808 : index
    %swap3A_1273 = tpu.vector_load %arg6[%swap3A_1272] {strides = array<i32>} : memref<8192xi32, #tpu.memory_space<vmem>>, vector<16xi32>,
    %swap3A_1274 = vector.shape_cast %swap3A_1273 : vector<16xi32> to vector<16xi32>
    %swap3A_1275 = vector.shape_cast %shift_right_arithmetic3A_1271 : vector<16xi32> to vector<16xi32>
    tpu.vector_store %arg6[%swap3A_1272], %swap3A_1275 {strides = array<i32>} : memref<8192xi32, #tpu.memory_space<vmem>>, vector<16xi32>,
    %get3A_1276 = arith.constant 7824 : index
    %get3A_1277 = tpu.vector_load %arg5[%get3A_1276] {strides = array<i32>} : memref<8192xi32, #tpu.memory_space<vmem>>, vector<16xi32>,
    %get3A_1278 = vector.shape_cast %get3A_1277 : vector<16xi32> to vector<16xi32>
    %shift_right_arithmetic3A_1279 = arith.constant 3 : i32
    %shift_right_arithmetic3A_1280 = vector.broadcast %shift_right_arithmetic3A_1279 : i32 to vector<16xi32>
    %shift_right_arithmetic3A_1281 = arith.shrsi %get3A_1278, %shift_right_arithmetic3A_1280 : vector<16xi32>
    %swap3A_1282 = arith.constant 7824 : index
    %swap3A_1283 = tpu.vector_load %arg6[%swap3A_1282] {strides = array<i32>} : memref<8192xi32, #tpu.memory_space<vmem>>, vector<16xi32>,
    %swap3A_1284 = vector.shape_cast %swap3A_1283 : vector<16xi32> to vector<16xi32>
    %swap3A_1285 = vector.shape_cast %shift_right_arithmetic3A_1281 : vector<16xi32> to vector<16xi32>
    tpu.vector_store %arg6[%swap3A_1282], %swap3A_1285 {strides = array<i32>} : memref<8192xi32, #tpu.memory_space<vmem>>, vector<16xi32>,
    %get3A_1286 = arith.constant 7840 : index
    %get3A_1287 = tpu.vector_load %arg5[%get3A_1286] {strides = array<i32>} : memref<8192xi32, #tpu.memory_space<vmem>>, vector<16xi32>,
    %get3A_1288 = vector.shape_cast %get3A_1287 : vector<16xi32> to vector<16xi32>
    %shift_right_arithmetic3A_1289 = arith.constant 3 : i32
    %shift_right_arithmetic3A_1290 = vector.broadcast %shift_right_arithmetic3A_1289 : i32 to vector<16xi32>
    %shift_right_arithmetic3A_1291 = arith.shrsi %get3A_1288, %shift_right_arithmetic3A_1290 : vector<16xi32>
    %swap3A_1292 = arith.constant 7840 : index
    %swap3A_1293 = tpu.vector_load %arg6[%swap3A_1292] {strides = array<i32>} : memref<8192xi32, #tpu.memory_space<vmem>>, vector<16xi32>,
    %swap3A_1294 = vector.shape_cast %swap3A_1293 : vector<16xi32> to vector<16xi32>
    %swap3A_1295 = vector.shape_cast %shift_right_arithmetic3A_1291 : vector<16xi32> to vector<16xi32>
    tpu.vector_store %arg6[%swap3A_1292], %swap3A_1295 {strides = array<i32>} : memref<8192xi32, #tpu.memory_space<vmem>>, vector<16xi32>,
    %get3A_1296 = arith.constant 7856 : index
    %get3A_1297 = tpu.vector_load %arg5[%get3A_1296] {strides = array<i32>} : memref<8192xi32, #tpu.memory_space<vmem>>, vector<16xi32>,
    %get3A_1298 = vector.shape_cast %get3A_1297 : vector<16xi32> to vector<16xi32>
    %shift_right_arithmetic3A_1299 = arith.constant 3 : i32
    %shift_right_arithmetic3A_1300 = vector.broadcast %shift_right_arithmetic3A_1299 : i32 to vector<16xi32>
    %shift_right_arithmetic3A_1301 = arith.shrsi %get3A_1298, %shift_right_arithmetic3A_1300 : vector<16xi32>
    %swap3A_1302 = arith.constant 7856 : index
    %swap3A_1303 = tpu.vector_load %arg6[%swap3A_1302] {strides = array<i32>} : memref<8192xi32, #tpu.memory_space<vmem>>, vector<16xi32>,
    %swap3A_1304 = vector.shape_cast %swap3A_1303 : vector<16xi32> to vector<16xi32>
    %swap3A_1305 = vector.shape_cast %shift_right_arithmetic3A_1301 : vector<16xi32> to vector<16xi32>
    tpu.vector_store %arg6[%swap3A_1302], %swap3A_1305 {strides = array<i32>} : memref<8192xi32, #tpu.memory_space<vmem>>, vector<16xi32>,
    %get3A_1306 = arith.constant 7872 : index
    %get3A_1307 = tpu.vector_load %arg5[%get3A_1306] {strides = array<i32>} : memref<8192xi32, #tpu.memory_space<vmem>>, vector<16xi32>,
    %get3A_1308 = vector.shape_cast %get3A_1307 : vector<16xi32> to vector<16xi32>
    %shift_right_arithmetic3A_1309 = arith.constant 3 : i32
    %shift_right_arithmetic3A_1310 = vector.broadcast %shift_right_arithmetic3A_1309 : i32 to vector<16xi32>
    %shift_right_arithmetic3A_1311 = arith.shrsi %get3A_1308, %shift_right_arithmetic3A_1310 : vector<16xi32>
    %swap3A_1312 = arith.constant 7872 : index
    %swap3A_1313 = tpu.vector_load %arg6[%swap3A_1312] {strides = array<i32>} : memref<8192xi32, #tpu.memory_space<vmem>>, vector<16xi32>,
    %swap3A_1314 = vector.shape_cast %swap3A_1313 : vector<16xi32> to vector<16xi32>
    %swap3A_1315 = vector.shape_cast %shift_right_arithmetic3A_1311 : vector<16xi32> to vector<16xi32>
    tpu.vector_store %arg6[%swap3A_1312], %swap3A_1315 {strides = array<i32>} : memref<8192xi32, #tpu.memory_space<vmem>>, vector<16xi32>,
    %get3A_1316 = arith.constant 7888 : index
    %get3A_1317 = tpu.vector_load %arg5[%get3A_1316] {strides = array<i32>} : memref<8192xi32, #tpu.memory_space<vmem>>, vector<16xi32>,
    %get3A_1318 = vector.shape_cast %get3A_1317 : vector<16xi32> to vector<16xi32>
    %shift_right_arithmetic3A_1319 = arith.constant 3 : i32
    %shift_right_arithmetic3A_1320 = vector.broadcast %shift_right_arithmetic3A_1319 : i32 to vector<16xi32>
    %shift_right_arithmetic3A_1321 = arith.shrsi %get3A_1318, %shift_right_arithmetic3A_1320 : vector<16xi32>
    %swap3A_1322 = arith.constant 7888 : index
    %swap3A_1323 = tpu.vector_load %arg6[%swap3A_1322] {strides = array<i32>} : memref<8192xi32, #tpu.memory_space<vmem>>, vector<16xi32>,
    %swap3A_1324 = vector.shape_cast %swap3A_1323 : vector<16xi32> to vector<16xi32>
    %swap3A_1325 = vector.shape_cast %shift_right_arithmetic3A_1321 : vector<16xi32> to vector<16xi32>
    tpu.vector_store %arg6[%swap3A_1322], %swap3A_1325 {strides = array<i32>} : memref<8192xi32, #tpu.memory_space<vmem>>, vector<16xi32>,
    %get3A_1326 = arith.constant 7904 : index
    %get3A_1327 = tpu.vector_load %arg5[%get3A_1326] {strides = array<i32>} : memref<8192xi32, #tpu.memory_space<vmem>>, vector<16xi32>,
    %get3A_1328 = vector.shape_cast %get3A_1327 : vector<16xi32> to vector<16xi32>
    %shift_right_arithmetic3A_1329 = arith.constant 3 : i32
    %shift_right_arithmetic3A_1330 = vector.broadcast %shift_right_arithmetic3A_1329 : i32 to vector<16xi32>
    %shift_right_arithmetic3A_1331 = arith.shrsi %get3A_1328, %shift_right_arithmetic3A_1330 : vector<16xi32>
    %swap3A_1332 = arith.constant 7904 : index
    %swap3A_1333 = tpu.vector_load %arg6[%swap3A_1332] {strides = array<i32>} : memref<8192xi32, #tpu.memory_space<vmem>>, vector<16xi32>,
    %swap3A_1334 = vector.shape_cast %swap3A_1333 : vector<16xi32> to vector<16xi32>
    %swap3A_1335 = vector.shape_cast %shift_right_arithmetic3A_1331 : vector<16xi32> to vector<16xi32>
    tpu.vector_store %arg6[%swap3A_1332], %swap3A_1335 {strides = array<i32>} : memref<8192xi32, #tpu.memory_space<vmem>>, vector<16xi32>,
    %get3A_1336 = arith.constant 7920 : index
    %get3A_1337 = tpu.vector_load %arg5[%get3A_1336] {strides = array<i32>} : memref<8192xi32, #tpu.memory_space<vmem>>, vector<16xi32>,
    %get3A_1338 = vector.shape_cast %get3A_1337 : vector<16xi32> to vector<16xi32>
    %shift_right_arithmetic3A_1339 = arith.constant 3 : i32
    %shift_right_arithmetic3A_1340 = vector.broadcast %shift_right_arithmetic3A_1339 : i32 to vector<16xi32>
    %shift_right_arithmetic3A_1341 = arith.shrsi %get3A_1338, %shift_right_arithmetic3A_1340 : vector<16xi32>
    %swap3A_1342 = arith.constant 7920 : index
    %swap3A_1343 = tpu.vector_load %arg6[%swap3A_1342] {strides = array<i32>} : memref<8192xi32, #tpu.memory_space<vmem>>, vector<16xi32>,
    %swap3A_1344 = vector.shape_cast %swap3A_1343 : vector<16xi32> to vector<16xi32>
    %swap3A_1345 = vector.shape_cast %shift_right_arithmetic3A_1341 : vector<16xi32> to vector<16xi32>
    tpu.vector_store %arg6[%swap3A_1342], %swap3A_1345 {strides = array<i32>} : memref<8192xi32, #tpu.memory_space<vmem>>, vector<16xi32>,
    %dma_start3A_1346 = arith.constant 7808 : i32
    %dma_start3A_1347 = tpu.memref_slice %arg6[%dma_start3A_1346] : memref<8192xi32, #tpu.memory_space<vmem>> -> memref<128xi32, #tpu.memory_space<vmem>>
    %dma_start3A_1348 = arith.constant 0 : i32
    %dma_start3A_1349 = arith.constant 0 : i32
    %dma_start3A_1350 = tpu.memref_slice %arg2[%dma_start3A_1348, %dma_start3A_1349] : memref<65536x128xf32, #tpu.memory_space<hbm>> -> memref<65536x128xf32, #tpu.memory_space<hbm>>
    tpu.enqueue_indirect_dma source(%dma_start3A_1350 : memref<65536x128xf32, #tpu.memory_space<hbm>>) target(%arg8 : memref<128x128xf32, #tpu.memory_space<vmem>>) offsets(%dma_start3A_1347 : memref<128xi32, #tpu.memory_space<vmem>>) semaphore(%arg14 : memref<!tpu.dma_semaphore, #tpu.memory_space<semaphore_mem>>)
    %dma_wait3A_1351 = arith.constant 7424 : i32
    %dma_wait3A_1352 = tpu.memref_slice %arg6[%dma_wait3A_1351] : memref<8192xi32, #tpu.memory_space<vmem>> -> memref<128xi32, #tpu.memory_space<vmem>>
    %dma_wait3A_1353 = arith.constant 0 : i32
    %dma_wait3A_1354 = arith.constant 0 : i32
    %dma_wait3A_1355 = tpu.memref_slice %arg2[%dma_wait3A_1353, %dma_wait3A_1354] : memref<65536x128xf32, #tpu.memory_space<hbm>> -> memref<65536x128xf32, #tpu.memory_space<hbm>>
    tpu.wait_indirect_dma semaphore(%arg17 : memref<!tpu.dma_semaphore, #tpu.memory_space<semaphore_mem>>) src(%dma_wait3A_1355 : memref<65536x128xf32, #tpu.memory_space<hbm>>) dst(%arg11 : memref<128x128xf32, #tpu.memory_space<vmem>>)
    %add3A_1356 = arith.constant 7424 : i32
    %add3A_1357 = arith.addi %mul3A_2, %add3A_1356 : i32
    %dma_start3A_1358 = arith.constant 0 : i32
    %dma_start3A_1359 = tpu.memref_slice %arg4[%add3A_1357, %dma_start3A_1358] : memref<262144x128xf32, #tpu.memory_space<hbm>> -> memref<128x128xf32, #tpu.memory_space<hbm>>
    %dma_start3A_1360 = arith.constant 0 : i32
    %dma_start3A_1361 = tpu.memref_slice %arg4[%add3A_1357, %dma_start3A_1360] : memref<262144x128xf32, #tpu.memory_space<hbm>> -> memref<128x128xf32, #tpu.memory_space<hbm>>
    tpu.enqueue_dma source(%arg11 : memref<128x128xf32, #tpu.memory_space<vmem>>) target(%dma_start3A_1361 : memref<128x128xf32, #tpu.memory_space<hbm>>) target_semaphore(%arg23 : memref<!tpu.dma_semaphore, #tpu.memory_space<semaphore_mem>>)
    %add3A_1362 = arith.constant 7168 : i32
    %add3A_1363 = arith.addi %mul3A_2, %add3A_1362 : i32
    %dma_wait3A_1364 = arith.constant 0 : i32
    %dma_wait3A_1365 = tpu.memref_slice %arg4[%add3A_1363, %dma_wait3A_1364] : memref<262144x128xf32, #tpu.memory_space<hbm>> -> memref<128x128xf32, #tpu.memory_space<hbm>>
    %dma_wait3A_1366 = arith.constant 0 : i32
    %dma_wait3A_1367 = tpu.memref_slice %arg4[%add3A_1363, %dma_wait3A_1366] : memref<262144x128xf32, #tpu.memory_space<hbm>> -> memref<128x128xf32, #tpu.memory_space<hbm>>
    tpu.wait_dma2 semaphore(%arg21 : memref<!tpu.dma_semaphore, #tpu.memory_space<semaphore_mem>>) src(%arg9 : memref<128x128xf32, #tpu.memory_space<vmem>>) dst(%dma_wait3A_1367 : memref<128x128xf32, #tpu.memory_space<hbm>>)
    %get3A_1368 = arith.constant 7936 : index
    %get3A_1369 = tpu.vector_load %arg5[%get3A_1368] {strides = array<i32>} : memref<8192xi32, #tpu.memory_space<vmem>>, vector<16xi32>,
    %get3A_1370 = vector.shape_cast %get3A_1369 : vector<16xi32> to vector<16xi32>
    %shift_right_arithmetic3A_1371 = arith.constant 3 : i32
    %shift_right_arithmetic3A_1372 = vector.broadcast %shift_right_arithmetic3A_1371 : i32 to vector<16xi32>
    %shift_right_arithmetic3A_1373 = arith.shrsi %get3A_1370, %shift_right_arithmetic3A_1372 : vector<16xi32>
    %swap3A_1374 = arith.constant 7936 : index
    %swap3A_1375 = tpu.vector_load %arg6[%swap3A_1374] {strides = array<i32>} : memref<8192xi32, #tpu.memory_space<vmem>>, vector<16xi32>,
    %swap3A_1376 = vector.shape_cast %swap3A_1375 : vector<16xi32> to vector<16xi32>
    %swap3A_1377 = vector.shape_cast %shift_right_arithmetic3A_1373 : vector<16xi32> to vector<16xi32>
    tpu.vector_store %arg6[%swap3A_1374], %swap3A_1377 {strides = array<i32>} : memref<8192xi32, #tpu.memory_space<vmem>>, vector<16xi32>,
    %get3A_1378 = arith.constant 7952 : index
    %get3A_1379 = tpu.vector_load %arg5[%get3A_1378] {strides = array<i32>} : memref<8192xi32, #tpu.memory_space<vmem>>, vector<16xi32>,
    %get3A_1380 = vector.shape_cast %get3A_1379 : vector<16xi32> to vector<16xi32>
    %shift_right_arithmetic3A_1381 = arith.constant 3 : i32
    %shift_right_arithmetic3A_1382 = vector.broadcast %shift_right_arithmetic3A_1381 : i32 to vector<16xi32>
    %shift_right_arithmetic3A_1383 = arith.shrsi %get3A_1380, %shift_right_arithmetic3A_1382 : vector<16xi32>
    %swap3A_1384 = arith.constant 7952 : index
    %swap3A_1385 = tpu.vector_load %arg6[%swap3A_1384] {strides = array<i32>} : memref<8192xi32, #tpu.memory_space<vmem>>, vector<16xi32>,
    %swap3A_1386 = vector.shape_cast %swap3A_1385 : vector<16xi32> to vector<16xi32>
    %swap3A_1387 = vector.shape_cast %shift_right_arithmetic3A_1383 : vector<16xi32> to vector<16xi32>
    tpu.vector_store %arg6[%swap3A_1384], %swap3A_1387 {strides = array<i32>} : memref<8192xi32, #tpu.memory_space<vmem>>, vector<16xi32>,
    %get3A_1388 = arith.constant 7968 : index
    %get3A_1389 = tpu.vector_load %arg5[%get3A_1388] {strides = array<i32>} : memref<8192xi32, #tpu.memory_space<vmem>>, vector<16xi32>,
    %get3A_1390 = vector.shape_cast %get3A_1389 : vector<16xi32> to vector<16xi32>
    %shift_right_arithmetic3A_1391 = arith.constant 3 : i32
    %shift_right_arithmetic3A_1392 = vector.broadcast %shift_right_arithmetic3A_1391 : i32 to vector<16xi32>
    %shift_right_arithmetic3A_1393 = arith.shrsi %get3A_1390, %shift_right_arithmetic3A_1392 : vector<16xi32>
    %swap3A_1394 = arith.constant 7968 : index
    %swap3A_1395 = tpu.vector_load %arg6[%swap3A_1394] {strides = array<i32>} : memref<8192xi32, #tpu.memory_space<vmem>>, vector<16xi32>,
    %swap3A_1396 = vector.shape_cast %swap3A_1395 : vector<16xi32> to vector<16xi32>
    %swap3A_1397 = vector.shape_cast %shift_right_arithmetic3A_1393 : vector<16xi32> to vector<16xi32>
    tpu.vector_store %arg6[%swap3A_1394], %swap3A_1397 {strides = array<i32>} : memref<8192xi32, #tpu.memory_space<vmem>>, vector<16xi32>,
    %get3A_1398 = arith.constant 7984 : index
    %get3A_1399 = tpu.vector_load %arg5[%get3A_1398] {strides = array<i32>} : memref<8192xi32, #tpu.memory_space<vmem>>, vector<16xi32>,
    %get3A_1400 = vector.shape_cast %get3A_1399 : vector<16xi32> to vector<16xi32>
    %shift_right_arithmetic3A_1401 = arith.constant 3 : i32
    %shift_right_arithmetic3A_1402 = vector.broadcast %shift_right_arithmetic3A_1401 : i32 to vector<16xi32>
    %shift_right_arithmetic3A_1403 = arith.shrsi %get3A_1400, %shift_right_arithmetic3A_1402 : vector<16xi32>
    %swap3A_1404 = arith.constant 7984 : index
    %swap3A_1405 = tpu.vector_load %arg6[%swap3A_1404] {strides = array<i32>} : memref<8192xi32, #tpu.memory_space<vmem>>, vector<16xi32>,
    %swap3A_1406 = vector.shape_cast %swap3A_1405 : vector<16xi32> to vector<16xi32>
    %swap3A_1407 = vector.shape_cast %shift_right_arithmetic3A_1403 : vector<16xi32> to vector<16xi32>
    tpu.vector_store %arg6[%swap3A_1404], %swap3A_1407 {strides = array<i32>} : memref<8192xi32, #tpu.memory_space<vmem>>, vector<16xi32>,
    %get3A_1408 = arith.constant 8000 : index
    %get3A_1409 = tpu.vector_load %arg5[%get3A_1408] {strides = array<i32>} : memref<8192xi32, #tpu.memory_space<vmem>>, vector<16xi32>,
    %get3A_1410 = vector.shape_cast %get3A_1409 : vector<16xi32> to vector<16xi32>
    %shift_right_arithmetic3A_1411 = arith.constant 3 : i32
    %shift_right_arithmetic3A_1412 = vector.broadcast %shift_right_arithmetic3A_1411 : i32 to vector<16xi32>
    %shift_right_arithmetic3A_1413 = arith.shrsi %get3A_1410, %shift_right_arithmetic3A_1412 : vector<16xi32>
    %swap3A_1414 = arith.constant 8000 : index
    %swap3A_1415 = tpu.vector_load %arg6[%swap3A_1414] {strides = array<i32>} : memref<8192xi32, #tpu.memory_space<vmem>>, vector<16xi32>,
    %swap3A_1416 = vector.shape_cast %swap3A_1415 : vector<16xi32> to vector<16xi32>
    %swap3A_1417 = vector.shape_cast %shift_right_arithmetic3A_1413 : vector<16xi32> to vector<16xi32>
    tpu.vector_store %arg6[%swap3A_1414], %swap3A_1417 {strides = array<i32>} : memref<8192xi32, #tpu.memory_space<vmem>>, vector<16xi32>,
    %get3A_1418 = arith.constant 8016 : index
    %get3A_1419 = tpu.vector_load %arg5[%get3A_1418] {strides = array<i32>} : memref<8192xi32, #tpu.memory_space<vmem>>, vector<16xi32>,
    %get3A_1420 = vector.shape_cast %get3A_1419 : vector<16xi32> to vector<16xi32>
    %shift_right_arithmetic3A_1421 = arith.constant 3 : i32
    %shift_right_arithmetic3A_1422 = vector.broadcast %shift_right_arithmetic3A_1421 : i32 to vector<16xi32>
    %shift_right_arithmetic3A_1423 = arith.shrsi %get3A_1420, %shift_right_arithmetic3A_1422 : vector<16xi32>
    %swap3A_1424 = arith.constant 8016 : index
    %swap3A_1425 = tpu.vector_load %arg6[%swap3A_1424] {strides = array<i32>} : memref<8192xi32, #tpu.memory_space<vmem>>, vector<16xi32>,
    %swap3A_1426 = vector.shape_cast %swap3A_1425 : vector<16xi32> to vector<16xi32>
    %swap3A_1427 = vector.shape_cast %shift_right_arithmetic3A_1423 : vector<16xi32> to vector<16xi32>
    tpu.vector_store %arg6[%swap3A_1424], %swap3A_1427 {strides = array<i32>} : memref<8192xi32, #tpu.memory_space<vmem>>, vector<16xi32>,
    %get3A_1428 = arith.constant 8032 : index
    %get3A_1429 = tpu.vector_load %arg5[%get3A_1428] {strides = array<i32>} : memref<8192xi32, #tpu.memory_space<vmem>>, vector<16xi32>,
    %get3A_1430 = vector.shape_cast %get3A_1429 : vector<16xi32> to vector<16xi32>
    %shift_right_arithmetic3A_1431 = arith.constant 3 : i32
    %shift_right_arithmetic3A_1432 = vector.broadcast %shift_right_arithmetic3A_1431 : i32 to vector<16xi32>
    %shift_right_arithmetic3A_1433 = arith.shrsi %get3A_1430, %shift_right_arithmetic3A_1432 : vector<16xi32>
    %swap3A_1434 = arith.constant 8032 : index
    %swap3A_1435 = tpu.vector_load %arg6[%swap3A_1434] {strides = array<i32>} : memref<8192xi32, #tpu.memory_space<vmem>>, vector<16xi32>,
    %swap3A_1436 = vector.shape_cast %swap3A_1435 : vector<16xi32> to vector<16xi32>
    %swap3A_1437 = vector.shape_cast %shift_right_arithmetic3A_1433 : vector<16xi32> to vector<16xi32>
    tpu.vector_store %arg6[%swap3A_1434], %swap3A_1437 {strides = array<i32>} : memref<8192xi32, #tpu.memory_space<vmem>>, vector<16xi32>,
    %get3A_1438 = arith.constant 8048 : index
    %get3A_1439 = tpu.vector_load %arg5[%get3A_1438] {strides = array<i32>} : memref<8192xi32, #tpu.memory_space<vmem>>, vector<16xi32>,
    %get3A_1440 = vector.shape_cast %get3A_1439 : vector<16xi32> to vector<16xi32>
    %shift_right_arithmetic3A_1441 = arith.constant 3 : i32
    %shift_right_arithmetic3A_1442 = vector.broadcast %shift_right_arithmetic3A_1441 : i32 to vector<16xi32>
    %shift_right_arithmetic3A_1443 = arith.shrsi %get3A_1440, %shift_right_arithmetic3A_1442 : vector<16xi32>
    %swap3A_1444 = arith.constant 8048 : index
    %swap3A_1445 = tpu.vector_load %arg6[%swap3A_1444] {strides = array<i32>} : memref<8192xi32, #tpu.memory_space<vmem>>, vector<16xi32>,
    %swap3A_1446 = vector.shape_cast %swap3A_1445 : vector<16xi32> to vector<16xi32>
    %swap3A_1447 = vector.shape_cast %shift_right_arithmetic3A_1443 : vector<16xi32> to vector<16xi32>
    tpu.vector_store %arg6[%swap3A_1444], %swap3A_1447 {strides = array<i32>} : memref<8192xi32, #tpu.memory_space<vmem>>, vector<16xi32>,
    %dma_start3A_1448 = arith.constant 7936 : i32
    %dma_start3A_1449 = tpu.memref_slice %arg6[%dma_start3A_1448] : memref<8192xi32, #tpu.memory_space<vmem>> -> memref<128xi32, #tpu.memory_space<vmem>>
    %dma_start3A_1450 = arith.constant 0 : i32
    %dma_start3A_1451 = arith.constant 0 : i32
    %dma_start3A_1452 = tpu.memref_slice %arg2[%dma_start3A_1450, %dma_start3A_1451] : memref<65536x128xf32, #tpu.memory_space<hbm>> -> memref<65536x128xf32, #tpu.memory_space<hbm>>
    tpu.enqueue_indirect_dma source(%dma_start3A_1452 : memref<65536x128xf32, #tpu.memory_space<hbm>>) target(%arg9 : memref<128x128xf32, #tpu.memory_space<vmem>>) offsets(%dma_start3A_1449 : memref<128xi32, #tpu.memory_space<vmem>>) semaphore(%arg15 : memref<!tpu.dma_semaphore, #tpu.memory_space<semaphore_mem>>)
    %dma_wait3A_1453 = arith.constant 7552 : i32
    %dma_wait3A_1454 = tpu.memref_slice %arg6[%dma_wait3A_1453] : memref<8192xi32, #tpu.memory_space<vmem>> -> memref<128xi32, #tpu.memory_space<vmem>>
    %dma_wait3A_1455 = arith.constant 0 : i32
    %dma_wait3A_1456 = arith.constant 0 : i32
    %dma_wait3A_1457 = tpu.memref_slice %arg2[%dma_wait3A_1455, %dma_wait3A_1456] : memref<65536x128xf32, #tpu.memory_space<hbm>> -> memref<65536x128xf32, #tpu.memory_space<hbm>>
    tpu.wait_indirect_dma semaphore(%arg18 : memref<!tpu.dma_semaphore, #tpu.memory_space<semaphore_mem>>) src(%dma_wait3A_1457 : memref<65536x128xf32, #tpu.memory_space<hbm>>) dst(%arg12 : memref<128x128xf32, #tpu.memory_space<vmem>>)
    %add3A_1458 = arith.constant 7552 : i32
    %add3A_1459 = arith.addi %mul3A_2, %add3A_1458 : i32
    %dma_start3A_1460 = arith.constant 0 : i32
    %dma_start3A_1461 = tpu.memref_slice %arg4[%add3A_1459, %dma_start3A_1460] : memref<262144x128xf32, #tpu.memory_space<hbm>> -> memref<128x128xf32, #tpu.memory_space<hbm>>
    %dma_start3A_1462 = arith.constant 0 : i32
    %dma_start3A_1463 = tpu.memref_slice %arg4[%add3A_1459, %dma_start3A_1462] : memref<262144x128xf32, #tpu.memory_space<hbm>> -> memref<128x128xf32, #tpu.memory_space<hbm>>
    tpu.enqueue_dma source(%arg12 : memref<128x128xf32, #tpu.memory_space<vmem>>) target(%dma_start3A_1463 : memref<128x128xf32, #tpu.memory_space<hbm>>) target_semaphore(%arg24 : memref<!tpu.dma_semaphore, #tpu.memory_space<semaphore_mem>>)
    %add3A_1464 = arith.constant 7296 : i32
    %add3A_1465 = arith.addi %mul3A_2, %add3A_1464 : i32
    %dma_wait3A_1466 = arith.constant 0 : i32
    %dma_wait3A_1467 = tpu.memref_slice %arg4[%add3A_1465, %dma_wait3A_1466] : memref<262144x128xf32, #tpu.memory_space<hbm>> -> memref<128x128xf32, #tpu.memory_space<hbm>>
    %dma_wait3A_1468 = arith.constant 0 : i32
    %dma_wait3A_1469 = tpu.memref_slice %arg4[%add3A_1465, %dma_wait3A_1468] : memref<262144x128xf32, #tpu.memory_space<hbm>> -> memref<128x128xf32, #tpu.memory_space<hbm>>
    tpu.wait_dma2 semaphore(%arg22 : memref<!tpu.dma_semaphore, #tpu.memory_space<semaphore_mem>>) src(%arg10 : memref<128x128xf32, #tpu.memory_space<vmem>>) dst(%dma_wait3A_1469 : memref<128x128xf32, #tpu.memory_space<hbm>>)
    %get3A_1470 = arith.constant 8064 : index
    %get3A_1471 = tpu.vector_load %arg5[%get3A_1470] {strides = array<i32>} : memref<8192xi32, #tpu.memory_space<vmem>>, vector<16xi32>,
    %get3A_1472 = vector.shape_cast %get3A_1471 : vector<16xi32> to vector<16xi32>
    %shift_right_arithmetic3A_1473 = arith.constant 3 : i32
    %shift_right_arithmetic3A_1474 = vector.broadcast %shift_right_arithmetic3A_1473 : i32 to vector<16xi32>
    %shift_right_arithmetic3A_1475 = arith.shrsi %get3A_1472, %shift_right_arithmetic3A_1474 : vector<16xi32>
    %swap3A_1476 = arith.constant 8064 : index
    %swap3A_1477 = tpu.vector_load %arg6[%swap3A_1476] {strides = array<i32>} : memref<8192xi32, #tpu.memory_space<vmem>>, vector<16xi32>,
    %swap3A_1478 = vector.shape_cast %swap3A_1477 : vector<16xi32> to vector<16xi32>
    %swap3A_1479 = vector.shape_cast %shift_right_arithmetic3A_1475 : vector<16xi32> to vector<16xi32>
    tpu.vector_store %arg6[%swap3A_1476], %swap3A_1479 {strides = array<i32>} : memref<8192xi32, #tpu.memory_space<vmem>>, vector<16xi32>,
    %get3A_1480 = arith.constant 8080 : index
    %get3A_1481 = tpu.vector_load %arg5[%get3A_1480] {strides = array<i32>} : memref<8192xi32, #tpu.memory_space<vmem>>, vector<16xi32>,
    %get3A_1482 = vector.shape_cast %get3A_1481 : vector<16xi32> to vector<16xi32>
    %shift_right_arithmetic3A_1483 = arith.constant 3 : i32
    %shift_right_arithmetic3A_1484 = vector.broadcast %shift_right_arithmetic3A_1483 : i32 to vector<16xi32>
    %shift_right_arithmetic3A_1485 = arith.shrsi %get3A_1482, %shift_right_arithmetic3A_1484 : vector<16xi32>
    %swap3A_1486 = arith.constant 8080 : index
    %swap3A_1487 = tpu.vector_load %arg6[%swap3A_1486] {strides = array<i32>} : memref<8192xi32, #tpu.memory_space<vmem>>, vector<16xi32>,
    %swap3A_1488 = vector.shape_cast %swap3A_1487 : vector<16xi32> to vector<16xi32>
    %swap3A_1489 = vector.shape_cast %shift_right_arithmetic3A_1485 : vector<16xi32> to vector<16xi32>
    tpu.vector_store %arg6[%swap3A_1486], %swap3A_1489 {strides = array<i32>} : memref<8192xi32, #tpu.memory_space<vmem>>, vector<16xi32>,
    %get3A_1490 = arith.constant 8096 : index
    %get3A_1491 = tpu.vector_load %arg5[%get3A_1490] {strides = array<i32>} : memref<8192xi32, #tpu.memory_space<vmem>>, vector<16xi32>,
    %get3A_1492 = vector.shape_cast %get3A_1491 : vector<16xi32> to vector<16xi32>
    %shift_right_arithmetic3A_1493 = arith.constant 3 : i32
    %shift_right_arithmetic3A_1494 = vector.broadcast %shift_right_arithmetic3A_1493 : i32 to vector<16xi32>
    %shift_right_arithmetic3A_1495 = arith.shrsi %get3A_1492, %shift_right_arithmetic3A_1494 : vector<16xi32>
    %swap3A_1496 = arith.constant 8096 : index
    %swap3A_1497 = tpu.vector_load %arg6[%swap3A_1496] {strides = array<i32>} : memref<8192xi32, #tpu.memory_space<vmem>>, vector<16xi32>,
    %swap3A_1498 = vector.shape_cast %swap3A_1497 : vector<16xi32> to vector<16xi32>
    %swap3A_1499 = vector.shape_cast %shift_right_arithmetic3A_1495 : vector<16xi32> to vector<16xi32>
    tpu.vector_store %arg6[%swap3A_1496], %swap3A_1499 {strides = array<i32>} : memref<8192xi32, #tpu.memory_space<vmem>>, vector<16xi32>,
    %get3A_1500 = arith.constant 8112 : index
    %get3A_1501 = tpu.vector_load %arg5[%get3A_1500] {strides = array<i32>} : memref<8192xi32, #tpu.memory_space<vmem>>, vector<16xi32>,
    %get3A_1502 = vector.shape_cast %get3A_1501 : vector<16xi32> to vector<16xi32>
    %shift_right_arithmetic3A_1503 = arith.constant 3 : i32
    %shift_right_arithmetic3A_1504 = vector.broadcast %shift_right_arithmetic3A_1503 : i32 to vector<16xi32>
    %shift_right_arithmetic3A_1505 = arith.shrsi %get3A_1502, %shift_right_arithmetic3A_1504 : vector<16xi32>
    %swap3A_1506 = arith.constant 8112 : index
    %swap3A_1507 = tpu.vector_load %arg6[%swap3A_1506] {strides = array<i32>} : memref<8192xi32, #tpu.memory_space<vmem>>, vector<16xi32>,
    %swap3A_1508 = vector.shape_cast %swap3A_1507 : vector<16xi32> to vector<16xi32>
    %swap3A_1509 = vector.shape_cast %shift_right_arithmetic3A_1505 : vector<16xi32> to vector<16xi32>
    tpu.vector_store %arg6[%swap3A_1506], %swap3A_1509 {strides = array<i32>} : memref<8192xi32, #tpu.memory_space<vmem>>, vector<16xi32>,
    %get3A_1510 = arith.constant 8128 : index
    %get3A_1511 = tpu.vector_load %arg5[%get3A_1510] {strides = array<i32>} : memref<8192xi32, #tpu.memory_space<vmem>>, vector<16xi32>,
    %get3A_1512 = vector.shape_cast %get3A_1511 : vector<16xi32> to vector<16xi32>
    %shift_right_arithmetic3A_1513 = arith.constant 3 : i32
    %shift_right_arithmetic3A_1514 = vector.broadcast %shift_right_arithmetic3A_1513 : i32 to vector<16xi32>
    %shift_right_arithmetic3A_1515 = arith.shrsi %get3A_1512, %shift_right_arithmetic3A_1514 : vector<16xi32>
    %swap3A_1516 = arith.constant 8128 : index
    %swap3A_1517 = tpu.vector_load %arg6[%swap3A_1516] {strides = array<i32>} : memref<8192xi32, #tpu.memory_space<vmem>>, vector<16xi32>,
    %swap3A_1518 = vector.shape_cast %swap3A_1517 : vector<16xi32> to vector<16xi32>
    %swap3A_1519 = vector.shape_cast %shift_right_arithmetic3A_1515 : vector<16xi32> to vector<16xi32>
    tpu.vector_store %arg6[%swap3A_1516], %swap3A_1519 {strides = array<i32>} : memref<8192xi32, #tpu.memory_space<vmem>>, vector<16xi32>,
    %get3A_1520 = arith.constant 8144 : index
    %get3A_1521 = tpu.vector_load %arg5[%get3A_1520] {strides = array<i32>} : memref<8192xi32, #tpu.memory_space<vmem>>, vector<16xi32>,
    %get3A_1522 = vector.shape_cast %get3A_1521 : vector<16xi32> to vector<16xi32>
    %shift_right_arithmetic3A_1523 = arith.constant 3 : i32
    %shift_right_arithmetic3A_1524 = vector.broadcast %shift_right_arithmetic3A_1523 : i32 to vector<16xi32>
    %shift_right_arithmetic3A_1525 = arith.shrsi %get3A_1522, %shift_right_arithmetic3A_1524 : vector<16xi32>
    %swap3A_1526 = arith.constant 8144 : index
    %swap3A_1527 = tpu.vector_load %arg6[%swap3A_1526] {strides = array<i32>} : memref<8192xi32, #tpu.memory_space<vmem>>, vector<16xi32>,
    %swap3A_1528 = vector.shape_cast %swap3A_1527 : vector<16xi32> to vector<16xi32>
    %swap3A_1529 = vector.shape_cast %shift_right_arithmetic3A_1525 : vector<16xi32> to vector<16xi32>
    tpu.vector_store %arg6[%swap3A_1526], %swap3A_1529 {strides = array<i32>} : memref<8192xi32, #tpu.memory_space<vmem>>, vector<16xi32>,
    %get3A_1530 = arith.constant 8160 : index
    %get3A_1531 = tpu.vector_load %arg5[%get3A_1530] {strides = array<i32>} : memref<8192xi32, #tpu.memory_space<vmem>>, vector<16xi32>,
    %get3A_1532 = vector.shape_cast %get3A_1531 : vector<16xi32> to vector<16xi32>
    %shift_right_arithmetic3A_1533 = arith.constant 3 : i32
    %shift_right_arithmetic3A_1534 = vector.broadcast %shift_right_arithmetic3A_1533 : i32 to vector<16xi32>
    %shift_right_arithmetic3A_1535 = arith.shrsi %get3A_1532, %shift_right_arithmetic3A_1534 : vector<16xi32>
    %swap3A_1536 = arith.constant 8160 : index
    %swap3A_1537 = tpu.vector_load %arg6[%swap3A_1536] {strides = array<i32>} : memref<8192xi32, #tpu.memory_space<vmem>>, vector<16xi32>,
    %swap3A_1538 = vector.shape_cast %swap3A_1537 : vector<16xi32> to vector<16xi32>
    %swap3A_1539 = vector.shape_cast %shift_right_arithmetic3A_1535 : vector<16xi32> to vector<16xi32>
    tpu.vector_store %arg6[%swap3A_1536], %swap3A_1539 {strides = array<i32>} : memref<8192xi32, #tpu.memory_space<vmem>>, vector<16xi32>,
    %get3A_1540 = arith.constant 8176 : index
    %get3A_1541 = tpu.vector_load %arg5[%get3A_1540] {strides = array<i32>} : memref<8192xi32, #tpu.memory_space<vmem>>, vector<16xi32>,
    %get3A_1542 = vector.shape_cast %get3A_1541 : vector<16xi32> to vector<16xi32>
    %shift_right_arithmetic3A_1543 = arith.constant 3 : i32
    %shift_right_arithmetic3A_1544 = vector.broadcast %shift_right_arithmetic3A_1543 : i32 to vector<16xi32>
    %shift_right_arithmetic3A_1545 = arith.shrsi %get3A_1542, %shift_right_arithmetic3A_1544 : vector<16xi32>
    %swap3A_1546 = arith.constant 8176 : index
    %swap3A_1547 = tpu.vector_load %arg6[%swap3A_1546] {strides = array<i32>} : memref<8192xi32, #tpu.memory_space<vmem>>, vector<16xi32>,
    %swap3A_1548 = vector.shape_cast %swap3A_1547 : vector<16xi32> to vector<16xi32>
    %swap3A_1549 = vector.shape_cast %shift_right_arithmetic3A_1545 : vector<16xi32> to vector<16xi32>
    tpu.vector_store %arg6[%swap3A_1546], %swap3A_1549 {strides = array<i32>} : memref<8192xi32, #tpu.memory_space<vmem>>, vector<16xi32>,
    %dma_start3A_1550 = arith.constant 8064 : i32
    %dma_start3A_1551 = tpu.memref_slice %arg6[%dma_start3A_1550] : memref<8192xi32, #tpu.memory_space<vmem>> -> memref<128xi32, #tpu.memory_space<vmem>>
    %dma_start3A_1552 = arith.constant 0 : i32
    %dma_start3A_1553 = arith.constant 0 : i32
    %dma_start3A_1554 = tpu.memref_slice %arg2[%dma_start3A_1552, %dma_start3A_1553] : memref<65536x128xf32, #tpu.memory_space<hbm>> -> memref<65536x128xf32, #tpu.memory_space<hbm>>
    tpu.enqueue_indirect_dma source(%dma_start3A_1554 : memref<65536x128xf32, #tpu.memory_space<hbm>>) target(%arg10 : memref<128x128xf32, #tpu.memory_space<vmem>>) offsets(%dma_start3A_1551 : memref<128xi32, #tpu.memory_space<vmem>>) semaphore(%arg16 : memref<!tpu.dma_semaphore, #tpu.memory_space<semaphore_mem>>)
    %dma_wait3A_1555 = arith.constant 7680 : i32
    %dma_wait3A_1556 = tpu.memref_slice %arg6[%dma_wait3A_1555] : memref<8192xi32, #tpu.memory_space<vmem>> -> memref<128xi32, #tpu.memory_space<vmem>>
    %dma_wait3A_1557 = arith.constant 0 : i32
    %dma_wait3A_1558 = arith.constant 0 : i32
    %dma_wait3A_1559 = tpu.memref_slice %arg2[%dma_wait3A_1557, %dma_wait3A_1558] : memref<65536x128xf32, #tpu.memory_space<hbm>> -> memref<65536x128xf32, #tpu.memory_space<hbm>>
    tpu.wait_indirect_dma semaphore(%arg13 : memref<!tpu.dma_semaphore, #tpu.memory_space<semaphore_mem>>) src(%dma_wait3A_1559 : memref<65536x128xf32, #tpu.memory_space<hbm>>) dst(%arg7 : memref<128x128xf32, #tpu.memory_space<vmem>>)
    %add3A_1560 = arith.constant 7680 : i32
    %add3A_1561 = arith.addi %mul3A_2, %add3A_1560 : i32
    %dma_start3A_1562 = arith.constant 0 : i32
    %dma_start3A_1563 = tpu.memref_slice %arg4[%add3A_1561, %dma_start3A_1562] : memref<262144x128xf32, #tpu.memory_space<hbm>> -> memref<128x128xf32, #tpu.memory_space<hbm>>
    %dma_start3A_1564 = arith.constant 0 : i32
    %dma_start3A_1565 = tpu.memref_slice %arg4[%add3A_1561, %dma_start3A_1564] : memref<262144x128xf32, #tpu.memory_space<hbm>> -> memref<128x128xf32, #tpu.memory_space<hbm>>
    tpu.enqueue_dma source(%arg7 : memref<128x128xf32, #tpu.memory_space<vmem>>) target(%dma_start3A_1565 : memref<128x128xf32, #tpu.memory_space<hbm>>) target_semaphore(%arg19 : memref<!tpu.dma_semaphore, #tpu.memory_space<semaphore_mem>>)
    %add3A_1566 = arith.constant 7424 : i32
    %add3A_1567 = arith.addi %mul3A_2, %add3A_1566 : i32
    %dma_wait3A_1568 = arith.constant 0 : i32
    %dma_wait3A_1569 = tpu.memref_slice %arg4[%add3A_1567, %dma_wait3A_1568] : memref<262144x128xf32, #tpu.memory_space<hbm>> -> memref<128x128xf32, #tpu.memory_space<hbm>>
    %dma_wait3A_1570 = arith.constant 0 : i32
    %dma_wait3A_1571 = tpu.memref_slice %arg4[%add3A_1567, %dma_wait3A_1570] : memref<262144x128xf32, #tpu.memory_space<hbm>> -> memref<128x128xf32, #tpu.memory_space<hbm>>
    tpu.wait_dma2 semaphore(%arg23 : memref<!tpu.dma_semaphore, #tpu.memory_space<semaphore_mem>>) src(%arg11 : memref<128x128xf32, #tpu.memory_space<vmem>>) dst(%dma_wait3A_1571 : memref<128x128xf32, #tpu.memory_space<hbm>>)
    %dma_wait3A_1572 = arith.constant 7808 : i32
    %dma_wait3A_1573 = tpu.memref_slice %arg6[%dma_wait3A_1572] : memref<8192xi32, #tpu.memory_space<vmem>> -> memref<128xi32, #tpu.memory_space<vmem>>
    %dma_wait3A_1574 = arith.constant 0 : i32
    %dma_wait3A_1575 = arith.constant 0 : i32
    %dma_wait3A_1576 = tpu.memref_slice %arg2[%dma_wait3A_1574, %dma_wait3A_1575] : memref<65536x128xf32, #tpu.memory_space<hbm>> -> memref<65536x128xf32, #tpu.memory_space<hbm>>
    tpu.wait_indirect_dma semaphore(%arg14 : memref<!tpu.dma_semaphore, #tpu.memory_space<semaphore_mem>>) src(%dma_wait3A_1576 : memref<65536x128xf32, #tpu.memory_space<hbm>>) dst(%arg8 : memref<128x128xf32, #tpu.memory_space<vmem>>)
    %add3A_1577 = arith.constant 7808 : i32
    %add3A_1578 = arith.addi %mul3A_2, %add3A_1577 : i32
    %dma_start3A_1579 = arith.constant 0 : i32
    %dma_start3A_1580 = tpu.memref_slice %arg4[%add3A_1578, %dma_start3A_1579] : memref<262144x128xf32, #tpu.memory_space<hbm>> -> memref<128x128xf32, #tpu.memory_space<hbm>>
    %dma_start3A_1581 = arith.constant 0 : i32
    %dma_start3A_1582 = tpu.memref_slice %arg4[%add3A_1578, %dma_start3A_1581] : memref<262144x128xf32, #tpu.memory_space<hbm>> -> memref<128x128xf32, #tpu.memory_space<hbm>>
    tpu.enqueue_dma source(%arg8 : memref<128x128xf32, #tpu.memory_space<vmem>>) target(%dma_start3A_1582 : memref<128x128xf32, #tpu.memory_space<hbm>>) target_semaphore(%arg20 : memref<!tpu.dma_semaphore, #tpu.memory_space<semaphore_mem>>)
    %add3A_1583 = arith.constant 7552 : i32
    %add3A_1584 = arith.addi %mul3A_2, %add3A_1583 : i32
    %dma_wait3A_1585 = arith.constant 0 : i32
    %dma_wait3A_1586 = tpu.memref_slice %arg4[%add3A_1584, %dma_wait3A_1585] : memref<262144x128xf32, #tpu.memory_space<hbm>> -> memref<128x128xf32, #tpu.memory_space<hbm>>
    %dma_wait3A_1587 = arith.constant 0 : i32
    %dma_wait3A_1588 = tpu.memref_slice %arg4[%add3A_1584, %dma_wait3A_1587] : memref<262144x128xf32, #tpu.memory_space<hbm>> -> memref<128x128xf32, #tpu.memory_space<hbm>>
    tpu.wait_dma2 semaphore(%arg24 : memref<!tpu.dma_semaphore, #tpu.memory_space<semaphore_mem>>) src(%arg12 : memref<128x128xf32, #tpu.memory_space<vmem>>) dst(%dma_wait3A_1588 : memref<128x128xf32, #tpu.memory_space<hbm>>)
    %dma_wait3A_1589 = arith.constant 7936 : i32
    %dma_wait3A_1590 = tpu.memref_slice %arg6[%dma_wait3A_1589] : memref<8192xi32, #tpu.memory_space<vmem>> -> memref<128xi32, #tpu.memory_space<vmem>>
    %dma_wait3A_1591 = arith.constant 0 : i32
    %dma_wait3A_1592 = arith.constant 0 : i32
    %dma_wait3A_1593 = tpu.memref_slice %arg2[%dma_wait3A_1591, %dma_wait3A_1592] : memref<65536x128xf32, #tpu.memory_space<hbm>> -> memref<65536x128xf32, #tpu.memory_space<hbm>>
    tpu.wait_indirect_dma semaphore(%arg15 : memref<!tpu.dma_semaphore, #tpu.memory_space<semaphore_mem>>) src(%dma_wait3A_1593 : memref<65536x128xf32, #tpu.memory_space<hbm>>) dst(%arg9 : memref<128x128xf32, #tpu.memory_space<vmem>>)
    %add3A_1594 = arith.constant 7936 : i32
    %add3A_1595 = arith.addi %mul3A_2, %add3A_1594 : i32
    %dma_start3A_1596 = arith.constant 0 : i32
    %dma_start3A_1597 = tpu.memref_slice %arg4[%add3A_1595, %dma_start3A_1596] : memref<262144x128xf32, #tpu.memory_space<hbm>> -> memref<128x128xf32, #tpu.memory_space<hbm>>
    %dma_start3A_1598 = arith.constant 0 : i32
    %dma_start3A_1599 = tpu.memref_slice %arg4[%add3A_1595, %dma_start3A_1598] : memref<262144x128xf32, #tpu.memory_space<hbm>> -> memref<128x128xf32, #tpu.memory_space<hbm>>
    tpu.enqueue_dma source(%arg9 : memref<128x128xf32, #tpu.memory_space<vmem>>) target(%dma_start3A_1599 : memref<128x128xf32, #tpu.memory_space<hbm>>) target_semaphore(%arg21 : memref<!tpu.dma_semaphore, #tpu.memory_space<semaphore_mem>>)
    %add3A_1600 = arith.constant 7680 : i32
    %add3A_1601 = arith.addi %mul3A_2, %add3A_1600 : i32
    %dma_wait3A_1602 = arith.constant 0 : i32
    %dma_wait3A_1603 = tpu.memref_slice %arg4[%add3A_1601, %dma_wait3A_1602] : memref<262144x128xf32, #tpu.memory_space<hbm>> -> memref<128x128xf32, #tpu.memory_space<hbm>>
    %dma_wait3A_1604 = arith.constant 0 : i32
    %dma_wait3A_1605 = tpu.memref_slice %arg4[%add3A_1601, %dma_wait3A_1604] : memref<262144x128xf32, #tpu.memory_space<hbm>> -> memref<128x128xf32, #tpu.memory_space<hbm>>
    tpu.wait_dma2 semaphore(%arg19 : memref<!tpu.dma_semaphore, #tpu.memory_space<semaphore_mem>>) src(%arg7 : memref<128x128xf32, #tpu.memory_space<vmem>>) dst(%dma_wait3A_1605 : memref<128x128xf32, #tpu.memory_space<hbm>>)
    %dma_wait3A_1606 = arith.constant 8064 : i32
    %dma_wait3A_1607 = tpu.memref_slice %arg6[%dma_wait3A_1606] : memref<8192xi32, #tpu.memory_space<vmem>> -> memref<128xi32, #tpu.memory_space<vmem>>
    %dma_wait3A_1608 = arith.constant 0 : i32
    %dma_wait3A_1609 = arith.constant 0 : i32
    %dma_wait3A_1610 = tpu.memref_slice %arg2[%dma_wait3A_1608, %dma_wait3A_1609] : memref<65536x128xf32, #tpu.memory_space<hbm>> -> memref<65536x128xf32, #tpu.memory_space<hbm>>
    tpu.wait_indirect_dma semaphore(%arg16 : memref<!tpu.dma_semaphore, #tpu.memory_space<semaphore_mem>>) src(%dma_wait3A_1610 : memref<65536x128xf32, #tpu.memory_space<hbm>>) dst(%arg10 : memref<128x128xf32, #tpu.memory_space<vmem>>)
    %add3A_1611 = arith.constant 8064 : i32
    %add3A_1612 = arith.addi %mul3A_2, %add3A_1611 : i32
    %dma_start3A_1613 = arith.constant 0 : i32
    %dma_start3A_1614 = tpu.memref_slice %arg4[%add3A_1612, %dma_start3A_1613] : memref<262144x128xf32, #tpu.memory_space<hbm>> -> memref<128x128xf32, #tpu.memory_space<hbm>>
    %dma_start3A_1615 = arith.constant 0 : i32
    %dma_start3A_1616 = tpu.memref_slice %arg4[%add3A_1612, %dma_start3A_1615] : memref<262144x128xf32, #tpu.memory_space<hbm>> -> memref<128x128xf32, #tpu.memory_space<hbm>>
    tpu.enqueue_dma source(%arg10 : memref<128x128xf32, #tpu.memory_space<vmem>>) target(%dma_start3A_1616 : memref<128x128xf32, #tpu.memory_space<hbm>>) target_semaphore(%arg22 : memref<!tpu.dma_semaphore, #tpu.memory_space<semaphore_mem>>)
    %add3A_1617 = arith.constant 7808 : i32
    %add3A_1618 = arith.addi %mul3A_2, %add3A_1617 : i32
    %dma_wait3A_1619 = arith.constant 0 : i32
    %dma_wait3A_1620 = tpu.memref_slice %arg4[%add3A_1618, %dma_wait3A_1619] : memref<262144x128xf32, #tpu.memory_space<hbm>> -> memref<128x128xf32, #tpu.memory_space<hbm>>
    %dma_wait3A_1621 = arith.constant 0 : i32
    %dma_wait3A_1622 = tpu.memref_slice %arg4[%add3A_1618, %dma_wait3A_1621] : memref<262144x128xf32, #tpu.memory_space<hbm>> -> memref<128x128xf32, #tpu.memory_space<hbm>>
    tpu.wait_dma2 semaphore(%arg20 : memref<!tpu.dma_semaphore, #tpu.memory_space<semaphore_mem>>) src(%arg8 : memref<128x128xf32, #tpu.memory_space<vmem>>) dst(%dma_wait3A_1622 : memref<128x128xf32, #tpu.memory_space<hbm>>)
    %add3A_1623 = arith.constant 7936 : i32
    %add3A_1624 = arith.addi %mul3A_2, %add3A_1623 : i32
    %dma_wait3A_1625 = arith.constant 0 : i32
    %dma_wait3A_1626 = tpu.memref_slice %arg4[%add3A_1624, %dma_wait3A_1625] : memref<262144x128xf32, #tpu.memory_space<hbm>> -> memref<128x128xf32, #tpu.memory_space<hbm>>
    %dma_wait3A_1627 = arith.constant 0 : i32
    %dma_wait3A_1628 = tpu.memref_slice %arg4[%add3A_1624, %dma_wait3A_1627] : memref<262144x128xf32, #tpu.memory_space<hbm>> -> memref<128x128xf32, #tpu.memory_space<hbm>>
    tpu.wait_dma2 semaphore(%arg21 : memref<!tpu.dma_semaphore, #tpu.memory_space<semaphore_mem>>) src(%arg9 : memref<128x128xf32, #tpu.memory_space<vmem>>) dst(%dma_wait3A_1628 : memref<128x128xf32, #tpu.memory_space<hbm>>)
    %add3A_1629 = arith.constant 8064 : i32
    %add3A_1630 = arith.addi %mul3A_2, %add3A_1629 : i32
    %dma_wait3A_1631 = arith.constant 0 : i32
    %dma_wait3A_1632 = tpu.memref_slice %arg4[%add3A_1630, %dma_wait3A_1631] : memref<262144x128xf32, #tpu.memory_space<hbm>> -> memref<128x128xf32, #tpu.memory_space<hbm>>
    %dma_wait3A_1633 = arith.constant 0 : i32
    %dma_wait3A_1634 = tpu.memref_slice %arg4[%add3A_1630, %dma_wait3A_1633] : memref<262144x128xf32, #tpu.memory_space<hbm>> -> memref<128x128xf32, #tpu.memory_space<hbm>>
    tpu.wait_dma2 semaphore(%arg22 : memref<!tpu.dma_semaphore, #tpu.memory_space<semaphore_mem>>) src(%arg10 : memref<128x128xf32, #tpu.memory_space<vmem>>) dst(%dma_wait3A_1634 : memref<128x128xf32, #tpu.memory_space<hbm>>)
    return
  }
}

</mosaic_0001>

<sc_bundles>
// kernel: kernel.3.cloned.1.call-start
scs
__scs_entry_jumppad:
0x0: {  	(pc) =	sbr.rel $0x88, $3  }
0x1: {  	(tag) =	ssettag $0x0;
	lr =	simm.s32 $0x1  }
0x2: {  	[smem:$0x3F9F] =	sst lr;
	_ =	strace $0xD0000000  }
0x3: {  	_ = 	snop  }
0x4: {  	_ = 	snop  }
0x5: {  	_ = 	snop  }
0x6: {  	_ = 	snop  }
0x7: {  	_ = 	snop  }
__scs_overlays_trampoline_lowered:
0x8: {  	[smem:$0x3FAE] =	sst s0  }
0x9: {  	[smem:$0x3FAF] =	sst s1  }
0xa: {  	[smem:$0x3FB0] =	sst s2  }
0xb: {  	[smem:$0x3FB1] =	sst s3  }
0xc: {  	[smem:$0x3FB2] =	sst s4  }
0xd: {  	[smem:$0x3FB3] =	sst s5  }
0xe: {  	[smem:$0x3FB4] =	sst s6  }
0xf: {  	[smem:$0x3FB5] =	sst s7  }
0x10: {  	[smem:$0x3FB6] =	sst s8  }
0x11: {  	[smem:$0x3FB7] =	sst s9;
	s0 =	simm.s32 @!p0 $0x0  }
0x12: {  	s1 =	sld [smem:$0x3F9D];
	s0 =	simm.s32 @p0 $0x1  }
0x13: {  	[smem:$0x3FB8] =	sst s0;
	s0 =	simm.s32 @!p1 $0x0  }
0x14: {  	s2 =	sld [smem:$0x3F9C];
	s0 =	simm.s32 @p1 $0x1  }
0x15: {  	[smem:$0x3FB9] =	sst s0;
	s0 =	simm.s32 @!p2 $0x0  }
0x16: {  	s3 =	sld [smem:$0x3FDB];
	s0 =	simm.s32 @p2 $0x1  }
0x17: {  	s4 =	simm.s32 $0x1BF5;
	[smem:$0x3FBB] =	sst s0  }
0x18: {  	s0 =	sld [smem:$0x3F9E];
	_ =	swait.ge [sflag:s4], $0x0  }
0x19: {  	s7 =	sld [smem:$0x3F9F]  }
0x1a: {  	s8 =	sadd.s32 $0xFFFFE003, lr  }
0x1b: {  	s9 =	sadd.s32 $0xFFFFFEF7, lr;
	s5 =	simm.s32 $0xFFFFFFFF;
	p2 =	slt.u32 s8, $0xFFFFF086  }
0x1c: {  	p1 =	slt.u32 s9, $0xF7A;
	s5 =	simm.s32 @!p2 $0x0  }
0x1d: {  	s5 =	simm.s32 @p1 $0x1;
	p0 =	seq.s32 s7, s2  }
0x1e: {  	s7 =	smul.u32 @!p0 $0xF7A, s2;
	p2 =	seq.s32 @!p0 s5, $0x0  }
0x1f: {  	s9 =	smul.u32 $0xF7A, s1;
	s8 =	simm.s32 @!p0 $0x1BF5;
	p2 =	por !p2, p0  }
0x20: {  	[sflag:s8] =	ssyncset.s32 @!p0 $0xFFFFF086;
	s6 =	sadd.s32 @!p0 s3, s7;
	s7 =	simm.s32 @!p0 $0x108  }
0x21: {  	s3 =	sadd.s32 s3, s9;
	s6 =	sadd.s32 @!p0 $0x88, s6;
	s7 =	simm.s32 @p2 $0x1082  }
0x22: {  	[simem:s7], [sflag:s8] =	dma.local @!p0 [hbm:s6], $0xF7A  }
0x23: {  	s9 =	sor.u32 $0xD0000000, s2;
	s6 =	simm.s32 $0x108;
	_ =	swait.ge @!p0 [sflag:s8], $0x0  }
0x24: {  	s3 =	sadd.s32 $0x88, s3;
	s6 =	simm.s32 @!p1 $0x1082;
	[sflag:s4] =	ssyncset.s32 $0xFFFFF086  }
0x25: {  	[simem:s6], [sflag:s4] =	dma.local [hbm:s3], $0xF7A  }
0x26: {  	[smem:$0x3F9F] =	sst s1;
	(tag) =	ssettag s2;
	_ =	strace s9  }
0x27: {  	s1 =	sld [smem:$0x3FAF]  }
0x28: {  	s2 =	sld [smem:$0x3FB0]  }
0x29: {  	s4 =	sld [smem:$0x3FB2]  }
0x2a: {  	p0 =	seq.s32 s5, $0x0;
	s5 =	sld [smem:$0x3FB3]  }
0x2b: {  	s6 =	sld [smem:$0x3FB4]  }
0x2c: {  	s7 =	sld [smem:$0x3FB5]  }
0x2d: {  	s3 =	simm.s32 $0x108;
	s8 =	sld [smem:$0x3FB6]  }
0x2e: {  	s3 =	simm.s32 @!p0 $0x1082;
	s9 =	sld [smem:$0x3FB7]  }
0x2f: {  	lr =	sadd.s32 s0, s3;
	s0 =	sld [smem:$0x3FAE]  }
0x30: {  	s3 =	sld [smem:$0x3FB1]  }
0x31: {  	[smem:$0x3FBA] =	sst s10  }
0x32: {  	s10 =	sld [smem:$0x3FB8];
	_ =	sdelay $0x3  }
0x33: {  	p0 =	seq.s32 s10, $0x1;
	s10 =	sld [smem:$0x3FBA];
	_ =	sdelay $0x3  }
0x34: {  	[smem:$0x3FBA] =	sst s10  }
0x35: {  	s10 =	sld [smem:$0x3FB9];
	_ =	sdelay $0x3  }
0x36: {  	p1 =	seq.s32 s10, $0x1;
	s10 =	sld [smem:$0x3FBA];
	_ =	sdelay $0x3  }
0x37: {  	[smem:$0x3FBA] =	sst s10  }
0x38: {  	s10 =	sld [smem:$0x3FBB]  }
0x39: {  	_ = 	snop;
	(pc) =	sbr.ind lr, $3  }
0x3a: {  	_ = 	snop  }
0x3b: {  	_ = 	snop  }
0x3c: {  	p2 =	seq.s32 s10, $0x1;
	s10 =	sld [smem:$0x3FBA]  }
0x3d: {  	_ =	shalt  }
0x3e: {  	_ =	shalt  }
0x3f: {  	_ =	shalt  }
0x40: {  	_ =	shalt  }
0x41: {  	_ =	shalt  }
0x42: {  	_ =	shalt  }
0x43: {  	_ =	shalt  }
0x44: {  	_ =	shalt  }
0x45: {  	_ =	shalt  }
0x46: {  	_ =	shalt  }
0x47: {  	_ =	shalt  }
0x48: {  	_ =	shalt  }
0x49: {  	_ =	shalt  }
0x4a: {  	_ =	shalt  }
0x4b: {  	_ =	shalt  }
0x4c: {  	_ =	shalt  }
0x4d: {  	_ =	shalt  }
0x4e: {  	_ =	shalt  }
0x4f: {  	_ =	shalt  }
0x50: {  	_ =	shalt  }
0x51: {  	_ =	shalt  }
0x52: {  	_ =	shalt  }
0x53: {  	_ =	shalt  }
0x54: {  	_ =	shalt  }
0x55: {  	_ =	shalt  }
0x56: {  	_ =	shalt  }
0x57: {  	_ =	shalt  }
0x58: {  	_ =	shalt  }
0x59: {  	_ =	shalt  }
0x5a: {  	_ =	shalt  }
0x5b: {  	_ =	shalt  }
0x5c: {  	_ =	shalt  }
0x5d: {  	_ =	shalt  }
0x5e: {  	_ =	shalt  }
0x5f: {  	_ =	shalt  }
0x60: {  	_ =	shalt  }
0x61: {  	_ =	shalt  }
0x62: {  	_ =	shalt  }
0x63: {  	_ =	shalt  }
0x64: {  	_ =	shalt  }
0x65: {  	_ =	shalt  }
0x66: {  	_ =	shalt  }
0x67: {  	_ =	shalt  }
0x68: {  	_ =	shalt  }
0x69: {  	_ =	shalt  }
0x6a: {  	_ =	shalt  }
0x6b: {  	_ =	shalt  }
0x6c: {  	_ =	shalt  }
0x6d: {  	_ =	shalt  }
0x6e: {  	_ =	shalt  }
0x6f: {  	_ =	shalt  }
0x70: {  	_ =	shalt  }
0x71: {  	_ =	shalt  }
0x72: {  	_ =	shalt  }
0x73: {  	_ =	shalt  }
0x74: {  	_ =	shalt  }
0x75: {  	_ =	shalt  }
0x76: {  	_ =	shalt  }
0x77: {  	_ =	shalt  }
0x78: {  	_ =	shalt  }
0x79: {  	_ =	shalt  }
0x7a: {  	_ =	shalt  }
0x7b: {  	_ =	shalt  }
0x7c: {  	_ =	shalt  }
0x7d: {  	_ =	shalt  }
0x7e: {  	_ =	shalt  }
0x7f: {  	_ =	shalt  }
0x80: {  	_ =	shalt  }
0x81: {  	_ =	shalt  }
0x82: {  	_ =	shalt  }
0x83: {  	_ =	shalt  }
0x84: {  	_ =	shalt  }
0x85: {  	_ =	shalt  }
0x86: {  	_ =	shalt  }
0x87: {  	_ =	shalt  }
.Lfunc_end0:
.L_simem_size_0:
called_computation_lowered:
.L_overlay_start_0:
0x88: {  	s2 =	sld [smem:$0x3FD9]  }
0x89: {  	s3 =	sld [smem:$0x3FFE];
	_ =	sdelay $0x1  }
0x8a: {  	s1 =	srdreg.scid  }
0x8b: {  	s0 =	sand.u32 $0x1, s1  }
0x8c: {  	s18 =	sshll.u32 s0, $0xA;
	s2 =	sadd.s32 s3, s2  }
0x8d: {  	s2 =	sadd.s32 s2, s18  }
0x8e: {  	[smem:$0x3FC6] =	sst s2  }
0x8f: {  	_ = 	snop  }
0x90: {  	s2 =	sld [smem:$0x3FC9]  }
0x91: {  	s19 =	sld [smem:$0x3FC8]  }
0x92: {  	s4 =	sld [smem:$0x3FD0];
	(tm) =	ssettm $0x1  }
0x93: {  	s5 =	sld [smem:$0x3FFB];
	_ =	sdelay $0x3  }
0x94: {  	_ =	strace s5  }
0x95: {  	s5 =	sld [smem:$0x3FFC];
	_ =	sdelay $0x3  }
0x96: {  	_ =	strace s5  }
0x97: {  	s5 =	sld [smem:$0x3FFD];
	_ =	sdelay $0x3  }
0x98: {  	_ =	strace s5  }
0x99: {  	_ =	strace $0x8FFFFFFF  }
0x9a: {  	s20 =	sld [smem:$0x3FDB];
	_ =	sdelay $0x1  }
0x9b: {  	s6 =	simm.s32 $_scs_section_size  }
0x9c: {  	s7 =	simm.s32 $_size__tile_overlayer_lowered;
	s8 =	simm.s32 $_tile_overlayer_lowered  }
0x9d: {  	s23 =	simm.s32 $0x1BFF;
	s22 =	sshll.u32 s8, $0x1;
	s5 =	sadd.s32 s6, s20  }
0x9e: {  	s9 =	simm.s32 $0x0;
	s21 =	sshll.u32 s7, $0x1;
	s7 =	sadd.s32 s22, s5  }
0x9f: {  	[timem:s9], [sflag:s23] =	dma.local [hbm:s7], s21  }
0xa0: {  	_ =	swait.ge [sflag:s23], s21  }
0xa1: {  	s6 =	ssub.s32 $0x0, s21;
	[sflag:s23] =	ssyncset.done $0x0  }
0xa2: {  	[sflag:s23] =	ssyncadd.s32 s6;
	_ =	sdelay $0x1  }
0xa3: {  	s24 =	simm.s32 $0x1B8B  }
0xa4: {  	_ =	swait.ge [sflag:s24], $0x1  }
0xa5: {  	[sflag:s24] =	ssyncset.done $0x0  }
0xa6: {  	s25 =	simm.s32 $0x1B8E;
	[sflag:s24] =	ssyncadd.s32 $0xFFFFFFFF  }
0xa7: {  	s26 =	simm.s32 $execute0_lowered;
	[smem:$0x3FD2] =	sst s25  }
0xa8: {  	s6 =	sshll.u32 s26, $0x1;
	_ =	strace $0x80000046;
	[dreg:$0x1] =	wrdreg $0xFFFFFFFF  }
0xa9: {  	s28 =	simm.s32 $_size_execute0_lowered;
	s5 =	sadd.s32 s5, s6;
	[dreg:$0x0] =	wrdreg $0x0  }
0xaa: {  	s6 =	sshll.u32 s28, $0x1;
	[dreg:$0x2] =	wrdreg s5  }
0xab: {  	[dreg:$0x3] =	wrdreg s6  }
0xac: {  	[dreg:$0x4] =	wrdreg $0xC0  }
0xad: {  	_ =	task [dreg:s9], $0x5FFFF  }
0xae: {  	[dreg:$0x1] =	wrdreg $0xFFFFFFFF  }
0xaf: {  	[dreg:$0x0] =	wrdreg $0x60  }
0xb0: {  	[dreg:$0x2] =	wrdreg s2  }
0xb1: {  	[dreg:$0x3] =	wrdreg s19  }
0xb2: {  	[dreg:$0x4] =	wrdreg s4  }
0xb3: {  	[dreg:$0x5] =	wrdreg $0x9  }
0xb4: {  	_ =	task.clear_ibuf [dreg:s9], $0x6FFFF;
	_ =	strace $0x90000046  }
0xb5: {  	s29 =	simm.s32 $0x9;
	_ =	strace $0x80000048  }
0xb6: {  	_ =	swait.ge [sflag:s29], $0x1  }
0xb7: {  	[sflag:s29] =	ssyncadd.s32 $0xFFFFFFFF  }
0xb8: {  	_ =	strace $0x90000048  }
0xb9: {  	_ =	sfence  }
0xba: {  	s30 =	sld [smem:$0x0];
	_ =	sdelay $0x2  }
0xbb: {  	s31 =	sshll.u32 s1, $0xD;
	s1 =	sshrl.u32 s1, $0x2  }
0xbc: {  	s3 =	sand.u32 $0x4000, s31;
	s1 =	sadd.s32 s1, s30  }
0xbd: {  	s0 =	sor.u32 s3, s0;
	s1 =	sshll.u32 s1, $0x11  }
0xbe: {  	s0 =	sor.u32 s1, s0  }
0xbf: {  	s0 =	sadd.s32 $0x8F2B, s0  }
0xc0: {  	[sflag:s0] =	ssyncadd.remote.s32 $0x1  }
0xc1: {  	_ =	sfence.sel $0xFFFF  }
0xc2: {  	[dreg:$0x0] =	wrdreg $0xFFFFFFFF;
	(pc) =	sbr.abs _section_cstart, $3  }
0xc3: {  	[dreg:$0x1] =	wrdreg $0xFFFFFFFF  }
0xc4: {  	_ =	task.clear_ibuf [dreg:s9], $0x2FFFF;
	_ =	strace $0x9FFFFFFF  }
0xc5: {  	(tm) =	ssettm $0x7FFFFFFF  }
tec
execute0_lowered:
.L_overlay_start_1:
0x0: {  	(tag) =	ssettag $0x1  }
0x1: {  	s1 =	rddreg [dreg:$0x0]  }
0x2: {  	s0 =	rddreg [dreg:$0x1]  }
0x3: {  	s2 =	rddreg [dreg:$0x2];
	s3 =	srdreg.scid  }
0x4: {  	s10 =	stileid.u32;
	s29 =	simm.s32 $0x8000;
	s5 =	sand.u32 $0x1, s3  }
0x5: {  	s31 =	simm.s32 $0xC000;
	s4 =	sshll.u32 s10, $0xE;
	s6 =	sshll.u32 s5, $0xD  }
0x6: {  	s30 =	simm.s32 $0x14000;
	s28 =	simm.s32 $0x18000;
	s4 =	sor.u32 s6, s4  }
0x7: {  	s3 =	simm.s32 $0x0;
	s7 =	sshll.u32 s4, $0x4;
	s9 =	sshrl.u32 s4, $0x3  }
0x8: {  	[smem:$0x7FF] =	sst s3;
	s4 =	sadd.s32 s2, s7;
	s0 =	sadd.s32 s0, s9  }
0x9: {  	_ =	strace $0x80000047;
	[dreg:$0x4] =	wrdreg s0;
	s12 =	sadd.s32 $0x800, s4  }
0xa: {  	s24 =	sshll.u32 s10, $0x12;
	s13 =	sadd.s32 $0x1000, s4;
	[dreg:$0x5] =	wrdreg s12  }
0xb: {  	s10 =	simm.s32 $0x9;
	s14 =	sadd.s32 $0x1800, s4;
	[dreg:$0x6] =	wrdreg s13  }
0xc: {  	s11 =	ssub.s32 $0x2, s5;
	s15 =	sadd.s32 $0x2000, s4;
	[dreg:$0x7] =	wrdreg s14  }
0xd: {  	s25 =	sshll.u32 s5, $0x11;
	s16 =	sadd.s32 $0x2800, s4;
	[dreg:$0x8] =	wrdreg s15  }
0xe: {  	s5 =	simm.s32 $0x3;
	s17 =	sadd.s32 $0x1B000, s4;
	[dreg:$0x9] =	wrdreg s16  }
0xf: {  	s8 =	sshrl.u32 s11, $0x1;
	s18 =	sadd.s32 $0x1B800, s4;
	[dreg:$0xa] =	wrdreg s17  }
0x10: {  	s6 =	ssub.s32 s11, s8;
	s19 =	sadd.s32 $0x1C000, s4;
	[dreg:$0xb] =	wrdreg s18  }
0x11: {  	s8 =	simm.s32 $0x8;
	s20 =	sadd.s32 $0x1C800, s4;
	[dreg:$0xc] =	wrdreg s19  }
0x12: {  	s11 =	simm.s32 $0x6;
	s21 =	sadd.s32 $0x1D000, s4;
	[dreg:$0xd] =	wrdreg s20  }
0x13: {  	s9 =	simm.s32 $0x5;
	s22 =	sadd.s32 $0x1D800, s4;
	[dreg:$0xe] =	wrdreg s21  }
0x14: {  	s23 =	sadd.s32 $0x1E000, s4;
	s7 =	sadd.s32 $0x1E800, s4;
	[dreg:$0xf] =	wrdreg s22  }
0x15: {  	s0 =	sadd.s32 s24, s2;
	s26 =	sadd.s32 $0x1F000, s4;
	[dreg:$0x10] =	wrdreg s23  }
0x16: {  	s24 =	simm.s32 $0x80;
	s2 =	simm.s32 $0x10000;
	[dreg:$0x11] =	wrdreg s7  }
0x17: {  	[dreg:$0x12] =	wrdreg s26;
	s20 =	sadd.s32 $0x1F800, s4;
	s0 =	sadd.s32 s25, s0  }
0x18: {  	s21 =	smax.u32 s6, $0x1;
	s23 =	simm.s32 $0xD;
	s26 =	simm.s32 $0x4000  }
0x19: {  	s25 =	simm.s32 $0x1;
	s6 =	simm.s32 $0x7;
	s7 =	simm.s32 $0x4  }
0x1a: {  	s12 =	simm.s32 $0xA;
	s13 =	simm.s32 $0xB;
	s14 =	simm.s32 $0xC  }
0x1b: {  	s15 =	simm.s32 $0x0;
	s16 =	sadd.s32 $0x5800, s0;
	s0 =	simm.s32 $0x2  }
.LBB2_1:
0x1c: {  	s17 =	rddreg [dreg:$0x4]  }
0x1d: {  	[tilespmem:s3], [sflag:$0xD] =	stream.linear.gather [hbm4b:s17+s3], $0x2000, $0x38;
	[tilespmem:$0x1C000] =	vst v63  }
0x1e: {  	_ =	swait.ge [sflag:s23], $0x2000  }
0x1f: {  	[sflag:s23] =	ssyncset.done $0x0  }
0x20: {  	[sflag:s23] =	ssyncadd.s32 $0xFFFFE000  }
0x21: {  	v0 =	vld [tilespmem:$0x0]  }
0x22: {  	v1 =	vld [tilespmem:$0x10]  }
0x23: {  	v2 =	vld [tilespmem:$0x20]  }
0x24: {  	v3 =	vld [tilespmem:$0x30]  }
0x25: {  	v4 =	vld [tilespmem:$0x40]  }
0x26: {  	v5 =	vld [tilespmem:$0x50];
	v0 =	vshra.s32 v0, $0x3  }
0x27: {  	v50 =	vld [tilespmem:$0x60];
	v49 =	vshra.s32 v1, $0x3;
	[tilespmem:$0x2000] =	vst v0  }
0x28: {  	v52 =	vld [tilespmem:$0x70];
	v51 =	vshra.s32 v2, $0x3;
	[tilespmem:$0x2010] =	vst v49  }
0x29: {  	v53 =	vshra.s32 v3, $0x3;
	[tilespmem:$0x2020] =	vst v51  }
0x2a: {  	v54 =	vshra.s32 v4, $0x3;
	[tilespmem:$0x2030] =	vst v53  }
0x2b: {  	v55 =	vshra.s32 v5, $0x3;
	[tilespmem:$0x2040] =	vst v54  }
0x2c: {  	v56 =	vshra.s32 v50, $0x3;
	[tilespmem:$0x2050] =	vst v55  }
0x2d: {  	v57 =	vshra.s32 v52, $0x3;
	[tilespmem:$0x2060] =	vst v56  }
0x2e: {  	s19 =	simm.s32 $0x2000;
	[tilespmem:$0x2070] =	vst v57  }
0x2f: {  	[tilespmem:s26], [sflag:$0x1] =	stream.indirect.gather [hbm4b:s1+s24], $0x80, s19, s24, $0xb8;
	[tilespmem:$0x1C000] =	vst v63  }
0x30: {  	v58 =	vld [tilespmem:$0x80]  }
0x31: {  	v59 =	vld [tilespmem:$0x90]  }
0x32: {  	v60 =	vld [tilespmem:$0xA0]  }
0x33: {  	v61 =	vld [tilespmem:$0xB0]  }
0x34: {  	v62 =	vld [tilespmem:$0xC0]  }
0x35: {  	v63 =	vld [tilespmem:$0xD0];
	v0 =	vshra.s32 v58, $0x3  }
0x36: {  	v7 =	vld [tilespmem:$0xE0];
	v6 =	vshra.s32 v59, $0x3;
	[tilespmem:$0x2080] =	vst v0  }
0x37: {  	v9 =	vld [tilespmem:$0xF0];
	v8 =	vshra.s32 v60, $0x3;
	[tilespmem:$0x2090] =	vst v6  }
0x38: {  	v10 =	vshra.s32 v61, $0x3;
	[tilespmem:$0x20A0] =	vst v8  }
0x39: {  	v11 =	vshra.s32 v62, $0x3;
	[tilespmem:$0x20B0] =	vst v10  }
0x3a: {  	v12 =	vshra.s32 v63, $0x3;
	[tilespmem:$0x20C0] =	vst v11  }
0x3b: {  	v13 =	vshra.s32 v7, $0x3;
	[tilespmem:$0x20D0] =	vst v12  }
0x3c: {  	v14 =	vshra.s32 v9, $0x3;
	[tilespmem:$0x20E0] =	vst v13  }
0x3d: {  	s22 =	simm.s32 $0x2080;
	[tilespmem:$0x20F0] =	vst v14  }
0x3e: {  	[tilespmem:s29], [sflag:$0x2] =	stream.indirect.gather [hbm4b:s1+s24], $0x80, s22, s24, $0xb8;
	[tilespmem:$0x1C000] =	vst v63  }
0x3f: {  	v15 =	vld [tilespmem:$0x100]  }
0x40: {  	v16 =	vld [tilespmem:$0x110]  }
0x41: {  	v17 =	vld [tilespmem:$0x120]  }
0x42: {  	v18 =	vld [tilespmem:$0x130]  }
0x43: {  	v19 =	vld [tilespmem:$0x140]  }
0x44: {  	v20 =	vld [tilespmem:$0x150];
	v0 =	vshra.s32 v15, $0x3  }
0x45: {  	v22 =	vld [tilespmem:$0x160];
	v21 =	vshra.s32 v16, $0x3;
	[tilespmem:$0x2100] =	vst v0  }
0x46: {  	v24 =	vld [tilespmem:$0x170];
	v23 =	vshra.s32 v17, $0x3;
	[tilespmem:$0x2110] =	vst v21  }
0x47: {  	v25 =	vshra.s32 v18, $0x3;
	[tilespmem:$0x2120] =	vst v23  }
0x48: {  	v26 =	vshra.s32 v19, $0x3;
	[tilespmem:$0x2130] =	vst v25  }
0x49: {  	v27 =	vshra.s32 v20, $0x3;
	[tilespmem:$0x2140] =	vst v26  }
0x4a: {  	v28 =	vshra.s32 v22, $0x3;
	[tilespmem:$0x2150] =	vst v27  }
0x4b: {  	v29 =	vshra.s32 v24, $0x3;
	[tilespmem:$0x2160] =	vst v28  }
0x4c: {  	s18 =	simm.s32 $0x2100;
	[tilespmem:$0x2170] =	vst v29  }
0x4d: {  	[tilespmem:s31], [sflag:$0x3] =	stream.indirect.gather [hbm4b:s1+s24], $0x80, s18, s24, $0xb8;
	[tilespmem:$0x1C000] =	vst v63  }
0x4e: {  	v30 =	vld [tilespmem:$0x180]  }
0x4f: {  	v31 =	vld [tilespmem:$0x190]  }
0x50: {  	v32 =	vld [tilespmem:$0x1A0]  }
0x51: {  	v33 =	vld [tilespmem:$0x1B0]  }
0x52: {  	v34 =	vld [tilespmem:$0x1C0]  }
0x53: {  	v35 =	vld [tilespmem:$0x1D0];
	v0 =	vshra.s32 v30, $0x3  }
0x54: {  	v37 =	vld [tilespmem:$0x1E0];
	v36 =	vshra.s32 v31, $0x3;
	[tilespmem:$0x2180] =	vst v0  }
0x55: {  	v39 =	vld [tilespmem:$0x1F0];
	v38 =	vshra.s32 v32, $0x3;
	[tilespmem:$0x2190] =	vst v36  }
0x56: {  	v40 =	vshra.s32 v33, $0x3;
	[tilespmem:$0x21A0] =	vst v38  }
0x57: {  	v41 =	vshra.s32 v34, $0x3;
	[tilespmem:$0x21B0] =	vst v40  }
0x58: {  	v42 =	vshra.s32 v35, $0x3;
	[tilespmem:$0x21C0] =	vst v41  }
0x59: {  	v43 =	vshra.s32 v37, $0x3;
	[tilespmem:$0x21D0] =	vst v42  }
0x5a: {  	v44 =	vshra.s32 v39, $0x3;
	[tilespmem:$0x21E0] =	vst v43  }
0x5b: {  	s19 =	simm.s32 $0x2180;
	[tilespmem:$0x21F0] =	vst v44  }
0x5c: {  	[tilespmem:s2], [sflag:$0x4] =	stream.indirect.gather [hbm4b:s1+s24], $0x80, s19, s24, $0xb8;
	[tilespmem:$0x1C000] =	vst v63  }
0x5d: {  	_ =	swait.ge [sflag:s25], $0x4000  }
0x5e: {  	[sflag:s25] =	ssyncset.done $0x0  }
0x5f: {  	[sflag:s25] =	ssyncadd.s32 $0xFFFFC000  }
0x60: {  	[hbm4b:s4+s3] =	stream.linear.scatter [tilespmem:s26], [sflag:$0x7], $0x4000, $0x38;
	[tilespmem:$0x1C000] =	vst v63  }
0x61: {  	v45 =	vld [tilespmem:$0x200]  }
0x62: {  	v46 =	vld [tilespmem:$0x210]  }
0x63: {  	v47 =	vld [tilespmem:$0x220]  }
0x64: {  	v48 =	vld [tilespmem:$0x230]  }
0x65: {  	v49 =	vld [tilespmem:$0x240]  }
0x66: {  	v50 =	vld [tilespmem:$0x250];
	v0 =	vshra.s32 v45, $0x3  }
0x67: {  	v52 =	vld [tilespmem:$0x260];
	v51 =	vshra.s32 v46, $0x3;
	[tilespmem:$0x2200] =	vst v0  }
0x68: {  	v54 =	vld [tilespmem:$0x270];
	v53 =	vshra.s32 v47, $0x3;
	[tilespmem:$0x2210] =	vst v51  }
0x69: {  	v55 =	vshra.s32 v48, $0x3;
	[tilespmem:$0x2220] =	vst v53  }
0x6a: {  	v56 =	vshra.s32 v49, $0x3;
	[tilespmem:$0x2230] =	vst v55  }
0x6b: {  	v57 =	vshra.s32 v50, $0x3;
	[tilespmem:$0x2240] =	vst v56  }
0x6c: {  	v58 =	vshra.s32 v52, $0x3;
	[tilespmem:$0x2250] =	vst v57  }
0x6d: {  	v59 =	vshra.s32 v54, $0x3;
	[tilespmem:$0x2260] =	vst v58  }
0x6e: {  	s22 =	simm.s32 $0x2200;
	[tilespmem:$0x2270] =	vst v59  }
0x6f: {  	[tilespmem:s30], [sflag:$0x5] =	stream.indirect.gather [hbm4b:s1+s24], $0x80, s22, s24, $0xb8;
	[tilespmem:$0x1C000] =	vst v63  }
0x70: {  	_ =	swait.ge [sflag:s0], $0x4000  }
0x71: {  	[sflag:s0] =	ssyncset.done $0x0  }
0x72: {  	s18 =	rddreg [dreg:$0x5];
	[sflag:s0] =	ssyncadd.s32 $0xFFFFC000  }
0x73: {  	[hbm4b:s18+s3] =	stream.linear.scatter [tilespmem:s29], [sflag:$0x8], $0x4000, $0x38;
	[tilespmem:$0x1C000] =	vst v63  }
0x74: {  	v60 =	vld [tilespmem:$0x280]  }
0x75: {  	v61 =	vld [tilespmem:$0x290]  }
0x76: {  	v62 =	vld [tilespmem:$0x2A0]  }
0x77: {  	v63 =	vld [tilespmem:$0x2B0]  }
0x78: {  	v8 =	vld [tilespmem:$0x2C0]  }
0x79: {  	v9 =	vld [tilespmem:$0x2D0];
	v0 =	vshra.s32 v60, $0x3  }
0x7a: {  	v11 =	vld [tilespmem:$0x2E0];
	v10 =	vshra.s32 v61, $0x3;
	[tilespmem:$0x2280] =	vst v0  }
0x7b: {  	v13 =	vld [tilespmem:$0x2F0];
	v12 =	vshra.s32 v62, $0x3;
	[tilespmem:$0x2290] =	vst v10  }
0x7c: {  	v14 =	vshra.s32 v63, $0x3;
	[tilespmem:$0x22A0] =	vst v12  }
0x7d: {  	v15 =	vshra.s32 v8, $0x3;
	[tilespmem:$0x22B0] =	vst v14  }
0x7e: {  	v16 =	vshra.s32 v9, $0x3;
	[tilespmem:$0x22C0] =	vst v15  }
0x7f: {  	v17 =	vshra.s32 v11, $0x3;
	[tilespmem:$0x22D0] =	vst v16  }
0x80: {  	v18 =	vshra.s32 v13, $0x3;
	[tilespmem:$0x22E0] =	vst v17  }
0x81: {  	s19 =	simm.s32 $0x2280;
	[tilespmem:$0x22F0] =	vst v18  }
0x82: {  	[tilespmem:s28], [sflag:$0x6] =	stream.indirect.gather [hbm4b:s1+s24], $0x80, s19, s24, $0xb8;
	[tilespmem:$0x1C000] =	vst v63  }
0x83: {  	_ =	swait.ge [sflag:s5], $0x4000  }
0x84: {  	[sflag:s5] =	ssyncset.done $0x0  }
0x85: {  	s22 =	rddreg [dreg:$0x6];
	[sflag:s5] =	ssyncadd.s32 $0xFFFFC000  }
0x86: {  	[hbm4b:s22+s3] =	stream.linear.scatter [tilespmem:s31], [sflag:$0x9], $0x4000, $0x38;
	[tilespmem:$0x1C000] =	vst v63  }
0x87: {  	_ =	swait.ge [sflag:s6], $0x4000  }
0x88: {  	[sflag:s6] =	ssyncset.done $0x0  }
0x89: {  	[sflag:s6] =	ssyncadd.s32 $0xFFFFC000  }
0x8a: {  	v19 =	vld [tilespmem:$0x300]  }
0x8b: {  	v20 =	vld [tilespmem:$0x310]  }
0x8c: {  	v21 =	vld [tilespmem:$0x320]  }
0x8d: {  	v22 =	vld [tilespmem:$0x330]  }
0x8e: {  	v23 =	vld [tilespmem:$0x340]  }
0x8f: {  	v24 =	vld [tilespmem:$0x350];
	v0 =	vshra.s32 v19, $0x3  }
0x90: {  	v26 =	vld [tilespmem:$0x360];
	v25 =	vshra.s32 v20, $0x3;
	[tilespmem:$0x2300] =	vst v0  }
0x91: {  	v28 =	vld [tilespmem:$0x370];
	v27 =	vshra.s32 v21, $0x3;
	[tilespmem:$0x2310] =	vst v25  }
0x92: {  	v29 =	vshra.s32 v22, $0x3;
	[tilespmem:$0x2320] =	vst v27  }
0x93: {  	v30 =	vshra.s32 v23, $0x3;
	[tilespmem:$0x2330] =	vst v29  }
0x94: {  	v31 =	vshra.s32 v24, $0x3;
	[tilespmem:$0x2340] =	vst v30  }
0x95: {  	v32 =	vshra.s32 v26, $0x3;
	[tilespmem:$0x2350] =	vst v31  }
0x96: {  	v33 =	vshra.s32 v28, $0x3;
	[tilespmem:$0x2360] =	vst v32  }
0x97: {  	s18 =	simm.s32 $0x2300;
	[tilespmem:$0x2370] =	vst v33  }
0x98: {  	[tilespmem:s26], [sflag:$0x1] =	stream.indirect.gather [hbm4b:s1+s24], $0x80, s18, s24, $0xb8;
	[tilespmem:$0x1C000] =	vst v63  }
0x99: {  	_ =	swait.ge [sflag:s7], $0x4000  }
0x9a: {  	[sflag:s7] =	ssyncset.done $0x0  }
0x9b: {  	s19 =	rddreg [dreg:$0x7];
	[sflag:s7] =	ssyncadd.s32 $0xFFFFC000  }
0x9c: {  	[hbm4b:s19+s3] =	stream.linear.scatter [tilespmem:s2], [sflag:$0xA], $0x4000, $0x38;
	[tilespmem:$0x1C000] =	vst v63  }
0x9d: {  	_ =	swait.ge [sflag:s8], $0x4000  }
0x9e: {  	[sflag:s8] =	ssyncset.done $0x0  }
0x9f: {  	[sflag:s8] =	ssyncadd.s32 $0xFFFFC000  }
0xa0: {  	v34 =	vld [tilespmem:$0x380]  }
0xa1: {  	v35 =	vld [tilespmem:$0x390]  }
0xa2: {  	v36 =	vld [tilespmem:$0x3A0]  }
0xa3: {  	v37 =	vld [tilespmem:$0x3B0]  }
0xa4: {  	v38 =	vld [tilespmem:$0x3C0]  }
0xa5: {  	v39 =	vld [tilespmem:$0x3D0];
	v0 =	vshra.s32 v34, $0x3  }
0xa6: {  	v41 =	vld [tilespmem:$0x3E0];
	v40 =	vshra.s32 v35, $0x3;
	[tilespmem:$0x2380] =	vst v0  }
0xa7: {  	v43 =	vld [tilespmem:$0x3F0];
	v42 =	vshra.s32 v36, $0x3;
	[tilespmem:$0x2390] =	vst v40  }
0xa8: {  	v44 =	vshra.s32 v37, $0x3;
	[tilespmem:$0x23A0] =	vst v42  }
0xa9: {  	v45 =	vshra.s32 v38, $0x3;
	[tilespmem:$0x23B0] =	vst v44  }
0xaa: {  	v46 =	vshra.s32 v39, $0x3;
	[tilespmem:$0x23C0] =	vst v45  }
0xab: {  	v47 =	vshra.s32 v41, $0x3;
	[tilespmem:$0x23D0] =	vst v46  }
0xac: {  	v48 =	vshra.s32 v43, $0x3;
	[tilespmem:$0x23E0] =	vst v47  }
0xad: {  	s22 =	simm.s32 $0x2380;
	[tilespmem:$0x23F0] =	vst v48  }
0xae: {  	[tilespmem:s29], [sflag:$0x2] =	stream.indirect.gather [hbm4b:s1+s24], $0x80, s22, s24, $0xb8;
	[tilespmem:$0x1C000] =	vst v63  }
0xaf: {  	_ =	swait.ge [sflag:s9], $0x4000  }
0xb0: {  	[sflag:s9] =	ssyncset.done $0x0  }
0xb1: {  	s18 =	rddreg [dreg:$0x8];
	[sflag:s9] =	ssyncadd.s32 $0xFFFFC000  }
0xb2: {  	[hbm4b:s18+s3] =	stream.linear.scatter [tilespmem:s30], [sflag:$0xB], $0x4000, $0x38;
	[tilespmem:$0x1C000] =	vst v63  }
0xb3: {  	_ =	swait.ge [sflag:s10], $0x4000  }
0xb4: {  	[sflag:s10] =	ssyncset.done $0x0  }
0xb5: {  	[sflag:s10] =	ssyncadd.s32 $0xFFFFC000  }
0xb6: {  	v49 =	vld [tilespmem:$0x400]  }
0xb7: {  	v50 =	vld [tilespmem:$0x410]  }
0xb8: {  	v51 =	vld [tilespmem:$0x420]  }
0xb9: {  	v52 =	vld [tilespmem:$0x430]  }
0xba: {  	v53 =	vld [tilespmem:$0x440]  }
0xbb: {  	v54 =	vld [tilespmem:$0x450];
	v0 =	vshra.s32 v49, $0x3  }
0xbc: {  	v56 =	vld [tilespmem:$0x460];
	v55 =	vshra.s32 v50, $0x3;
	[tilespmem:$0x2400] =	vst v0  }
0xbd: {  	v58 =	vld [tilespmem:$0x470];
	v57 =	vshra.s32 v51, $0x3;
	[tilespmem:$0x2410] =	vst v55  }
0xbe: {  	v59 =	vshra.s32 v52, $0x3;
	[tilespmem:$0x2420] =	vst v57  }
0xbf: {  	v60 =	vshra.s32 v53, $0x3;
	[tilespmem:$0x2430] =	vst v59  }
0xc0: {  	v61 =	vshra.s32 v54, $0x3;
	[tilespmem:$0x2440] =	vst v60  }
0xc1: {  	v62 =	vshra.s32 v56, $0x3;
	[tilespmem:$0x2450] =	vst v61  }
0xc2: {  	v63 =	vshra.s32 v58, $0x3;
	[tilespmem:$0x2460] =	vst v62  }
0xc3: {  	s19 =	simm.s32 $0x2400;
	[tilespmem:$0x2470] =	vst v63  }
0xc4: {  	[tilespmem:s31], [sflag:$0x3] =	stream.indirect.gather [hbm4b:s1+s24], $0x80, s19, s24, $0xb8;
	[tilespmem:$0x1C000] =	vst v63  }
0xc5: {  	_ =	swait.ge [sflag:s11], $0x4000  }
0xc6: {  	[sflag:s11] =	ssyncset.done $0x0  }
0xc7: {  	s22 =	rddreg [dreg:$0x9];
	[sflag:s11] =	ssyncadd.s32 $0xFFFFC000  }
0xc8: {  	[hbm4b:s22+s3] =	stream.linear.scatter [tilespmem:s28], [sflag:$0xC], $0x4000, $0x38;
	[tilespmem:$0x1C000] =	vst v63  }
0xc9: {  	s17 =	simm.s32 $0x0;
	s22 =	smov.u32 s16  }
.LBB2_2:
0xca: {  	_ =	swait.ge [sflag:s12], $0x4000  }
0xcb: {  	[sflag:s12] =	ssyncset.done $0x0  }
0xcc: {  	s18 =	sshra.s32 s17, $0x2;
	[sflag:s12] =	ssyncadd.s32 $0xFFFFC000  }
0xcd: {  	v0 =	vld [tilespmem:s18+$0x480]  }
0xce: {  	v1 =	vld [tilespmem:s18+$0x490]  }
0xcf: {  	v2 =	vld [tilespmem:s18+$0x4A0]  }
0xd0: {  	v3 =	vld [tilespmem:s18+$0x4B0]  }
0xd1: {  	v4 =	vld [tilespmem:s18+$0x4C0]  }
0xd2: {  	v5 =	vld [tilespmem:s18+$0x4D0];
	v0 =	vshra.s32 v0, $0x3  }
0xd3: {  	v37 =	vld [tilespmem:s18+$0x4E0];
	v36 =	vshra.s32 v1, $0x3;
	[tilespmem:s18+$0x2480] =	vst v0  }
0xd4: {  	v39 =	vld [tilespmem:s18+$0x4F0];
	v38 =	vshra.s32 v2, $0x3;
	[tilespmem:s18+$0x2490] =	vst v36  }
0xd5: {  	v40 =	vshra.s32 v3, $0x3;
	[tilespmem:s18+$0x24A0] =	vst v38  }
0xd6: {  	v41 =	vshra.s32 v4, $0x3;
	[tilespmem:s18+$0x24B0] =	vst v40  }
0xd7: {  	v42 =	vshra.s32 v5, $0x3;
	[tilespmem:s18+$0x24C0] =	vst v41  }
0xd8: {  	v43 =	vshra.s32 v37, $0x3;
	[tilespmem:s18+$0x24D0] =	vst v42  }
0xd9: {  	v44 =	vshra.s32 v39, $0x3;
	[tilespmem:s18+$0x24E0] =	vst v43  }
0xda: {  	s19 =	sadd.s32 $0x2480, s18;
	[tilespmem:s18+$0x24F0] =	vst v44  }
0xdb: {  	[tilespmem:s2], [sflag:$0x4] =	stream.indirect.gather [hbm4b:s1+s24], $0x80, s19, s24, $0xb8;
	[tilespmem:$0x1C000] =	vst v63  }
0xdc: {  	_ =	swait.ge [sflag:s25], $0x4000  }
0xdd: {  	[sflag:s25] =	ssyncset.done $0x0  }
0xde: {  	s19 =	sadd.s32 $0xFFFFD800, s22;
	[sflag:s25] =	ssyncadd.s32 $0xFFFFC000  }
0xdf: {  	[hbm4b:s19+s3] =	stream.linear.scatter [tilespmem:s26], [sflag:$0x7], $0x4000, $0x38;
	[tilespmem:$0x1C000] =	vst v63  }
0xe0: {  	_ =	swait.ge [sflag:s13], $0x4000  }
0xe1: {  	[sflag:s13] =	ssyncset.done $0x0  }
0xe2: {  	[sflag:s13] =	ssyncadd.s32 $0xFFFFC000  }
0xe3: {  	v45 =	vld [tilespmem:s18+$0x500]  }
0xe4: {  	v46 =	vld [tilespmem:s18+$0x510]  }
0xe5: {  	v47 =	vld [tilespmem:s18+$0x520]  }
0xe6: {  	v48 =	vld [tilespmem:s18+$0x530]  }
0xe7: {  	v49 =	vld [tilespmem:s18+$0x540]  }
0xe8: {  	v50 =	vld [tilespmem:s18+$0x550];
	v0 =	vshra.s32 v45, $0x3  }
0xe9: {  	v52 =	vld [tilespmem:s18+$0x560];
	v51 =	vshra.s32 v46, $0x3;
	[tilespmem:s18+$0x2500] =	vst v0  }
0xea: {  	v54 =	vld [tilespmem:s18+$0x570];
	v53 =	vshra.s32 v47, $0x3;
	[tilespmem:s18+$0x2510] =	vst v51  }
0xeb: {  	v55 =	vshra.s32 v48, $0x3;
	[tilespmem:s18+$0x2520] =	vst v53  }
0xec: {  	v56 =	vshra.s32 v49, $0x3;
	[tilespmem:s18+$0x2530] =	vst v55  }
0xed: {  	v57 =	vshra.s32 v50, $0x3;
	[tilespmem:s18+$0x2540] =	vst v56  }
0xee: {  	v58 =	vshra.s32 v52, $0x3;
	[tilespmem:s18+$0x2550] =	vst v57  }
0xef: {  	v59 =	vshra.s32 v54, $0x3;
	[tilespmem:s18+$0x2560] =	vst v58  }
0xf0: {  	s19 =	sadd.s32 $0x2500, s18;
	[tilespmem:s18+$0x2570] =	vst v59  }
0xf1: {  	[tilespmem:s30], [sflag:$0x5] =	stream.indirect.gather [hbm4b:s1+s24], $0x80, s19, s24, $0xb8;
	[tilespmem:$0x1C000] =	vst v63  }
0xf2: {  	_ =	swait.ge [sflag:s0], $0x4000  }
0xf3: {  	[sflag:s0] =	ssyncset.done $0x0  }
0xf4: {  	s19 =	sadd.s32 $0xFFFFE000, s22;
	[sflag:s0] =	ssyncadd.s32 $0xFFFFC000  }
0xf5: {  	[hbm4b:s19+s3] =	stream.linear.scatter [tilespmem:s29], [sflag:$0x8], $0x4000, $0x38;
	[tilespmem:$0x1C000] =	vst v63  }
0xf6: {  	_ =	swait.ge [sflag:s14], $0x4000  }
0xf7: {  	[sflag:s14] =	ssyncset.done $0x0  }
0xf8: {  	[sflag:s14] =	ssyncadd.s32 $0xFFFFC000  }
0xf9: {  	v60 =	vld [tilespmem:s18+$0x580]  }
0xfa: {  	v61 =	vld [tilespmem:s18+$0x590]  }
0xfb: {  	v62 =	vld [tilespmem:s18+$0x5A0]  }
0xfc: {  	v63 =	vld [tilespmem:s18+$0x5B0]  }
0xfd: {  	v8 =	vld [tilespmem:s18+$0x5C0]  }
0xfe: {  	v9 =	vld [tilespmem:s18+$0x5D0];
	v0 =	vshra.s32 v60, $0x3  }
0xff: {  	v11 =	vld [tilespmem:s18+$0x5E0];
	v10 =	vshra.s32 v61, $0x3;
	[tilespmem:s18+$0x2580] =	vst v0  }
0x100: {  	v13 =	vld [tilespmem:s18+$0x5F0];
	v12 =	vshra.s32 v62, $0x3;
	[tilespmem:s18+$0x2590] =	vst v10  }
0x101: {  	v14 =	vshra.s32 v63, $0x3;
	[tilespmem:s18+$0x25A0] =	vst v12  }
0x102: {  	v15 =	vshra.s32 v8, $0x3;
	[tilespmem:s18+$0x25B0] =	vst v14  }
0x103: {  	v16 =	vshra.s32 v9, $0x3;
	[tilespmem:s18+$0x25C0] =	vst v15  }
0x104: {  	v17 =	vshra.s32 v11, $0x3;
	[tilespmem:s18+$0x25D0] =	vst v16  }
0x105: {  	v18 =	vshra.s32 v13, $0x3;
	[tilespmem:s18+$0x25E0] =	vst v17  }
0x106: {  	s19 =	sadd.s32 $0x2580, s18;
	[tilespmem:s18+$0x25F0] =	vst v18  }
0x107: {  	[tilespmem:s28], [sflag:$0x6] =	stream.indirect.gather [hbm4b:s1+s24], $0x80, s19, s24, $0xb8;
	[tilespmem:$0x1C000] =	vst v63  }
0x108: {  	_ =	swait.ge [sflag:s5], $0x4000  }
0x109: {  	[sflag:s5] =	ssyncset.done $0x0  }
0x10a: {  	s19 =	sadd.s32 $0xFFFFE800, s22;
	[sflag:s5] =	ssyncadd.s32 $0xFFFFC000  }
0x10b: {  	[hbm4b:s19+s3] =	stream.linear.scatter [tilespmem:s31], [sflag:$0x9], $0x4000, $0x38;
	[tilespmem:$0x1C000] =	vst v63  }
0x10c: {  	_ =	swait.ge [sflag:s6], $0x4000  }
0x10d: {  	[sflag:s6] =	ssyncset.done $0x0  }
0x10e: {  	[sflag:s6] =	ssyncadd.s32 $0xFFFFC000  }
0x10f: {  	v19 =	vld [tilespmem:s18+$0x600]  }
0x110: {  	v20 =	vld [tilespmem:s18+$0x610]  }
0x111: {  	v21 =	vld [tilespmem:s18+$0x620]  }
0x112: {  	v22 =	vld [tilespmem:s18+$0x630]  }
0x113: {  	v23 =	vld [tilespmem:s18+$0x640]  }
0x114: {  	v24 =	vld [tilespmem:s18+$0x650];
	v0 =	vshra.s32 v19, $0x3  }
0x115: {  	v26 =	vld [tilespmem:s18+$0x660];
	v25 =	vshra.s32 v20, $0x3;
	[tilespmem:s18+$0x2600] =	vst v0  }
0x116: {  	v28 =	vld [tilespmem:s18+$0x670];
	v27 =	vshra.s32 v21, $0x3;
	[tilespmem:s18+$0x2610] =	vst v25  }
0x117: {  	v29 =	vshra.s32 v22, $0x3;
	[tilespmem:s18+$0x2620] =	vst v27  }
0x118: {  	v30 =	vshra.s32 v23, $0x3;
	[tilespmem:s18+$0x2630] =	vst v29  }
0x119: {  	v31 =	vshra.s32 v24, $0x3;
	[tilespmem:s18+$0x2640] =	vst v30  }
0x11a: {  	v32 =	vshra.s32 v26, $0x3;
	[tilespmem:s18+$0x2650] =	vst v31  }
0x11b: {  	v33 =	vshra.s32 v28, $0x3;
	[tilespmem:s18+$0x2660] =	vst v32  }
0x11c: {  	s19 =	sadd.s32 $0x2600, s18;
	[tilespmem:s18+$0x2670] =	vst v33  }
0x11d: {  	[tilespmem:s26], [sflag:$0x1] =	stream.indirect.gather [hbm4b:s1+s24], $0x80, s19, s24, $0xb8;
	[tilespmem:$0x1C000] =	vst v63  }
0x11e: {  	_ =	swait.ge [sflag:s7], $0x4000  }
0x11f: {  	[sflag:s7] =	ssyncset.done $0x0  }
0x120: {  	s19 =	sadd.s32 $0xFFFFF000, s22;
	[sflag:s7] =	ssyncadd.s32 $0xFFFFC000  }
0x121: {  	[hbm4b:s19+s3] =	stream.linear.scatter [tilespmem:s2], [sflag:$0xA], $0x4000, $0x38;
	[tilespmem:$0x1C000] =	vst v63  }
0x122: {  	_ =	swait.ge [sflag:s8], $0x4000  }
0x123: {  	[sflag:s8] =	ssyncset.done $0x0  }
0x124: {  	[sflag:s8] =	ssyncadd.s32 $0xFFFFC000  }
0x125: {  	v34 =	vld [tilespmem:s18+$0x680]  }
0x126: {  	v35 =	vld [tilespmem:s18+$0x690]  }
0x127: {  	v36 =	vld [tilespmem:s18+$0x6A0]  }
0x128: {  	v37 =	vld [tilespmem:s18+$0x6B0]  }
0x129: {  	v38 =	vld [tilespmem:s18+$0x6C0]  }
0x12a: {  	v39 =	vld [tilespmem:s18+$0x6D0];
	v0 =	vshra.s32 v34, $0x3  }
0x12b: {  	v41 =	vld [tilespmem:s18+$0x6E0];
	v40 =	vshra.s32 v35, $0x3;
	[tilespmem:s18+$0x2680] =	vst v0  }
0x12c: {  	v43 =	vld [tilespmem:s18+$0x6F0];
	v42 =	vshra.s32 v36, $0x3;
	[tilespmem:s18+$0x2690] =	vst v40  }
0x12d: {  	v44 =	vshra.s32 v37, $0x3;
	[tilespmem:s18+$0x26A0] =	vst v42  }
0x12e: {  	v45 =	vshra.s32 v38, $0x3;
	[tilespmem:s18+$0x26B0] =	vst v44  }
0x12f: {  	v46 =	vshra.s32 v39, $0x3;
	[tilespmem:s18+$0x26C0] =	vst v45  }
0x130: {  	v47 =	vshra.s32 v41, $0x3;
	[tilespmem:s18+$0x26D0] =	vst v46  }
0x131: {  	v48 =	vshra.s32 v43, $0x3;
	[tilespmem:s18+$0x26E0] =	vst v47  }
0x132: {  	s19 =	sadd.s32 $0x2680, s18;
	[tilespmem:s18+$0x26F0] =	vst v48  }
0x133: {  	[tilespmem:s29], [sflag:$0x2] =	stream.indirect.gather [hbm4b:s1+s24], $0x80, s19, s24, $0xb8;
	[tilespmem:$0x1C000] =	vst v63  }
0x134: {  	_ =	swait.ge [sflag:s9], $0x4000  }
0x135: {  	[sflag:s9] =	ssyncset.done $0x0  }
0x136: {  	s19 =	sadd.s32 $0xFFFFF800, s22;
	[sflag:s9] =	ssyncadd.s32 $0xFFFFC000  }
0x137: {  	[hbm4b:s19+s3] =	stream.linear.scatter [tilespmem:s30], [sflag:$0xB], $0x4000, $0x38;
	[tilespmem:$0x1C000] =	vst v63  }
0x138: {  	_ =	swait.ge [sflag:s10], $0x4000  }
0x139: {  	[sflag:s10] =	ssyncset.done $0x0  }
0x13a: {  	[sflag:s10] =	ssyncadd.s32 $0xFFFFC000  }
0x13b: {  	v49 =	vld [tilespmem:s18+$0x700]  }
0x13c: {  	v50 =	vld [tilespmem:s18+$0x710]  }
0x13d: {  	v51 =	vld [tilespmem:s18+$0x720]  }
0x13e: {  	v52 =	vld [tilespmem:s18+$0x730]  }
0x13f: {  	v53 =	vld [tilespmem:s18+$0x740]  }
0x140: {  	v54 =	vld [tilespmem:s18+$0x750];
	v0 =	vshra.s32 v49, $0x3  }
0x141: {  	v56 =	vld [tilespmem:s18+$0x760];
	v55 =	vshra.s32 v50, $0x3;
	[tilespmem:s18+$0x2700] =	vst v0  }
0x142: {  	v58 =	vld [tilespmem:s18+$0x770];
	v57 =	vshra.s32 v51, $0x3;
	[tilespmem:s18+$0x2710] =	vst v55  }
0x143: {  	v59 =	vshra.s32 v52, $0x3;
	[tilespmem:s18+$0x2720] =	vst v57  }
0x144: {  	v60 =	vshra.s32 v53, $0x3;
	[tilespmem:s18+$0x2730] =	vst v59  }
0x145: {  	v61 =	vshra.s32 v54, $0x3;
	[tilespmem:s18+$0x2740] =	vst v60  }
0x146: {  	v62 =	vshra.s32 v56, $0x3;
	[tilespmem:s18+$0x2750] =	vst v61  }
0x147: {  	v63 =	vshra.s32 v58, $0x3;
	[tilespmem:s18+$0x2760] =	vst v62  }
0x148: {  	p0 =	sne.s32 s17, $0x5400;
	s19 =	sadd.s32 $0x2700, s18;
	[tilespmem:s18+$0x2770] =	vst v63  }
0x149: {  	[tilespmem:s31], [sflag:$0x3] =	stream.indirect.gather [hbm4b:s1+s24], $0x80, s19, s24, $0xb8;
	[tilespmem:$0x1C000] =	vst v63  }
.Ltmp0:
0x14a: {  	_ =	swait.ge [sflag:s11], $0x4000;
	(pc) =	sbr.rel @p0 .LBB2_2-.Ltmp0, $4  }
0x14b: {  	[sflag:s11] =	ssyncset.done $0x0  }
0x14c: {  	[sflag:s11] =	ssyncadd.s32 $0xFFFFC000  }
0x14d: {  	[hbm4b:s22+s3] =	stream.linear.scatter [tilespmem:s28], [sflag:$0xC], $0x4000, $0x38;
	[tilespmem:$0x1C000] =	vst v63  }
0x14e: {  	s17 =	sadd.s32 $0xC00, s17;
	s22 =	sadd.s32 $0x3000, s22  }
0x14f: {  	_ =	swait.ge [sflag:s12], $0x4000  }
0x150: {  	[sflag:s12] =	ssyncset.done $0x0  }
0x151: {  	[sflag:s12] =	ssyncadd.s32 $0xFFFFC000  }
0x152: {  	v0 =	vld [tilespmem:$0x1C80]  }
0x153: {  	v1 =	vld [tilespmem:$0x1C90]  }
0x154: {  	v2 =	vld [tilespmem:$0x1CA0]  }
0x155: {  	v3 =	vld [tilespmem:$0x1CB0]  }
0x156: {  	v4 =	vld [tilespmem:$0x1CC0]  }
0x157: {  	v5 =	vld [tilespmem:$0x1CD0];
	v0 =	vshra.s32 v0, $0x3  }
0x158: {  	v22 =	vld [tilespmem:$0x1CE0];
	v21 =	vshra.s32 v1, $0x3;
	[tilespmem:$0x3C80] =	vst v0  }
0x159: {  	v24 =	vld [tilespmem:$0x1CF0];
	v23 =	vshra.s32 v2, $0x3;
	[tilespmem:$0x3C90] =	vst v21  }
0x15a: {  	v25 =	vshra.s32 v3, $0x3;
	[tilespmem:$0x3CA0] =	vst v23  }
0x15b: {  	v26 =	vshra.s32 v4, $0x3;
	[tilespmem:$0x3CB0] =	vst v25  }
0x15c: {  	v27 =	vshra.s32 v5, $0x3;
	[tilespmem:$0x3CC0] =	vst v26  }
0x15d: {  	v28 =	vshra.s32 v22, $0x3;
	[tilespmem:$0x3CD0] =	vst v27  }
0x15e: {  	v29 =	vshra.s32 v24, $0x3;
	[tilespmem:$0x3CE0] =	vst v28  }
0x15f: {  	s17 =	simm.s32 $0x3C80;
	[tilespmem:$0x3CF0] =	vst v29  }
0x160: {  	[tilespmem:s2], [sflag:$0x4] =	stream.indirect.gather [hbm4b:s1+s24], $0x80, s17, s24, $0xb8;
	[tilespmem:$0x1C000] =	vst v63  }
0x161: {  	_ =	swait.ge [sflag:s25], $0x4000  }
0x162: {  	[sflag:s25] =	ssyncset.done $0x0  }
0x163: {  	s18 =	rddreg [dreg:$0xa];
	[sflag:s25] =	ssyncadd.s32 $0xFFFFC000  }
0x164: {  	[hbm4b:s18+s3] =	stream.linear.scatter [tilespmem:s26], [sflag:$0x7], $0x4000, $0x38;
	[tilespmem:$0x1C000] =	vst v63  }
0x165: {  	_ =	swait.ge [sflag:s13], $0x4000  }
0x166: {  	[sflag:s13] =	ssyncset.done $0x0  }
0x167: {  	[sflag:s13] =	ssyncadd.s32 $0xFFFFC000  }
0x168: {  	v30 =	vld [tilespmem:$0x1D00]  }
0x169: {  	v31 =	vld [tilespmem:$0x1D10]  }
0x16a: {  	v32 =	vld [tilespmem:$0x1D20]  }
0x16b: {  	v33 =	vld [tilespmem:$0x1D30]  }
0x16c: {  	v34 =	vld [tilespmem:$0x1D40]  }
0x16d: {  	v35 =	vld [tilespmem:$0x1D50];
	v0 =	vshra.s32 v30, $0x3  }
0x16e: {  	v37 =	vld [tilespmem:$0x1D60];
	v36 =	vshra.s32 v31, $0x3;
	[tilespmem:$0x3D00] =	vst v0  }
0x16f: {  	v39 =	vld [tilespmem:$0x1D70];
	v38 =	vshra.s32 v32, $0x3;
	[tilespmem:$0x3D10] =	vst v36  }
0x170: {  	v40 =	vshra.s32 v33, $0x3;
	[tilespmem:$0x3D20] =	vst v38  }
0x171: {  	v41 =	vshra.s32 v34, $0x3;
	[tilespmem:$0x3D30] =	vst v40  }
0x172: {  	v42 =	vshra.s32 v35, $0x3;
	[tilespmem:$0x3D40] =	vst v41  }
0x173: {  	v43 =	vshra.s32 v37, $0x3;
	[tilespmem:$0x3D50] =	vst v42  }
0x174: {  	v44 =	vshra.s32 v39, $0x3;
	[tilespmem:$0x3D60] =	vst v43  }
0x175: {  	s19 =	simm.s32 $0x3D00;
	[tilespmem:$0x3D70] =	vst v44  }
0x176: {  	[tilespmem:s30], [sflag:$0x5] =	stream.indirect.gather [hbm4b:s1+s24], $0x80, s19, s24, $0xb8;
	[tilespmem:$0x1C000] =	vst v63  }
0x177: {  	_ =	swait.ge [sflag:s0], $0x4000  }
0x178: {  	[sflag:s0] =	ssyncset.done $0x0  }
0x179: {  	s22 =	rddreg [dreg:$0xb];
	[sflag:s0] =	ssyncadd.s32 $0xFFFFC000  }
0x17a: {  	[hbm4b:s22+s3] =	stream.linear.scatter [tilespmem:s29], [sflag:$0x8], $0x4000, $0x38;
	[tilespmem:$0x1C000] =	vst v63  }
0x17b: {  	_ =	swait.ge [sflag:s14], $0x4000  }
0x17c: {  	[sflag:s14] =	ssyncset.done $0x0  }
0x17d: {  	[sflag:s14] =	ssyncadd.s32 $0xFFFFC000  }
0x17e: {  	v45 =	vld [tilespmem:$0x1D80]  }
0x17f: {  	v46 =	vld [tilespmem:$0x1D90]  }
0x180: {  	v47 =	vld [tilespmem:$0x1DA0]  }
0x181: {  	v48 =	vld [tilespmem:$0x1DB0]  }
0x182: {  	v49 =	vld [tilespmem:$0x1DC0]  }
0x183: {  	v50 =	vld [tilespmem:$0x1DD0];
	v0 =	vshra.s32 v45, $0x3  }
0x184: {  	v52 =	vld [tilespmem:$0x1DE0];
	v51 =	vshra.s32 v46, $0x3;
	[tilespmem:$0x3D80] =	vst v0  }
0x185: {  	v54 =	vld [tilespmem:$0x1DF0];
	v53 =	vshra.s32 v47, $0x3;
	[tilespmem:$0x3D90] =	vst v51  }
0x186: {  	v55 =	vshra.s32 v48, $0x3;
	[tilespmem:$0x3DA0] =	vst v53  }
0x187: {  	v56 =	vshra.s32 v49, $0x3;
	[tilespmem:$0x3DB0] =	vst v55  }
0x188: {  	v57 =	vshra.s32 v50, $0x3;
	[tilespmem:$0x3DC0] =	vst v56  }
0x189: {  	v58 =	vshra.s32 v52, $0x3;
	[tilespmem:$0x3DD0] =	vst v57  }
0x18a: {  	v59 =	vshra.s32 v54, $0x3;
	[tilespmem:$0x3DE0] =	vst v58  }
0x18b: {  	s18 =	simm.s32 $0x3D80;
	[tilespmem:$0x3DF0] =	vst v59  }
0x18c: {  	[tilespmem:s28], [sflag:$0x6] =	stream.indirect.gather [hbm4b:s1+s24], $0x80, s18, s24, $0xb8;
	[tilespmem:$0x1C000] =	vst v63  }
0x18d: {  	_ =	swait.ge [sflag:s5], $0x4000  }
0x18e: {  	[sflag:s5] =	ssyncset.done $0x0  }
0x18f: {  	s19 =	rddreg [dreg:$0xc];
	[sflag:s5] =	ssyncadd.s32 $0xFFFFC000  }
0x190: {  	[hbm4b:s19+s3] =	stream.linear.scatter [tilespmem:s31], [sflag:$0x9], $0x4000, $0x38;
	[tilespmem:$0x1C000] =	vst v63  }
0x191: {  	_ =	swait.ge [sflag:s6], $0x4000  }
0x192: {  	[sflag:s6] =	ssyncset.done $0x0  }
0x193: {  	[sflag:s6] =	ssyncadd.s32 $0xFFFFC000  }
0x194: {  	v60 =	vld [tilespmem:$0x1E00]  }
0x195: {  	v61 =	vld [tilespmem:$0x1E10]  }
0x196: {  	v62 =	vld [tilespmem:$0x1E20]  }
0x197: {  	v63 =	vld [tilespmem:$0x1E30]  }
0x198: {  	v8 =	vld [tilespmem:$0x1E40]  }
0x199: {  	v9 =	vld [tilespmem:$0x1E50];
	v0 =	vshra.s32 v60, $0x3  }
0x19a: {  	v11 =	vld [tilespmem:$0x1E60];
	v10 =	vshra.s32 v61, $0x3;
	[tilespmem:$0x3E00] =	vst v0  }
0x19b: {  	v13 =	vld [tilespmem:$0x1E70];
	v12 =	vshra.s32 v62, $0x3;
	[tilespmem:$0x3E10] =	vst v10  }
0x19c: {  	v14 =	vshra.s32 v63, $0x3;
	[tilespmem:$0x3E20] =	vst v12  }
0x19d: {  	v15 =	vshra.s32 v8, $0x3;
	[tilespmem:$0x3E30] =	vst v14  }
0x19e: {  	v16 =	vshra.s32 v9, $0x3;
	[tilespmem:$0x3E40] =	vst v15  }
0x19f: {  	v17 =	vshra.s32 v11, $0x3;
	[tilespmem:$0x3E50] =	vst v16  }
0x1a0: {  	v18 =	vshra.s32 v13, $0x3;
	[tilespmem:$0x3E60] =	vst v17  }
0x1a1: {  	s22 =	simm.s32 $0x3E00;
	[tilespmem:$0x3E70] =	vst v18  }
0x1a2: {  	[tilespmem:s26], [sflag:$0x1] =	stream.indirect.gather [hbm4b:s1+s24], $0x80, s22, s24, $0xb8;
	[tilespmem:$0x1C000] =	vst v63  }
0x1a3: {  	_ =	swait.ge [sflag:s7], $0x4000  }
0x1a4: {  	[sflag:s7] =	ssyncset.done $0x0  }
0x1a5: {  	s18 =	rddreg [dreg:$0xd];
	[sflag:s7] =	ssyncadd.s32 $0xFFFFC000  }
0x1a6: {  	[hbm4b:s18+s3] =	stream.linear.scatter [tilespmem:s2], [sflag:$0xA], $0x4000, $0x38;
	[tilespmem:$0x1C000] =	vst v63  }
0x1a7: {  	_ =	swait.ge [sflag:s8], $0x4000  }
0x1a8: {  	[sflag:s8] =	ssyncset.done $0x0  }
0x1a9: {  	[sflag:s8] =	ssyncadd.s32 $0xFFFFC000  }
0x1aa: {  	v19 =	vld [tilespmem:$0x1E80]  }
0x1ab: {  	v20 =	vld [tilespmem:$0x1E90]  }
0x1ac: {  	v21 =	vld [tilespmem:$0x1EA0]  }
0x1ad: {  	v22 =	vld [tilespmem:$0x1EB0]  }
0x1ae: {  	v23 =	vld [tilespmem:$0x1EC0]  }
0x1af: {  	v24 =	vld [tilespmem:$0x1ED0];
	v0 =	vshra.s32 v19, $0x3  }
0x1b0: {  	v26 =	vld [tilespmem:$0x1EE0];
	v25 =	vshra.s32 v20, $0x3;
	[tilespmem:$0x3E80] =	vst v0  }
0x1b1: {  	v28 =	vld [tilespmem:$0x1EF0];
	v27 =	vshra.s32 v21, $0x3;
	[tilespmem:$0x3E90] =	vst v25  }
0x1b2: {  	v29 =	vshra.s32 v22, $0x3;
	[tilespmem:$0x3EA0] =	vst v27  }
0x1b3: {  	v30 =	vshra.s32 v23, $0x3;
	[tilespmem:$0x3EB0] =	vst v29  }
0x1b4: {  	v31 =	vshra.s32 v24, $0x3;
	[tilespmem:$0x3EC0] =	vst v30  }
0x1b5: {  	v32 =	vshra.s32 v26, $0x3;
	[tilespmem:$0x3ED0] =	vst v31  }
0x1b6: {  	v33 =	vshra.s32 v28, $0x3;
	[tilespmem:$0x3EE0] =	vst v32  }
0x1b7: {  	s19 =	simm.s32 $0x3E80;
	[tilespmem:$0x3EF0] =	vst v33  }
0x1b8: {  	[tilespmem:s29], [sflag:$0x2] =	stream.indirect.gather [hbm4b:s1+s24], $0x80, s19, s24, $0xb8;
	[tilespmem:$0x1C000] =	vst v63  }
0x1b9: {  	_ =	swait.ge [sflag:s9], $0x4000  }
0x1ba: {  	[sflag:s9] =	ssyncset.done $0x0  }
0x1bb: {  	s22 =	rddreg [dreg:$0xe];
	[sflag:s9] =	ssyncadd.s32 $0xFFFFC000  }
0x1bc: {  	[hbm4b:s22+s3] =	stream.linear.scatter [tilespmem:s30], [sflag:$0xB], $0x4000, $0x38;
	[tilespmem:$0x1C000] =	vst v63  }
0x1bd: {  	_ =	swait.ge [sflag:s10], $0x4000  }
0x1be: {  	[sflag:s10] =	ssyncset.done $0x0  }
0x1bf: {  	[sflag:s10] =	ssyncadd.s32 $0xFFFFC000  }
0x1c0: {  	v34 =	vld [tilespmem:$0x1F00]  }
0x1c1: {  	v35 =	vld [tilespmem:$0x1F10]  }
0x1c2: {  	v36 =	vld [tilespmem:$0x1F20]  }
0x1c3: {  	v37 =	vld [tilespmem:$0x1F30]  }
0x1c4: {  	v38 =	vld [tilespmem:$0x1F40]  }
0x1c5: {  	v39 =	vld [tilespmem:$0x1F50];
	v0 =	vshra.s32 v34, $0x3  }
0x1c6: {  	v41 =	vld [tilespmem:$0x1F60];
	v40 =	vshra.s32 v35, $0x3;
	[tilespmem:$0x3F00] =	vst v0  }
0x1c7: {  	v43 =	vld [tilespmem:$0x1F70];
	v42 =	vshra.s32 v36, $0x3;
	[tilespmem:$0x3F10] =	vst v40  }
0x1c8: {  	v44 =	vshra.s32 v37, $0x3;
	[tilespmem:$0x3F20] =	vst v42  }
0x1c9: {  	v45 =	vshra.s32 v38, $0x3;
	[tilespmem:$0x3F30] =	vst v44  }
0x1ca: {  	v46 =	vshra.s32 v39, $0x3;
	[tilespmem:$0x3F40] =	vst v45  }
0x1cb: {  	v47 =	vshra.s32 v41, $0x3;
	[tilespmem:$0x3F50] =	vst v46  }
0x1cc: {  	v48 =	vshra.s32 v43, $0x3;
	[tilespmem:$0x3F60] =	vst v47  }
0x1cd: {  	s18 =	simm.s32 $0x3F00;
	[tilespmem:$0x3F70] =	vst v48  }
0x1ce: {  	[tilespmem:s31], [sflag:$0x3] =	stream.indirect.gather [hbm4b:s1+s24], $0x80, s18, s24, $0xb8;
	[tilespmem:$0x1C000] =	vst v63  }
0x1cf: {  	_ =	swait.ge [sflag:s11], $0x4000  }
0x1d0: {  	[sflag:s11] =	ssyncset.done $0x0  }
0x1d1: {  	s19 =	rddreg [dreg:$0xf];
	[sflag:s11] =	ssyncadd.s32 $0xFFFFC000  }
0x1d2: {  	[hbm4b:s19+s3] =	stream.linear.scatter [tilespmem:s28], [sflag:$0xC], $0x4000, $0x38;
	[tilespmem:$0x1C000] =	vst v63  }
0x1d3: {  	_ =	swait.ge [sflag:s12], $0x4000  }
0x1d4: {  	[sflag:s12] =	ssyncset.done $0x0  }
0x1d5: {  	[sflag:s12] =	ssyncadd.s32 $0xFFFFC000  }
0x1d6: {  	v49 =	vld [tilespmem:$0x1F80]  }
0x1d7: {  	v50 =	vld [tilespmem:$0x1F90]  }
0x1d8: {  	v51 =	vld [tilespmem:$0x1FA0]  }
0x1d9: {  	v52 =	vld [tilespmem:$0x1FB0]  }
0x1da: {  	v53 =	vld [tilespmem:$0x1FC0]  }
0x1db: {  	v54 =	vld [tilespmem:$0x1FD0];
	v0 =	vshra.s32 v49, $0x3  }
0x1dc: {  	v56 =	vld [tilespmem:$0x1FE0];
	v55 =	vshra.s32 v50, $0x3;
	[tilespmem:$0x3F80] =	vst v0  }
0x1dd: {  	v58 =	vld [tilespmem:$0x1FF0];
	v57 =	vshra.s32 v51, $0x3;
	[tilespmem:$0x3F90] =	vst v55  }
0x1de: {  	v59 =	vshra.s32 v52, $0x3;
	[tilespmem:$0x3FA0] =	vst v57  }
0x1df: {  	v60 =	vshra.s32 v53, $0x3;
	[tilespmem:$0x3FB0] =	vst v59  }
0x1e0: {  	v61 =	vshra.s32 v54, $0x3;
	[tilespmem:$0x3FC0] =	vst v60  }
0x1e1: {  	v62 =	vshra.s32 v56, $0x3;
	[tilespmem:$0x3FD0] =	vst v61  }
0x1e2: {  	v63 =	vshra.s32 v58, $0x3;
	[tilespmem:$0x3FE0] =	vst v62  }
0x1e3: {  	s22 =	simm.s32 $0x3F80;
	[tilespmem:$0x3FF0] =	vst v63  }
0x1e4: {  	[tilespmem:s2], [sflag:$0x4] =	stream.indirect.gather [hbm4b:s1+s24], $0x80, s22, s24, $0xb8;
	[tilespmem:$0x1C000] =	vst v63  }
0x1e5: {  	_ =	swait.ge [sflag:s25], $0x4000  }
0x1e6: {  	[sflag:s25] =	ssyncset.done $0x0  }
0x1e7: {  	s18 =	rddreg [dreg:$0x10];
	[sflag:s25] =	ssyncadd.s32 $0xFFFFC000  }
0x1e8: {  	[hbm4b:s18+s3] =	stream.linear.scatter [tilespmem:s26], [sflag:$0x7], $0x4000, $0x38;
	[tilespmem:$0x1C000] =	vst v63  }
0x1e9: {  	_ =	swait.ge [sflag:s13], $0x4000  }
0x1ea: {  	[sflag:s13] =	ssyncset.done $0x0  }
0x1eb: {  	[sflag:s13] =	ssyncadd.s32 $0xFFFFC000  }
0x1ec: {  	_ =	swait.ge [sflag:s0], $0x4000  }
0x1ed: {  	[sflag:s0] =	ssyncset.done $0x0  }
0x1ee: {  	s19 =	rddreg [dreg:$0x11];
	[sflag:s0] =	ssyncadd.s32 $0xFFFFC000  }
0x1ef: {  	[hbm4b:s19+s3] =	stream.linear.scatter [tilespmem:s29], [sflag:$0x8], $0x4000, $0x38;
	[tilespmem:$0x1C000] =	vst v63  }
0x1f0: {  	_ =	swait.ge [sflag:s14], $0x4000  }
0x1f1: {  	[sflag:s14] =	ssyncset.done $0x0  }
0x1f2: {  	[sflag:s14] =	ssyncadd.s32 $0xFFFFC000  }
0x1f3: {  	_ =	swait.ge [sflag:s5], $0x4000  }
0x1f4: {  	[sflag:s5] =	ssyncset.done $0x0  }
0x1f5: {  	s22 =	rddreg [dreg:$0x12];
	[sflag:s5] =	ssyncadd.s32 $0xFFFFC000  }
0x1f6: {  	[hbm4b:s22+s3] =	stream.linear.scatter [tilespmem:s31], [sflag:$0x9], $0x4000, $0x38;
	[tilespmem:$0x1C000] =	vst v63  }
0x1f7: {  	_ =	swait.ge [sflag:s6], $0x4000  }
0x1f8: {  	[sflag:s6] =	ssyncset.done $0x0  }
0x1f9: {  	[sflag:s6] =	ssyncadd.s32 $0xFFFFC000  }
0x1fa: {  	_ =	swait.ge [sflag:s7], $0x4000  }
0x1fb: {  	[sflag:s7] =	ssyncset.done $0x0  }
0x1fc: {  	[sflag:s7] =	ssyncadd.s32 $0xFFFFC000  }
0x1fd: {  	[hbm4b:s20+s3] =	stream.linear.scatter [tilespmem:s2], [sflag:$0xA], $0x4000, $0x38;
	[tilespmem:$0x1C000] =	vst v63  }
0x1fe: {  	_ =	swait.ge [sflag:s8], $0x4000  }
0x1ff: {  	[sflag:s8] =	ssyncset.done $0x0  }
0x200: {  	s15 =	sadd.s32 $0x1, s15;
	[sflag:s8] =	ssyncadd.s32 $0xFFFFC000  }
0x201: {  	p0 =	sne.s32 s15, s21;
	_ =	swait.ge [sflag:s10], $0x4000  }
.Ltmp1:
0x202: {  	[sflag:s10] =	ssyncset.done $0x0;
	(pc) =	sbr.rel @p0 .LBB2_1-.Ltmp1, $4  }
0x203: {  	[sflag:s10] =	ssyncadd.s32 $0xFFFFC000  }
0x204: {  	_ =	swait.ge [sflag:s12], $0x4000  }
0x205: {  	[sflag:s12] =	ssyncset.done $0x0  }
0x206: {  	[sflag:s12] =	ssyncadd.s32 $0xFFFFC000  }
0x207: {  	_ =	sfence.sel $0x180000  }
0x208: {  	[bflag:$0x0] =	sbarrier.arrive $0xFFFF  }
0x209: {  	_ =	strace $0x90000047  }
0x20a: {  	s0 =	stileid.u32;
	[bflag:$0x2] =	sbarrier.arrive $0xFFFF  }
0x20b: {  	p0 =	sne.s32 s0, $0x0;
	s0 =	rddreg [dreg:$0x3]  }
0x20c: {  	s0 =	sadd.s32 @!p0 $0x100000, s0  }
0x20d: {  	[sflag:s0] =	ssyncadd.tile.s32 @!p0 $0x1;
	_ =	shalt  }
.Lfunc_end2:
_tile_overlayer_lowered:
.L_overlay_start_2:
0x20e: {  	(tag) =	ssettag $0x2  }
0x20f: {  	s0 =	rddreg [dreg:$0x0];
	s2 =	stileid.u32  }
0x210: {  	s1 =	rddreg [dreg:$0x1];
	p0 =	sne.s32 s2, $0x0  }
0x211: {  	s3 =	rddreg [dreg:$0x2];
	[bflag:$0x3] =	sbarrier.arrive $0xFFFF;
	s2 =	simm.s32 @!p0 $0x1C0D  }
0x212: {  	[timem:s3], [sflag:s2] =	dma.local @!p0 [hbm:s0], s1  }
0x213: {  	s0 =	simm.s32 @!p0 $0xD  }
0x214: {  	_ =	swait.ge @!p0 [sflag:s0], s1  }
0x215: {  	s1 =	ssub.s32 @!p0 $0x0, s1;
	[sflag:s0] =	ssyncset.done @!p0 $0x0  }
0x216: {  	[sflag:s0] =	ssyncadd.s32 @!p0 s1  }
0x217: {  	[bflag:$0x3] =	sbarrier.arrive $0xFFFF  }
0x218: {  	_ =	shalt  }

</sc_bundles>
